<compile_context>
chip_gen: v7x
topology: tpu7x:2x2x1
jax: 0.10.2.dev20260603
libtpu: 0.0.44.dev20260713+nightly
codegen_flags: <defaults>
</compile_context>

<pallas_src>
import functools

import jax
import jax.numpy as jnp
from jax import lax
from jax.experimental import pallas as pl
from jax.experimental.pallas import tpu as pltpu
from jax.experimental.pallas import tpu_sc as plsc

_NC = 2
_NS = 16
_NW = _NC * _NS
_LANES = 16
_PAD = 129


def kernel(x, token_table, pos_table):
    B, T = x.shape
    V, E = token_table.shape
    BB = B // 128
    TC = 4
    n_chunks = T // TC
    half = n_chunks // 2
    R = TC * 128

    xt = (x.T.astype(jnp.int32)
          .reshape(n_chunks, TC, BB, 128)
          .transpose(0, 2, 1, 3)
          .reshape(n_chunks, BB, R))

    mesh = plsc.VectorSubcoreMesh(core_axis_name="c", subcore_axis_name="s")

    @functools.partial(
        pl.kernel,
        mesh=mesh,
        compiler_params=pltpu.CompilerParams(
            use_tc_tiling_on_sc=False, needs_layout_passes=False),
        out_type=jax.ShapeDtypeStruct((T, E // 8, BB, 8, 128), jnp.float32),
        scratch_types=[
            pltpu.VMEM((T, E), jnp.float32),
            pltpu.VMEM((2, R), jnp.int32),
            pltpu.VMEM((2, R, E), jnp.float32),
            pltpu.VMEM((2, TC // 2, E // 8, 8, _PAD), jnp.float32),
            pltpu.SemaphoreType.DMA,
            pltpu.SemaphoreType.DMA,
            pltpu.SemaphoreType.DMA,
            pltpu.SemaphoreType.DMA,
            pltpu.SemaphoreType.DMA,
            pltpu.SemaphoreType.DMA,
        ],
    )
    def emb_kernel(xt_hbm, tok_hbm, pos_hbm, out_hbm,
                   pos_v, idx_v, rows_v, obuf, g0, g1, is0, is1, ss0, ss1):
        gsem = (g0, g1)
        isem = (is0, is1)
        ssem = (ss0, ss1)
        wid = lax.axis_index("s") * _NC + lax.axis_index("c")

        def idx_copy(i, b):
            return pltpu.make_async_copy(
                xt_hbm.at[i, wid], idx_v.at[b], isem[b])

        def gather_copy(b):
            return pltpu.make_async_copy(
                tok_hbm.at[idx_v.at[b]], rows_v.at[b], gsem[b])

        def store_copy(i, h2):
            return pltpu.make_async_copy(
                obuf.at[h2, :, :, :, pl.ds(0, 128)],
                out_hbm.at[pl.ds(i * TC + h2 * (TC // 2), TC // 2), :, wid],
                ssem[h2])

        pltpu.sync_copy(pos_hbm, pos_v)
        idx_copy(0, 0).start()
        idx_copy(0, 0).wait()
        gather_copy(0).start()
        idx_copy(1, 1).start()

        def process(i, b):
            @pl.when(i + 1 < n_chunks)
            def _():
                idx_copy(i + 1, 1 - b).wait()
                gather_copy(1 - b).start()

            gather_copy(b).wait()

            @pl.when(i + 2 < n_chunks)
            def _():
                idx_copy(i + 2, b).start()

            pos_regs = [
                [pos_v[i * TC + tl, pl.ds(c * _LANES, _LANES)]
                 for c in range(E // _LANES)]
                for tl in range(TC)
            ]

            for h2 in range(2):
                @pl.when(i >= 1)
                def _(h2=h2):
                    store_copy(i - 1, h2).wait()

                def r_body(r2, carry, h2=h2):
                    iota = lax.iota(jnp.int32, _LANES)
                    for dr in range(2):
                        r = r2 * 2 + dr
                        rsp = jnp.zeros((_LANES,), jnp.int32) + r
                        tls = (h2 * 2, h2 * 2 + 1)
                        vals = [
                            rows_v[b, tl * 128 + r,
                                   pl.ds(c * _LANES, _LANES)]
                            + pos_regs[tl][c]
                            for tl in tls for c in range(E // _LANES)
                        ]
                        k = 0
                        for tj in range(2):
                            for c in range(E // _LANES):
                                ev = iota + c * _LANES
                                plsc.store_scatter(
                                    obuf,
                                    [jnp.full((_LANES,), h2,
                                              dtype=jnp.int32),
                                     jnp.full((_LANES,), tj,
                                              dtype=jnp.int32),
                                     ev >> 3, ev & 7, rsp],
                                    vals[k])
                                k += 1
                    return carry

                lax.fori_loop(0, 64, r_body, 0)
                store_copy(i, h2).start()

        def pair_body(h, carry):
            process(2 * h, 0)
            process(2 * h + 1, 1)
            return carry

        lax.fori_loop(0, half, pair_body, 0)
        store_copy(n_chunks - 1, 0).wait()
        store_copy(n_chunks - 1, 1).wait()

    a = emb_kernel(xt, token_table, pos_table)
    return a.transpose(2, 4, 0, 1, 3).reshape(B, T, E)

# --- scband reference (transcript-rebuilt; emitter-appended) ---
"""Pipeline reference for scband-token-and-position-embedding-2508260901038 (READ-ONLY COPY).

The authoritative reference and input builder live on the scoring server;
editing this copy changes nothing except your own understanding.
"""

import jax, jax.numpy as jnp
import numpy as np

VOCAB = 100000
MAXLEN = 200
EMBED = 64
BATCH = 4096

def setup_inputs(seed: int = 0) -> dict:
    key = jax.random.key(seed)
    k1, k2, k3 = jax.random.split(key, 3)
    x = jax.random.randint(k1, (BATCH, MAXLEN), 0, VOCAB, dtype=jnp.int64 if jax.config.read('jax_enable_x64') else jnp.int32)
    token_table = jax.random.normal(k2, (VOCAB, EMBED), dtype=jnp.float32) * 0.02
    pos_table = jax.random.normal(k3, (MAXLEN, EMBED), dtype=jnp.float32) * 0.02
    return {"x": x, "token_table": token_table, "pos_table": pos_table}

def reference(x, token_table, pos_table):
    # maxlen = tf.shape(x)[-1]; positions = tf.range(0, maxlen)
    maxlen = x.shape[-1]
    positions = jnp.arange(maxlen)
    pos_emb = jnp.take(pos_table, positions, axis=0)      # [maxlen, embed]
    tok_emb = jnp.take(token_table, x, axis=0)            # [B, maxlen, embed]
    out = tok_emb + pos_emb[None, :, :]
    return out

if __name__ == "__main__":
    import jax
    _d = setup_inputs()
    print(jax.jit(kernel)(*tuple(_d.values())))

</pallas_src>

<mosaic_0001>
#map = affine_map<(d0, d1) -> (0, 0, 0)>
#map1 = affine_map<(d0, d1) -> (0, 0)>
#map2 = affine_map<(d0, d1) -> (0, 0, 0, 0, 0)>
module attributes {stable_mosaic.version = 14 : i64} {
  func.func @emb_kernel(%arg0: i32, %arg1: i32, %arg2: memref<50x32x512xi32, #tpu.memory_space<hbm>>, %arg3: memref<100000x64xf32, #tpu.memory_space<hbm>>, %arg4: memref<200x64xf32, #tpu.memory_space<hbm>>, %arg5: memref<200x8x32x8x128xf32, #tpu.memory_space<hbm>>, %arg6: memref<200x64xf32, #tpu.memory_space<vmem>>, %arg7: memref<2x512xi32, #tpu.memory_space<vmem>>, %arg8: memref<2x512x64xf32, #tpu.memory_space<vmem>>, %arg9: memref<2x2x8x8x129xf32, #tpu.memory_space<vmem>>, %arg10: memref<!tpu.dma_semaphore, #tpu.memory_space<semaphore_mem>>, %arg11: memref<!tpu.dma_semaphore, #tpu.memory_space<semaphore_mem>>, %arg12: memref<!tpu.dma_semaphore, #tpu.memory_space<semaphore_mem>>, %arg13: memref<!tpu.dma_semaphore, #tpu.memory_space<semaphore_mem>>, %arg14: memref<!tpu.dma_semaphore, #tpu.memory_space<semaphore_mem>>, %arg15: memref<!tpu.dma_semaphore, #tpu.memory_space<semaphore_mem>>) attributes {dimension_semantics = [#tpu.dimension_semantics<core_parallel>, #tpu.dimension_semantics<subcore_parallel>], iteration_bounds = array<i64: 2, 16>, scalar_prefetch = 0 : i64, scratch_operands = 10 : i64, tpu.core_type = #tpu.core_type<sc_vector_subcore>, window_params = [{transform_indices = #map}, {transform_indices = #map1}, {transform_indices = #map1}, {transform_indices = #map2}]} {
    %mul3A = arith.constant 2 : i32
    %mul3A_0 = arith.muli %arg1, %mul3A : i32
    %add3A = arith.addi %mul3A_0, %arg0 : i32
    "tpu.region"() ({
      %run_scoped3A = tpu.sem_alloc : memref<!tpu.dma_semaphore, #tpu.memory_space<semaphore_mem>>
      tpu.enqueue_dma source(%arg4 : memref<200x64xf32, #tpu.memory_space<hbm>>) target(%arg6 : memref<200x64xf32, #tpu.memory_space<vmem>>) target_semaphore(%run_scoped3A : memref<!tpu.dma_semaphore, #tpu.memory_space<semaphore_mem>>)
      tpu.wait_dma2 semaphore(%run_scoped3A : memref<!tpu.dma_semaphore, #tpu.memory_space<semaphore_mem>>) src(%arg4 : memref<200x64xf32, #tpu.memory_space<hbm>>) dst(%arg6 : memref<200x64xf32, #tpu.memory_space<vmem>>)
      tpu.yield
    }) : () -> ()
    %dma_start3A = arith.constant 0 : i32
    %dma_start3A_1 = arith.constant 0 : i32
    %dma_start3A_2 = arith.constant 0 : i32
    %dma_start3A_3 = tpu.memref_slice %arg7[%dma_start3A_1, %dma_start3A_2] : memref<2x512xi32, #tpu.memory_space<vmem>> -> memref<1x512xi32, #tpu.memory_space<vmem>>
    %dma_start3A_4 = tpu.memref_squeeze %dma_start3A_3 : memref<1x512xi32, #tpu.memory_space<vmem>> -> memref<512xi32, #tpu.memory_space<vmem>>
    %dma_start3A_5 = arith.constant 0 : i32
    %dma_start3A_6 = tpu.memref_slice %arg2[%dma_start3A, %add3A, %dma_start3A_5] : memref<50x32x512xi32, #tpu.memory_space<hbm>> -> memref<1x1x512xi32, #tpu.memory_space<hbm>>
    %dma_start3A_7 = tpu.memref_squeeze %dma_start3A_6 : memref<1x1x512xi32, #tpu.memory_space<hbm>> -> memref<512xi32, #tpu.memory_space<hbm>>
    %dma_start3A_8 = arith.constant 0 : i32
    %dma_start3A_9 = tpu.memref_slice %arg7[%dma_start3A_1, %dma_start3A_8] : memref<2x512xi32, #tpu.memory_space<vmem>> -> memref<1x512xi32, #tpu.memory_space<vmem>>
    %dma_start3A_10 = tpu.memref_squeeze %dma_start3A_9 : memref<1x512xi32, #tpu.memory_space<vmem>> -> memref<512xi32, #tpu.memory_space<vmem>>
    %dma_start3A_11 = arith.constant 0 : i32
    %dma_start3A_12 = tpu.memref_slice %arg2[%dma_start3A, %add3A, %dma_start3A_11] : memref<50x32x512xi32, #tpu.memory_space<hbm>> -> memref<1x1x512xi32, #tpu.memory_space<hbm>>
    %dma_start3A_13 = tpu.memref_squeeze %dma_start3A_12 : memref<1x1x512xi32, #tpu.memory_space<hbm>> -> memref<512xi32, #tpu.memory_space<hbm>>
    tpu.enqueue_dma source(%dma_start3A_13 : memref<512xi32, #tpu.memory_space<hbm>>) target(%dma_start3A_10 : memref<512xi32, #tpu.memory_space<vmem>>) target_semaphore(%arg12 : memref<!tpu.dma_semaphore, #tpu.memory_space<semaphore_mem>>)
    %dma_wait3A = arith.constant 0 : i32
    %dma_wait3A_14 = arith.constant 0 : i32
    %dma_wait3A_15 = arith.constant 0 : i32
    %dma_wait3A_16 = tpu.memref_slice %arg7[%dma_wait3A_14, %dma_wait3A_15] : memref<2x512xi32, #tpu.memory_space<vmem>> -> memref<1x512xi32, #tpu.memory_space<vmem>>
    %dma_wait3A_17 = tpu.memref_squeeze %dma_wait3A_16 : memref<1x512xi32, #tpu.memory_space<vmem>> -> memref<512xi32, #tpu.memory_space<vmem>>
    %dma_wait3A_18 = arith.constant 0 : i32
    %dma_wait3A_19 = tpu.memref_slice %arg2[%dma_wait3A, %add3A, %dma_wait3A_18] : memref<50x32x512xi32, #tpu.memory_space<hbm>> -> memref<1x1x512xi32, #tpu.memory_space<hbm>>
    %dma_wait3A_20 = tpu.memref_squeeze %dma_wait3A_19 : memref<1x1x512xi32, #tpu.memory_space<hbm>> -> memref<512xi32, #tpu.memory_space<hbm>>
    %dma_wait3A_21 = arith.constant 0 : i32
    %dma_wait3A_22 = tpu.memref_slice %arg7[%dma_wait3A_14, %dma_wait3A_21] : memref<2x512xi32, #tpu.memory_space<vmem>> -> memref<1x512xi32, #tpu.memory_space<vmem>>
    %dma_wait3A_23 = tpu.memref_squeeze %dma_wait3A_22 : memref<1x512xi32, #tpu.memory_space<vmem>> -> memref<512xi32, #tpu.memory_space<vmem>>
    %dma_wait3A_24 = arith.constant 0 : i32
    %dma_wait3A_25 = tpu.memref_slice %arg2[%dma_wait3A, %add3A, %dma_wait3A_24] : memref<50x32x512xi32, #tpu.memory_space<hbm>> -> memref<1x1x512xi32, #tpu.memory_space<hbm>>
    %dma_wait3A_26 = tpu.memref_squeeze %dma_wait3A_25 : memref<1x1x512xi32, #tpu.memory_space<hbm>> -> memref<512xi32, #tpu.memory_space<hbm>>
    tpu.wait_dma2 semaphore(%arg12 : memref<!tpu.dma_semaphore, #tpu.memory_space<semaphore_mem>>) src(%dma_wait3A_26 : memref<512xi32, #tpu.memory_space<hbm>>) dst(%dma_wait3A_23 : memref<512xi32, #tpu.memory_space<vmem>>)
    %dma_start3A_27 = arith.constant 0 : i32
    %dma_start3A_28 = arith.constant 0 : i32
    %dma_start3A_29 = arith.constant 0 : i32
    %dma_start3A_30 = arith.constant 0 : i32
    %dma_start3A_31 = tpu.memref_slice %arg8[%dma_start3A_28, %dma_start3A_29, %dma_start3A_30] : memref<2x512x64xf32, #tpu.memory_space<vmem>> -> memref<1x512x64xf32, #tpu.memory_space<vmem>>
    %dma_start3A_32 = tpu.memref_squeeze %dma_start3A_31 : memref<1x512x64xf32, #tpu.memory_space<vmem>> -> memref<512x64xf32, #tpu.memory_space<vmem>>
    %dma_start3A_33 = arith.constant 0 : i32
    %dma_start3A_34 = tpu.memref_slice %arg7[%dma_start3A_27, %dma_start3A_33] : memref<2x512xi32, #tpu.memory_space<vmem>> -> memref<1x512xi32, #tpu.memory_space<vmem>>
    %dma_start3A_35 = tpu.memref_squeeze %dma_start3A_34 : memref<1x512xi32, #tpu.memory_space<vmem>> -> memref<512xi32, #tpu.memory_space<vmem>>
    %dma_start3A_36 = arith.constant 0 : i32
    %dma_start3A_37 = arith.constant 0 : i32
    %dma_start3A_38 = tpu.memref_slice %arg3[%dma_start3A_36, %dma_start3A_37] : memref<100000x64xf32, #tpu.memory_space<hbm>> -> memref<100000x64xf32, #tpu.memory_space<hbm>>
    tpu.enqueue_indirect_dma source(%dma_start3A_38 : memref<100000x64xf32, #tpu.memory_space<hbm>>) target(%dma_start3A_32 : memref<512x64xf32, #tpu.memory_space<vmem>>) offsets(%dma_start3A_35 : memref<512xi32, #tpu.memory_space<vmem>>) semaphore(%arg10 : memref<!tpu.dma_semaphore, #tpu.memory_space<semaphore_mem>>)
    %dma_start3A_39 = arith.constant 1 : i32
    %dma_start3A_40 = arith.constant 1 : i32
    %dma_start3A_41 = arith.constant 0 : i32
    %dma_start3A_42 = tpu.memref_slice %arg7[%dma_start3A_40, %dma_start3A_41] : memref<2x512xi32, #tpu.memory_space<vmem>> -> memref<1x512xi32, #tpu.memory_space<vmem>>
    %dma_start3A_43 = tpu.memref_squeeze %dma_start3A_42 : memref<1x512xi32, #tpu.memory_space<vmem>> -> memref<512xi32, #tpu.memory_space<vmem>>
    %dma_start3A_44 = arith.constant 0 : i32
    %dma_start3A_45 = tpu.memref_slice %arg2[%dma_start3A_39, %add3A, %dma_start3A_44] : memref<50x32x512xi32, #tpu.memory_space<hbm>> -> memref<1x1x512xi32, #tpu.memory_space<hbm>>
    %dma_start3A_46 = tpu.memref_squeeze %dma_start3A_45 : memref<1x1x512xi32, #tpu.memory_space<hbm>> -> memref<512xi32, #tpu.memory_space<hbm>>
    %dma_start3A_47 = arith.constant 0 : i32
    %dma_start3A_48 = tpu.memref_slice %arg7[%dma_start3A_40, %dma_start3A_47] : memref<2x512xi32, #tpu.memory_space<vmem>> -> memref<1x512xi32, #tpu.memory_space<vmem>>
    %dma_start3A_49 = tpu.memref_squeeze %dma_start3A_48 : memref<1x512xi32, #tpu.memory_space<vmem>> -> memref<512xi32, #tpu.memory_space<vmem>>
    %dma_start3A_50 = arith.constant 0 : i32
    %dma_start3A_51 = tpu.memref_slice %arg2[%dma_start3A_39, %add3A, %dma_start3A_50] : memref<50x32x512xi32, #tpu.memory_space<hbm>> -> memref<1x1x512xi32, #tpu.memory_space<hbm>>
    %dma_start3A_52 = tpu.memref_squeeze %dma_start3A_51 : memref<1x1x512xi32, #tpu.memory_space<hbm>> -> memref<512xi32, #tpu.memory_space<hbm>>
    tpu.enqueue_dma source(%dma_start3A_52 : memref<512xi32, #tpu.memory_space<hbm>>) target(%dma_start3A_49 : memref<512xi32, #tpu.memory_space<vmem>>) target_semaphore(%arg13 : memref<!tpu.dma_semaphore, #tpu.memory_space<semaphore_mem>>)
    %scan3A = arith.constant 0 : i32
    %scan3A_53 = arith.constant 0 : i32
    %scan3A_54 = arith.constant 25 : i32
    %scan3A_55 = arith.addi %scan3A_53, %scan3A_54 : i32
    %scan3A_56 = arith.constant 1 : i32
    scf.for %scan3A_108 = %scan3A_53 to %scan3A_55 step %scan3A_56  : i32 {
      %mul3A_109 = arith.constant 2 : i32
      %mul3A_110 = arith.muli %mul3A_109, %scan3A_108 : i32
      %add3A_111 = arith.constant 1 : i32
      %add3A_112 = arith.addi %mul3A_110, %add3A_111 : i32
      %lt3A = arith.constant 50 : i32
      %lt3A_113 = arith.cmpi slt, %add3A_112, %lt3A : i32
      %convert_element_type3A = arith.extui %lt3A_113 : i1 to i32
      %cond3A = arith.constant 0 : i32
      %cond3A_114 = arith.cmpi ne, %convert_element_type3A, %cond3A : i32
      scf.if %cond3A_114 {
        %add3A_538 = arith.constant 1 : i32
        %add3A_539 = arith.addi %mul3A_110, %add3A_538 : i32
        %dma_wait3A_540 = arith.constant 1 : i32
        %dma_wait3A_541 = arith.constant 0 : i32
        %dma_wait3A_542 = tpu.memref_slice %arg7[%dma_wait3A_540, %dma_wait3A_541] : memref<2x512xi32, #tpu.memory_space<vmem>> -> memref<1x512xi32, #tpu.memory_space<vmem>>
        %dma_wait3A_543 = tpu.memref_squeeze %dma_wait3A_542 : memref<1x512xi32, #tpu.memory_space<vmem>> -> memref<512xi32, #tpu.memory_space<vmem>>
        %dma_wait3A_544 = arith.constant 0 : i32
        %dma_wait3A_545 = tpu.memref_slice %arg2[%add3A_539, %add3A, %dma_wait3A_544] : memref<50x32x512xi32, #tpu.memory_space<hbm>> -> memref<1x1x512xi32, #tpu.memory_space<hbm>>
        %dma_wait3A_546 = tpu.memref_squeeze %dma_wait3A_545 : memref<1x1x512xi32, #tpu.memory_space<hbm>> -> memref<512xi32, #tpu.memory_space<hbm>>
        %dma_wait3A_547 = arith.constant 0 : i32
        %dma_wait3A_548 = tpu.memref_slice %arg7[%dma_wait3A_540, %dma_wait3A_547] : memref<2x512xi32, #tpu.memory_space<vmem>> -> memref<1x512xi32, #tpu.memory_space<vmem>>
        %dma_wait3A_549 = tpu.memref_squeeze %dma_wait3A_548 : memref<1x512xi32, #tpu.memory_space<vmem>> -> memref<512xi32, #tpu.memory_space<vmem>>
        %dma_wait3A_550 = arith.constant 0 : i32
        %dma_wait3A_551 = tpu.memref_slice %arg2[%add3A_539, %add3A, %dma_wait3A_550] : memref<50x32x512xi32, #tpu.memory_space<hbm>> -> memref<1x1x512xi32, #tpu.memory_space<hbm>>
        %dma_wait3A_552 = tpu.memref_squeeze %dma_wait3A_551 : memref<1x1x512xi32, #tpu.memory_space<hbm>> -> memref<512xi32, #tpu.memory_space<hbm>>
        tpu.wait_dma2 semaphore(%arg13 : memref<!tpu.dma_semaphore, #tpu.memory_space<semaphore_mem>>) src(%dma_wait3A_552 : memref<512xi32, #tpu.memory_space<hbm>>) dst(%dma_wait3A_549 : memref<512xi32, #tpu.memory_space<vmem>>)
        %dma_start3A_553 = arith.constant 1 : i32
        %dma_start3A_554 = arith.constant 1 : i32
        %dma_start3A_555 = arith.constant 0 : i32
        %dma_start3A_556 = arith.constant 0 : i32
        %dma_start3A_557 = tpu.memref_slice %arg8[%dma_start3A_554, %dma_start3A_555, %dma_start3A_556] : memref<2x512x64xf32, #tpu.memory_space<vmem>> -> memref<1x512x64xf32, #tpu.memory_space<vmem>>
        %dma_start3A_558 = tpu.memref_squeeze %dma_start3A_557 : memref<1x512x64xf32, #tpu.memory_space<vmem>> -> memref<512x64xf32, #tpu.memory_space<vmem>>
        %dma_start3A_559 = arith.constant 0 : i32
        %dma_start3A_560 = tpu.memref_slice %arg7[%dma_start3A_553, %dma_start3A_559] : memref<2x512xi32, #tpu.memory_space<vmem>> -> memref<1x512xi32, #tpu.memory_space<vmem>>
        %dma_start3A_561 = tpu.memref_squeeze %dma_start3A_560 : memref<1x512xi32, #tpu.memory_space<vmem>> -> memref<512xi32, #tpu.memory_space<vmem>>
        %dma_start3A_562 = arith.constant 0 : i32
        %dma_start3A_563 = arith.constant 0 : i32
        %dma_start3A_564 = tpu.memref_slice %arg3[%dma_start3A_562, %dma_start3A_563] : memref<100000x64xf32, #tpu.memory_space<hbm>> -> memref<100000x64xf32, #tpu.memory_space<hbm>>
        tpu.enqueue_indirect_dma source(%dma_start3A_564 : memref<100000x64xf32, #tpu.memory_space<hbm>>) target(%dma_start3A_558 : memref<512x64xf32, #tpu.memory_space<vmem>>) offsets(%dma_start3A_561 : memref<512xi32, #tpu.memory_space<vmem>>) semaphore(%arg11 : memref<!tpu.dma_semaphore, #tpu.memory_space<semaphore_mem>>)
      } else {
      }
      %dma_wait3A_115 = arith.constant 0 : i32
      %dma_wait3A_116 = arith.constant 0 : i32
      %dma_wait3A_117 = arith.constant 0 : i32
      %dma_wait3A_118 = arith.constant 0 : i32
      %dma_wait3A_119 = tpu.memref_slice %arg8[%dma_wait3A_116, %dma_wait3A_117, %dma_wait3A_118] : memref<2x512x64xf32, #tpu.memory_space<vmem>> -> memref<1x512x64xf32, #tpu.memory_space<vmem>>
      %dma_wait3A_120 = tpu.memref_squeeze %dma_wait3A_119 : memref<1x512x64xf32, #tpu.memory_space<vmem>> -> memref<512x64xf32, #tpu.memory_space<vmem>>
      %dma_wait3A_121 = arith.constant 0 : i32
      %dma_wait3A_122 = tpu.memref_slice %arg7[%dma_wait3A_115, %dma_wait3A_121] : memref<2x512xi32, #tpu.memory_space<vmem>> -> memref<1x512xi32, #tpu.memory_space<vmem>>
      %dma_wait3A_123 = tpu.memref_squeeze %dma_wait3A_122 : memref<1x512xi32, #tpu.memory_space<vmem>> -> memref<512xi32, #tpu.memory_space<vmem>>
      %dma_wait3A_124 = arith.constant 0 : i32
      %dma_wait3A_125 = arith.constant 0 : i32
      %dma_wait3A_126 = tpu.memref_slice %arg3[%dma_wait3A_124, %dma_wait3A_125] : memref<100000x64xf32, #tpu.memory_space<hbm>> -> memref<100000x64xf32, #tpu.memory_space<hbm>>
      tpu.wait_indirect_dma semaphore(%arg10 : memref<!tpu.dma_semaphore, #tpu.memory_space<semaphore_mem>>) src(%dma_wait3A_126 : memref<100000x64xf32, #tpu.memory_space<hbm>>) dst(%dma_wait3A_120 : memref<512x64xf32, #tpu.memory_space<vmem>>)
      %add3A_127 = arith.constant 2 : i32
      %add3A_128 = arith.addi %mul3A_110, %add3A_127 : i32
      %lt3A_129 = arith.constant 50 : i32
      %lt3A_130 = arith.cmpi slt, %add3A_128, %lt3A_129 : i32
      %convert_element_type3A_131 = arith.extui %lt3A_130 : i1 to i32
      %cond3A_132 = arith.constant 0 : i32
      %cond3A_133 = arith.cmpi ne, %convert_element_type3A_131, %cond3A_132 : i32
      scf.if %cond3A_133 {
        %add3A_538 = arith.constant 2 : i32
        %add3A_539 = arith.addi %mul3A_110, %add3A_538 : i32
        %dma_start3A_540 = arith.constant 0 : i32
        %dma_start3A_541 = arith.constant 0 : i32
        %dma_start3A_542 = tpu.memref_slice %arg7[%dma_start3A_540, %dma_start3A_541] : memref<2x512xi32, #tpu.memory_space<vmem>> -> memref<1x512xi32, #tpu.memory_space<vmem>>
        %dma_start3A_543 = tpu.memref_squeeze %dma_start3A_542 : memref<1x512xi32, #tpu.memory_space<vmem>> -> memref<512xi32, #tpu.memory_space<vmem>>
        %dma_start3A_544 = arith.constant 0 : i32
        %dma_start3A_545 = tpu.memref_slice %arg2[%add3A_539, %add3A, %dma_start3A_544] : memref<50x32x512xi32, #tpu.memory_space<hbm>> -> memref<1x1x512xi32, #tpu.memory_space<hbm>>
        %dma_start3A_546 = tpu.memref_squeeze %dma_start3A_545 : memref<1x1x512xi32, #tpu.memory_space<hbm>> -> memref<512xi32, #tpu.memory_space<hbm>>
        %dma_start3A_547 = arith.constant 0 : i32
        %dma_start3A_548 = tpu.memref_slice %arg7[%dma_start3A_540, %dma_start3A_547] : memref<2x512xi32, #tpu.memory_space<vmem>> -> memref<1x512xi32, #tpu.memory_space<vmem>>
        %dma_start3A_549 = tpu.memref_squeeze %dma_start3A_548 : memref<1x512xi32, #tpu.memory_space<vmem>> -> memref<512xi32, #tpu.memory_space<vmem>>
        %dma_start3A_550 = arith.constant 0 : i32
        %dma_start3A_551 = tpu.memref_slice %arg2[%add3A_539, %add3A, %dma_start3A_550] : memref<50x32x512xi32, #tpu.memory_space<hbm>> -> memref<1x1x512xi32, #tpu.memory_space<hbm>>
        %dma_start3A_552 = tpu.memref_squeeze %dma_start3A_551 : memref<1x1x512xi32, #tpu.memory_space<hbm>> -> memref<512xi32, #tpu.memory_space<hbm>>
        tpu.enqueue_dma source(%dma_start3A_552 : memref<512xi32, #tpu.memory_space<hbm>>) target(%dma_start3A_549 : memref<512xi32, #tpu.memory_space<vmem>>) target_semaphore(%arg12 : memref<!tpu.dma_semaphore, #tpu.memory_space<semaphore_mem>>)
      } else {
      }
      %mul3A_134 = arith.constant 4 : i32
      %mul3A_135 = arith.muli %mul3A_110, %mul3A_134 : i32
      %add3A_136 = arith.constant 0 : i32
      %add3A_137 = arith.addi %mul3A_135, %add3A_136 : i32
      %get3A = arith.index_cast %add3A_137 : i32 to index
      %get3A_138 = arith.constant 0 : index
      %get3A_139 = tpu.vector_load %arg6[%get3A, %get3A_138] {strides = array<i32>} : memref<200x64xf32, #tpu.memory_space<vmem>>, vector<16xf32>,
      %mul3A_140 = arith.constant 4 : i32
      %mul3A_141 = arith.muli %mul3A_110, %mul3A_140 : i32
      %add3A_142 = arith.constant 0 : i32
      %add3A_143 = arith.addi %mul3A_141, %add3A_142 : i32
      %get3A_144 = arith.index_cast %add3A_143 : i32 to index
      %get3A_145 = arith.constant 16 : index
      %get3A_146 = tpu.vector_load %arg6[%get3A_144, %get3A_145] {strides = array<i32>} : memref<200x64xf32, #tpu.memory_space<vmem>>, vector<16xf32>,
      %mul3A_147 = arith.constant 4 : i32
      %mul3A_148 = arith.muli %mul3A_110, %mul3A_147 : i32
      %add3A_149 = arith.constant 0 : i32
      %add3A_150 = arith.addi %mul3A_148, %add3A_149 : i32
      %get3A_151 = arith.index_cast %add3A_150 : i32 to index
      %get3A_152 = arith.constant 32 : index
      %get3A_153 = tpu.vector_load %arg6[%get3A_151, %get3A_152] {strides = array<i32>} : memref<200x64xf32, #tpu.memory_space<vmem>>, vector<16xf32>,
      %mul3A_154 = arith.constant 4 : i32
      %mul3A_155 = arith.muli %mul3A_110, %mul3A_154 : i32
      %add3A_156 = arith.constant 0 : i32
      %add3A_157 = arith.addi %mul3A_155, %add3A_156 : i32
      %get3A_158 = arith.index_cast %add3A_157 : i32 to index
      %get3A_159 = arith.constant 48 : index
      %get3A_160 = tpu.vector_load %arg6[%get3A_158, %get3A_159] {strides = array<i32>} : memref<200x64xf32, #tpu.memory_space<vmem>>, vector<16xf32>,
      %mul3A_161 = arith.constant 4 : i32
      %mul3A_162 = arith.muli %mul3A_110, %mul3A_161 : i32
      %add3A_163 = arith.constant 1 : i32
      %add3A_164 = arith.addi %mul3A_162, %add3A_163 : i32
      %get3A_165 = arith.index_cast %add3A_164 : i32 to index
      %get3A_166 = arith.constant 0 : index
      %get3A_167 = tpu.vector_load %arg6[%get3A_165, %get3A_166] {strides = array<i32>} : memref<200x64xf32, #tpu.memory_space<vmem>>, vector<16xf32>,
      %mul3A_168 = arith.constant 4 : i32
      %mul3A_169 = arith.muli %mul3A_110, %mul3A_168 : i32
      %add3A_170 = arith.constant 1 : i32
      %add3A_171 = arith.addi %mul3A_169, %add3A_170 : i32
      %get3A_172 = arith.index_cast %add3A_171 : i32 to index
      %get3A_173 = arith.constant 16 : index
      %get3A_174 = tpu.vector_load %arg6[%get3A_172, %get3A_173] {strides = array<i32>} : memref<200x64xf32, #tpu.memory_space<vmem>>, vector<16xf32>,
      %mul3A_175 = arith.constant 4 : i32
      %mul3A_176 = arith.muli %mul3A_110, %mul3A_175 : i32
      %add3A_177 = arith.constant 1 : i32
      %add3A_178 = arith.addi %mul3A_176, %add3A_177 : i32
      %get3A_179 = arith.index_cast %add3A_178 : i32 to index
      %get3A_180 = arith.constant 32 : index
      %get3A_181 = tpu.vector_load %arg6[%get3A_179, %get3A_180] {strides = array<i32>} : memref<200x64xf32, #tpu.memory_space<vmem>>, vector<16xf32>,
      %mul3A_182 = arith.constant 4 : i32
      %mul3A_183 = arith.muli %mul3A_110, %mul3A_182 : i32
      %add3A_184 = arith.constant 1 : i32
      %add3A_185 = arith.addi %mul3A_183, %add3A_184 : i32
      %get3A_186 = arith.index_cast %add3A_185 : i32 to index
      %get3A_187 = arith.constant 48 : index
      %get3A_188 = tpu.vector_load %arg6[%get3A_186, %get3A_187] {strides = array<i32>} : memref<200x64xf32, #tpu.memory_space<vmem>>, vector<16xf32>,
      %mul3A_189 = arith.constant 4 : i32
      %mul3A_190 = arith.muli %mul3A_110, %mul3A_189 : i32
      %add3A_191 = arith.constant 2 : i32
      %add3A_192 = arith.addi %mul3A_190, %add3A_191 : i32
      %get3A_193 = arith.index_cast %add3A_192 : i32 to index
      %get3A_194 = arith.constant 0 : index
      %get3A_195 = tpu.vector_load %arg6[%get3A_193, %get3A_194] {strides = array<i32>} : memref<200x64xf32, #tpu.memory_space<vmem>>, vector<16xf32>,
      %mul3A_196 = arith.constant 4 : i32
      %mul3A_197 = arith.muli %mul3A_110, %mul3A_196 : i32
      %add3A_198 = arith.constant 2 : i32
      %add3A_199 = arith.addi %mul3A_197, %add3A_198 : i32
      %get3A_200 = arith.index_cast %add3A_199 : i32 to index
      %get3A_201 = arith.constant 16 : index
      %get3A_202 = tpu.vector_load %arg6[%get3A_200, %get3A_201] {strides = array<i32>} : memref<200x64xf32, #tpu.memory_space<vmem>>, vector<16xf32>,
      %mul3A_203 = arith.constant 4 : i32
      %mul3A_204 = arith.muli %mul3A_110, %mul3A_203 : i32
      %add3A_205 = arith.constant 2 : i32
      %add3A_206 = arith.addi %mul3A_204, %add3A_205 : i32
      %get3A_207 = arith.index_cast %add3A_206 : i32 to index
      %get3A_208 = arith.constant 32 : index
      %get3A_209 = tpu.vector_load %arg6[%get3A_207, %get3A_208] {strides = array<i32>} : memref<200x64xf32, #tpu.memory_space<vmem>>, vector<16xf32>,
      %mul3A_210 = arith.constant 4 : i32
      %mul3A_211 = arith.muli %mul3A_110, %mul3A_210 : i32
      %add3A_212 = arith.constant 2 : i32
      %add3A_213 = arith.addi %mul3A_211, %add3A_212 : i32
      %get3A_214 = arith.index_cast %add3A_213 : i32 to index
      %get3A_215 = arith.constant 48 : index
      %get3A_216 = tpu.vector_load %arg6[%get3A_214, %get3A_215] {strides = array<i32>} : memref<200x64xf32, #tpu.memory_space<vmem>>, vector<16xf32>,
      %mul3A_217 = arith.constant 4 : i32
      %mul3A_218 = arith.muli %mul3A_110, %mul3A_217 : i32
      %add3A_219 = arith.constant 3 : i32
      %add3A_220 = arith.addi %mul3A_218, %add3A_219 : i32
      %get3A_221 = arith.index_cast %add3A_220 : i32 to index
      %get3A_222 = arith.constant 0 : index
      %get3A_223 = tpu.vector_load %arg6[%get3A_221, %get3A_222] {strides = array<i32>} : memref<200x64xf32, #tpu.memory_space<vmem>>, vector<16xf32>,
      %mul3A_224 = arith.constant 4 : i32
      %mul3A_225 = arith.muli %mul3A_110, %mul3A_224 : i32
      %add3A_226 = arith.constant 3 : i32
      %add3A_227 = arith.addi %mul3A_225, %add3A_226 : i32
      %get3A_228 = arith.index_cast %add3A_227 : i32 to index
      %get3A_229 = arith.constant 16 : index
      %get3A_230 = tpu.vector_load %arg6[%get3A_228, %get3A_229] {strides = array<i32>} : memref<200x64xf32, #tpu.memory_space<vmem>>, vector<16xf32>,
      %mul3A_231 = arith.constant 4 : i32
      %mul3A_232 = arith.muli %mul3A_110, %mul3A_231 : i32
      %add3A_233 = arith.constant 3 : i32
      %add3A_234 = arith.addi %mul3A_232, %add3A_233 : i32
      %get3A_235 = arith.index_cast %add3A_234 : i32 to index
      %get3A_236 = arith.constant 32 : index
      %get3A_237 = tpu.vector_load %arg6[%get3A_235, %get3A_236] {strides = array<i32>} : memref<200x64xf32, #tpu.memory_space<vmem>>, vector<16xf32>,
      %mul3A_238 = arith.constant 4 : i32
      %mul3A_239 = arith.muli %mul3A_110, %mul3A_238 : i32
      %add3A_240 = arith.constant 3 : i32
      %add3A_241 = arith.addi %mul3A_239, %add3A_240 : i32
      %get3A_242 = arith.index_cast %add3A_241 : i32 to index
      %get3A_243 = arith.constant 48 : index
      %get3A_244 = tpu.vector_load %arg6[%get3A_242, %get3A_243] {strides = array<i32>} : memref<200x64xf32, #tpu.memory_space<vmem>>, vector<16xf32>,
      %ge3A = arith.constant 1 : i32
      %ge3A_245 = arith.cmpi sge, %mul3A_110, %ge3A : i32
      %convert_element_type3A_246 = arith.extui %ge3A_245 : i1 to i32
      %cond3A_247 = arith.constant 0 : i32
      %cond3A_248 = arith.cmpi ne, %convert_element_type3A_246, %cond3A_247 : i32
      scf.if %cond3A_248 {
        %sub3A = arith.constant 1 : i32
        %sub3A_538 = arith.subi %mul3A_110, %sub3A : i32
        %mul3A_539 = arith.constant 4 : i32
        %mul3A_540 = arith.muli %sub3A_538, %mul3A_539 : i32
        %add3A_541 = arith.constant 0 : i32
        %add3A_542 = arith.addi %mul3A_540, %add3A_541 : i32
        %dma_wait3A_543 = arith.constant 0 : i32
        %dma_wait3A_544 = arith.constant 0 : i32
        %dma_wait3A_545 = arith.constant 0 : i32
        %dma_wait3A_546 = arith.constant 0 : i32
        %dma_wait3A_547 = arith.constant 0 : i32
        %dma_wait3A_548 = tpu.memref_slice %arg9[%dma_wait3A_543, %dma_wait3A_544, %dma_wait3A_545, %dma_wait3A_546, %dma_wait3A_547] : memref<2x2x8x8x129xf32, #tpu.memory_space<vmem>> -> memref<1x2x8x8x128xf32, #tpu.memory_space<vmem>>
        %dma_wait3A_549 = tpu.memref_squeeze %dma_wait3A_548 : memref<1x2x8x8x128xf32, #tpu.memory_space<vmem>> -> memref<2x8x8x128xf32, #tpu.memory_space<vmem>>
        %dma_wait3A_550 = arith.constant 0 : i32
        %dma_wait3A_551 = arith.constant 0 : i32
        %dma_wait3A_552 = arith.constant 0 : i32
        %dma_wait3A_553 = tpu.memref_slice %arg5[%add3A_542, %dma_wait3A_550, %add3A, %dma_wait3A_551, %dma_wait3A_552] : memref<200x8x32x8x128xf32, #tpu.memory_space<hbm>> -> memref<2x8x1x8x128xf32, #tpu.memory_space<hbm>>
        %dma_wait3A_554 = tpu.memref_squeeze %dma_wait3A_553 : memref<2x8x1x8x128xf32, #tpu.memory_space<hbm>> -> memref<2x8x8x128xf32, #tpu.memory_space<hbm>>
        %dma_wait3A_555 = arith.constant 0 : i32
        %dma_wait3A_556 = arith.constant 0 : i32
        %dma_wait3A_557 = arith.constant 0 : i32
        %dma_wait3A_558 = tpu.memref_slice %arg5[%add3A_542, %dma_wait3A_555, %add3A, %dma_wait3A_556, %dma_wait3A_557] : memref<200x8x32x8x128xf32, #tpu.memory_space<hbm>> -> memref<2x8x1x8x128xf32, #tpu.memory_space<hbm>>
        %dma_wait3A_559 = tpu.memref_squeeze %dma_wait3A_558 : memref<2x8x1x8x128xf32, #tpu.memory_space<hbm>> -> memref<2x8x8x128xf32, #tpu.memory_space<hbm>>
        %dma_wait3A_560 = arith.constant 0 : i32
        %dma_wait3A_561 = arith.constant 0 : i32
        %dma_wait3A_562 = arith.constant 0 : i32
        %dma_wait3A_563 = arith.constant 0 : i32
        %dma_wait3A_564 = tpu.memref_slice %arg9[%dma_wait3A_543, %dma_wait3A_560, %dma_wait3A_561, %dma_wait3A_562, %dma_wait3A_563] : memref<2x2x8x8x129xf32, #tpu.memory_space<vmem>> -> memref<1x2x8x8x128xf32, #tpu.memory_space<vmem>>
        %dma_wait3A_565 = tpu.memref_squeeze %dma_wait3A_564 : memref<1x2x8x8x128xf32, #tpu.memory_space<vmem>> -> memref<2x8x8x128xf32, #tpu.memory_space<vmem>>
        tpu.wait_dma2 semaphore(%arg14 : memref<!tpu.dma_semaphore, #tpu.memory_space<semaphore_mem>>) src(%dma_wait3A_565 : memref<2x8x8x128xf32, #tpu.memory_space<vmem>>) dst(%dma_wait3A_559 : memref<2x8x8x128xf32, #tpu.memory_space<hbm>>)
      } else {
      }
      %scan3A_249 = arith.constant 0 : i32
      %scan3A_250 = arith.constant 0 : i32
      %scan3A_251 = arith.constant 64 : i32
      %scan3A_252 = arith.addi %scan3A_250, %scan3A_251 : i32
      %scan3A_253 = arith.constant 1 : i32
      scf.for %scan3A_538 = %scan3A_250 to %scan3A_252 step %scan3A_253  : i32 {
        %iota3A = tpu.iota {dimensions = array<i32: 0>} : vector<16xi32>
        %mul3A_539 = arith.constant 2 : i32
        %mul3A_540 = arith.muli %scan3A_538, %mul3A_539 : i32
        %add3A_541 = arith.constant 0 : i32
        %add3A_542 = arith.addi %mul3A_540, %add3A_541 : i32
        %broadcast_in_dim3A = arith.constant 0 : i32
        %broadcast_in_dim3A_543 = vector.broadcast %broadcast_in_dim3A : i32 to vector<16xi32>
        %add3A_544 = vector.broadcast %add3A_542 : i32 to vector<16xi32>
        %add3A_545 = arith.addi %broadcast_in_dim3A_543, %add3A_544 : vector<16xi32>
        %add3A_546 = arith.constant 0 : i32
        %add3A_547 = arith.addi %add3A_546, %add3A_542 : i32
        %get3A_548 = arith.constant 0 : i32
        %get3A_549 = arith.index_cast %get3A_548 : i32 to index
        %get3A_550 = arith.index_cast %add3A_547 : i32 to index
        %get3A_551 = arith.constant 0 : index
        %get3A_552 = tpu.vector_load %arg8[%get3A_549, %get3A_550, %get3A_551] {strides = array<i32>} : memref<2x512x64xf32, #tpu.memory_space<vmem>>, vector<16xf32>,
        %add3A_553 = arith.addf %get3A_552, %get3A_139 : vector<16xf32>
        %add3A_554 = arith.constant 0 : i32
        %add3A_555 = arith.addi %add3A_554, %add3A_542 : i32
        %get3A_556 = arith.constant 0 : i32
        %get3A_557 = arith.index_cast %get3A_556 : i32 to index
        %get3A_558 = arith.index_cast %add3A_555 : i32 to index
        %get3A_559 = arith.constant 16 : index
        %get3A_560 = tpu.vector_load %arg8[%get3A_557, %get3A_558, %get3A_559] {strides = array<i32>} : memref<2x512x64xf32, #tpu.memory_space<vmem>>, vector<16xf32>,
        %add3A_561 = arith.addf %get3A_560, %get3A_146 : vector<16xf32>
        %add3A_562 = arith.constant 0 : i32
        %add3A_563 = arith.addi %add3A_562, %add3A_542 : i32
        %get3A_564 = arith.constant 0 : i32
        %get3A_565 = arith.index_cast %get3A_564 : i32 to index
        %get3A_566 = arith.index_cast %add3A_563 : i32 to index
        %get3A_567 = arith.constant 32 : index
        %get3A_568 = tpu.vector_load %arg8[%get3A_565, %get3A_566, %get3A_567] {strides = array<i32>} : memref<2x512x64xf32, #tpu.memory_space<vmem>>, vector<16xf32>,
        %add3A_569 = arith.addf %get3A_568, %get3A_153 : vector<16xf32>
        %add3A_570 = arith.constant 0 : i32
        %add3A_571 = arith.addi %add3A_570, %add3A_542 : i32
        %get3A_572 = arith.constant 0 : i32
        %get3A_573 = arith.index_cast %get3A_572 : i32 to index
        %get3A_574 = arith.index_cast %add3A_571 : i32 to index
        %get3A_575 = arith.constant 48 : index
        %get3A_576 = tpu.vector_load %arg8[%get3A_573, %get3A_574, %get3A_575] {strides = array<i32>} : memref<2x512x64xf32, #tpu.memory_space<vmem>>, vector<16xf32>,
        %add3A_577 = arith.addf %get3A_576, %get3A_160 : vector<16xf32>
        %add3A_578 = arith.constant 128 : i32
        %add3A_579 = arith.addi %add3A_578, %add3A_542 : i32
        %get3A_580 = arith.constant 0 : i32
        %get3A_581 = arith.index_cast %get3A_580 : i32 to index
        %get3A_582 = arith.index_cast %add3A_579 : i32 to index
        %get3A_583 = arith.constant 0 : index
        %get3A_584 = tpu.vector_load %arg8[%get3A_581, %get3A_582, %get3A_583] {strides = array<i32>} : memref<2x512x64xf32, #tpu.memory_space<vmem>>, vector<16xf32>,
        %add3A_585 = arith.addf %get3A_584, %get3A_167 : vector<16xf32>
        %add3A_586 = arith.constant 128 : i32
        %add3A_587 = arith.addi %add3A_586, %add3A_542 : i32
        %get3A_588 = arith.constant 0 : i32
        %get3A_589 = arith.index_cast %get3A_588 : i32 to index
        %get3A_590 = arith.index_cast %add3A_587 : i32 to index
        %get3A_591 = arith.constant 16 : index
        %get3A_592 = tpu.vector_load %arg8[%get3A_589, %get3A_590, %get3A_591] {strides = array<i32>} : memref<2x512x64xf32, #tpu.memory_space<vmem>>, vector<16xf32>,
        %add3A_593 = arith.addf %get3A_592, %get3A_174 : vector<16xf32>
        %add3A_594 = arith.constant 128 : i32
        %add3A_595 = arith.addi %add3A_594, %add3A_542 : i32
        %get3A_596 = arith.constant 0 : i32
        %get3A_597 = arith.index_cast %get3A_596 : i32 to index
        %get3A_598 = arith.index_cast %add3A_595 : i32 to index
        %get3A_599 = arith.constant 32 : index
        %get3A_600 = tpu.vector_load %arg8[%get3A_597, %get3A_598, %get3A_599] {strides = array<i32>} : memref<2x512x64xf32, #tpu.memory_space<vmem>>, vector<16xf32>,
        %add3A_601 = arith.addf %get3A_600, %get3A_181 : vector<16xf32>
        %add3A_602 = arith.constant 128 : i32
        %add3A_603 = arith.addi %add3A_602, %add3A_542 : i32
        %get3A_604 = arith.constant 0 : i32
        %get3A_605 = arith.index_cast %get3A_604 : i32 to index
        %get3A_606 = arith.index_cast %add3A_603 : i32 to index
        %get3A_607 = arith.constant 48 : index
        %get3A_608 = tpu.vector_load %arg8[%get3A_605, %get3A_606, %get3A_607] {strides = array<i32>} : memref<2x512x64xf32, #tpu.memory_space<vmem>>, vector<16xf32>,
        %add3A_609 = arith.addf %get3A_608, %get3A_188 : vector<16xf32>
        %add3A_610 = arith.constant 0 : i32
        %add3A_611 = vector.broadcast %add3A_610 : i32 to vector<16xi32>
        %add3A_612 = arith.addi %iota3A, %add3A_611 : vector<16xi32>
        %broadcast_in_dim3A_613 = arith.constant 0 : i32
        %broadcast_in_dim3A_614 = vector.broadcast %broadcast_in_dim3A_613 : i32 to vector<16xi32>
        %broadcast_in_dim3A_615 = arith.constant 0 : i32
        %broadcast_in_dim3A_616 = vector.broadcast %broadcast_in_dim3A_615 : i32 to vector<16xi32>
        %shift_right_arithmetic3A = arith.constant 3 : i32
        %shift_right_arithmetic3A_617 = vector.broadcast %shift_right_arithmetic3A : i32 to vector<16xi32>
        %shift_right_arithmetic3A_618 = arith.shrsi %add3A_612, %shift_right_arithmetic3A_617 : vector<16xi32>
        %and3A = arith.constant 7 : i32
        %and3A_619 = vector.broadcast %and3A : i32 to vector<16xi32>
        %and3A_620 = arith.andi %add3A_612, %and3A_619 : vector<16xi32>
        tpu.vector_store_idx %arg9[%broadcast_in_dim3A_614, %broadcast_in_dim3A_616, %shift_right_arithmetic3A_618, %and3A_620, %add3A_545], %add3A_553 : memref<2x2x8x8x129xf32, #tpu.memory_space<vmem>>[vector<16xi32>, vector<16xi32>, vector<16xi32>, vector<16xi32>, vector<16xi32>], vector<16xf32>,
        %add3A_621 = arith.constant 16 : i32
        %add3A_622 = vector.broadcast %add3A_621 : i32 to vector<16xi32>
        %add3A_623 = arith.addi %iota3A, %add3A_622 : vector<16xi32>
        %broadcast_in_dim3A_624 = arith.constant 0 : i32
        %broadcast_in_dim3A_625 = vector.broadcast %broadcast_in_dim3A_624 : i32 to vector<16xi32>
        %broadcast_in_dim3A_626 = arith.constant 0 : i32
        %broadcast_in_dim3A_627 = vector.broadcast %broadcast_in_dim3A_626 : i32 to vector<16xi32>
        %shift_right_arithmetic3A_628 = arith.constant 3 : i32
        %shift_right_arithmetic3A_629 = vector.broadcast %shift_right_arithmetic3A_628 : i32 to vector<16xi32>
        %shift_right_arithmetic3A_630 = arith.shrsi %add3A_623, %shift_right_arithmetic3A_629 : vector<16xi32>
        %and3A_631 = arith.constant 7 : i32
        %and3A_632 = vector.broadcast %and3A_631 : i32 to vector<16xi32>
        %and3A_633 = arith.andi %add3A_623, %and3A_632 : vector<16xi32>
        tpu.vector_store_idx %arg9[%broadcast_in_dim3A_625, %broadcast_in_dim3A_627, %shift_right_arithmetic3A_630, %and3A_633, %add3A_545], %add3A_561 : memref<2x2x8x8x129xf32, #tpu.memory_space<vmem>>[vector<16xi32>, vector<16xi32>, vector<16xi32>, vector<16xi32>, vector<16xi32>], vector<16xf32>,
        %add3A_634 = arith.constant 32 : i32
        %add3A_635 = vector.broadcast %add3A_634 : i32 to vector<16xi32>
        %add3A_636 = arith.addi %iota3A, %add3A_635 : vector<16xi32>
        %broadcast_in_dim3A_637 = arith.constant 0 : i32
        %broadcast_in_dim3A_638 = vector.broadcast %broadcast_in_dim3A_637 : i32 to vector<16xi32>
        %broadcast_in_dim3A_639 = arith.constant 0 : i32
        %broadcast_in_dim3A_640 = vector.broadcast %broadcast_in_dim3A_639 : i32 to vector<16xi32>
        %shift_right_arithmetic3A_641 = arith.constant 3 : i32
        %shift_right_arithmetic3A_642 = vector.broadcast %shift_right_arithmetic3A_641 : i32 to vector<16xi32>
        %shift_right_arithmetic3A_643 = arith.shrsi %add3A_636, %shift_right_arithmetic3A_642 : vector<16xi32>
        %and3A_644 = arith.constant 7 : i32
        %and3A_645 = vector.broadcast %and3A_644 : i32 to vector<16xi32>
        %and3A_646 = arith.andi %add3A_636, %and3A_645 : vector<16xi32>
        tpu.vector_store_idx %arg9[%broadcast_in_dim3A_638, %broadcast_in_dim3A_640, %shift_right_arithmetic3A_643, %and3A_646, %add3A_545], %add3A_569 : memref<2x2x8x8x129xf32, #tpu.memory_space<vmem>>[vector<16xi32>, vector<16xi32>, vector<16xi32>, vector<16xi32>, vector<16xi32>], vector<16xf32>,
        %add3A_647 = arith.constant 48 : i32
        %add3A_648 = vector.broadcast %add3A_647 : i32 to vector<16xi32>
        %add3A_649 = arith.addi %iota3A, %add3A_648 : vector<16xi32>
        %broadcast_in_dim3A_650 = arith.constant 0 : i32
        %broadcast_in_dim3A_651 = vector.broadcast %broadcast_in_dim3A_650 : i32 to vector<16xi32>
        %broadcast_in_dim3A_652 = arith.constant 0 : i32
        %broadcast_in_dim3A_653 = vector.broadcast %broadcast_in_dim3A_652 : i32 to vector<16xi32>
        %shift_right_arithmetic3A_654 = arith.constant 3 : i32
        %shift_right_arithmetic3A_655 = vector.broadcast %shift_right_arithmetic3A_654 : i32 to vector<16xi32>
        %shift_right_arithmetic3A_656 = arith.shrsi %add3A_649, %shift_right_arithmetic3A_655 : vector<16xi32>
        %and3A_657 = arith.constant 7 : i32
        %and3A_658 = vector.broadcast %and3A_657 : i32 to vector<16xi32>
        %and3A_659 = arith.andi %add3A_649, %and3A_658 : vector<16xi32>
        tpu.vector_store_idx %arg9[%broadcast_in_dim3A_651, %broadcast_in_dim3A_653, %shift_right_arithmetic3A_656, %and3A_659, %add3A_545], %add3A_577 : memref<2x2x8x8x129xf32, #tpu.memory_space<vmem>>[vector<16xi32>, vector<16xi32>, vector<16xi32>, vector<16xi32>, vector<16xi32>], vector<16xf32>,
        %add3A_660 = arith.constant 0 : i32
        %add3A_661 = vector.broadcast %add3A_660 : i32 to vector<16xi32>
        %add3A_662 = arith.addi %iota3A, %add3A_661 : vector<16xi32>
        %broadcast_in_dim3A_663 = arith.constant 0 : i32
        %broadcast_in_dim3A_664 = vector.broadcast %broadcast_in_dim3A_663 : i32 to vector<16xi32>
        %broadcast_in_dim3A_665 = arith.constant 1 : i32
        %broadcast_in_dim3A_666 = vector.broadcast %broadcast_in_dim3A_665 : i32 to vector<16xi32>
        %shift_right_arithmetic3A_667 = arith.constant 3 : i32
        %shift_right_arithmetic3A_668 = vector.broadcast %shift_right_arithmetic3A_667 : i32 to vector<16xi32>
        %shift_right_arithmetic3A_669 = arith.shrsi %add3A_662, %shift_right_arithmetic3A_668 : vector<16xi32>
        %and3A_670 = arith.constant 7 : i32
        %and3A_671 = vector.broadcast %and3A_670 : i32 to vector<16xi32>
        %and3A_672 = arith.andi %add3A_662, %and3A_671 : vector<16xi32>
        tpu.vector_store_idx %arg9[%broadcast_in_dim3A_664, %broadcast_in_dim3A_666, %shift_right_arithmetic3A_669, %and3A_672, %add3A_545], %add3A_585 : memref<2x2x8x8x129xf32, #tpu.memory_space<vmem>>[vector<16xi32>, vector<16xi32>, vector<16xi32>, vector<16xi32>, vector<16xi32>], vector<16xf32>,
        %add3A_673 = arith.constant 16 : i32
        %add3A_674 = vector.broadcast %add3A_673 : i32 to vector<16xi32>
        %add3A_675 = arith.addi %iota3A, %add3A_674 : vector<16xi32>
        %broadcast_in_dim3A_676 = arith.constant 0 : i32
        %broadcast_in_dim3A_677 = vector.broadcast %broadcast_in_dim3A_676 : i32 to vector<16xi32>
        %broadcast_in_dim3A_678 = arith.constant 1 : i32
        %broadcast_in_dim3A_679 = vector.broadcast %broadcast_in_dim3A_678 : i32 to vector<16xi32>
        %shift_right_arithmetic3A_680 = arith.constant 3 : i32
        %shift_right_arithmetic3A_681 = vector.broadcast %shift_right_arithmetic3A_680 : i32 to vector<16xi32>
        %shift_right_arithmetic3A_682 = arith.shrsi %add3A_675, %shift_right_arithmetic3A_681 : vector<16xi32>
        %and3A_683 = arith.constant 7 : i32
        %and3A_684 = vector.broadcast %and3A_683 : i32 to vector<16xi32>
        %and3A_685 = arith.andi %add3A_675, %and3A_684 : vector<16xi32>
        tpu.vector_store_idx %arg9[%broadcast_in_dim3A_677, %broadcast_in_dim3A_679, %shift_right_arithmetic3A_682, %and3A_685, %add3A_545], %add3A_593 : memref<2x2x8x8x129xf32, #tpu.memory_space<vmem>>[vector<16xi32>, vector<16xi32>, vector<16xi32>, vector<16xi32>, vector<16xi32>], vector<16xf32>,
        %add3A_686 = arith.constant 32 : i32
        %add3A_687 = vector.broadcast %add3A_686 : i32 to vector<16xi32>
        %add3A_688 = arith.addi %iota3A, %add3A_687 : vector<16xi32>
        %broadcast_in_dim3A_689 = arith.constant 0 : i32
        %broadcast_in_dim3A_690 = vector.broadcast %broadcast_in_dim3A_689 : i32 to vector<16xi32>
        %broadcast_in_dim3A_691 = arith.constant 1 : i32
        %broadcast_in_dim3A_692 = vector.broadcast %broadcast_in_dim3A_691 : i32 to vector<16xi32>
        %shift_right_arithmetic3A_693 = arith.constant 3 : i32
        %shift_right_arithmetic3A_694 = vector.broadcast %shift_right_arithmetic3A_693 : i32 to vector<16xi32>
        %shift_right_arithmetic3A_695 = arith.shrsi %add3A_688, %shift_right_arithmetic3A_694 : vector<16xi32>
        %and3A_696 = arith.constant 7 : i32
        %and3A_697 = vector.broadcast %and3A_696 : i32 to vector<16xi32>
        %and3A_698 = arith.andi %add3A_688, %and3A_697 : vector<16xi32>
        tpu.vector_store_idx %arg9[%broadcast_in_dim3A_690, %broadcast_in_dim3A_692, %shift_right_arithmetic3A_695, %and3A_698, %add3A_545], %add3A_601 : memref<2x2x8x8x129xf32, #tpu.memory_space<vmem>>[vector<16xi32>, vector<16xi32>, vector<16xi32>, vector<16xi32>, vector<16xi32>], vector<16xf32>,
        %add3A_699 = arith.constant 48 : i32
        %add3A_700 = vector.broadcast %add3A_699 : i32 to vector<16xi32>
        %add3A_701 = arith.addi %iota3A, %add3A_700 : vector<16xi32>
        %broadcast_in_dim3A_702 = arith.constant 0 : i32
        %broadcast_in_dim3A_703 = vector.broadcast %broadcast_in_dim3A_702 : i32 to vector<16xi32>
        %broadcast_in_dim3A_704 = arith.constant 1 : i32
        %broadcast_in_dim3A_705 = vector.broadcast %broadcast_in_dim3A_704 : i32 to vector<16xi32>
        %shift_right_arithmetic3A_706 = arith.constant 3 : i32
        %shift_right_arithmetic3A_707 = vector.broadcast %shift_right_arithmetic3A_706 : i32 to vector<16xi32>
        %shift_right_arithmetic3A_708 = arith.shrsi %add3A_701, %shift_right_arithmetic3A_707 : vector<16xi32>
        %and3A_709 = arith.constant 7 : i32
        %and3A_710 = vector.broadcast %and3A_709 : i32 to vector<16xi32>
        %and3A_711 = arith.andi %add3A_701, %and3A_710 : vector<16xi32>
        tpu.vector_store_idx %arg9[%broadcast_in_dim3A_703, %broadcast_in_dim3A_705, %shift_right_arithmetic3A_708, %and3A_711, %add3A_545], %add3A_609 : memref<2x2x8x8x129xf32, #tpu.memory_space<vmem>>[vector<16xi32>, vector<16xi32>, vector<16xi32>, vector<16xi32>, vector<16xi32>], vector<16xf32>,
        %mul3A_712 = arith.constant 2 : i32
        %mul3A_713 = arith.muli %scan3A_538, %mul3A_712 : i32
        %add3A_714 = arith.constant 1 : i32
        %add3A_715 = arith.addi %mul3A_713, %add3A_714 : i32
        %broadcast_in_dim3A_716 = arith.constant 0 : i32
        %broadcast_in_dim3A_717 = vector.broadcast %broadcast_in_dim3A_716 : i32 to vector<16xi32>
        %add3A_718 = vector.broadcast %add3A_715 : i32 to vector<16xi32>
        %add3A_719 = arith.addi %broadcast_in_dim3A_717, %add3A_718 : vector<16xi32>
        %add3A_720 = arith.constant 0 : i32
        %add3A_721 = arith.addi %add3A_720, %add3A_715 : i32
        %get3A_722 = arith.constant 0 : i32
        %get3A_723 = arith.index_cast %get3A_722 : i32 to index
        %get3A_724 = arith.index_cast %add3A_721 : i32 to index
        %get3A_725 = arith.constant 0 : index
        %get3A_726 = tpu.vector_load %arg8[%get3A_723, %get3A_724, %get3A_725] {strides = array<i32>} : memref<2x512x64xf32, #tpu.memory_space<vmem>>, vector<16xf32>,
        %add3A_727 = arith.addf %get3A_726, %get3A_139 : vector<16xf32>
        %add3A_728 = arith.constant 0 : i32
        %add3A_729 = arith.addi %add3A_728, %add3A_715 : i32
        %get3A_730 = arith.constant 0 : i32
        %get3A_731 = arith.index_cast %get3A_730 : i32 to index
        %get3A_732 = arith.index_cast %add3A_729 : i32 to index
        %get3A_733 = arith.constant 16 : index
        %get3A_734 = tpu.vector_load %arg8[%get3A_731, %get3A_732, %get3A_733] {strides = array<i32>} : memref<2x512x64xf32, #tpu.memory_space<vmem>>, vector<16xf32>,
        %add3A_735 = arith.addf %get3A_734, %get3A_146 : vector<16xf32>
        %add3A_736 = arith.constant 0 : i32
        %add3A_737 = arith.addi %add3A_736, %add3A_715 : i32
        %get3A_738 = arith.constant 0 : i32
        %get3A_739 = arith.index_cast %get3A_738 : i32 to index
        %get3A_740 = arith.index_cast %add3A_737 : i32 to index
        %get3A_741 = arith.constant 32 : index
        %get3A_742 = tpu.vector_load %arg8[%get3A_739, %get3A_740, %get3A_741] {strides = array<i32>} : memref<2x512x64xf32, #tpu.memory_space<vmem>>, vector<16xf32>,
        %add3A_743 = arith.addf %get3A_742, %get3A_153 : vector<16xf32>
        %add3A_744 = arith.constant 0 : i32
        %add3A_745 = arith.addi %add3A_744, %add3A_715 : i32
        %get3A_746 = arith.constant 0 : i32
        %get3A_747 = arith.index_cast %get3A_746 : i32 to index
        %get3A_748 = arith.index_cast %add3A_745 : i32 to index
        %get3A_749 = arith.constant 48 : index
        %get3A_750 = tpu.vector_load %arg8[%get3A_747, %get3A_748, %get3A_749] {strides = array<i32>} : memref<2x512x64xf32, #tpu.memory_space<vmem>>, vector<16xf32>,
        %add3A_751 = arith.addf %get3A_750, %get3A_160 : vector<16xf32>
        %add3A_752 = arith.constant 128 : i32
        %add3A_753 = arith.addi %add3A_752, %add3A_715 : i32
        %get3A_754 = arith.constant 0 : i32
        %get3A_755 = arith.index_cast %get3A_754 : i32 to index
        %get3A_756 = arith.index_cast %add3A_753 : i32 to index
        %get3A_757 = arith.constant 0 : index
        %get3A_758 = tpu.vector_load %arg8[%get3A_755, %get3A_756, %get3A_757] {strides = array<i32>} : memref<2x512x64xf32, #tpu.memory_space<vmem>>, vector<16xf32>,
        %add3A_759 = arith.addf %get3A_758, %get3A_167 : vector<16xf32>
        %add3A_760 = arith.constant 128 : i32
        %add3A_761 = arith.addi %add3A_760, %add3A_715 : i32
        %get3A_762 = arith.constant 0 : i32
        %get3A_763 = arith.index_cast %get3A_762 : i32 to index
        %get3A_764 = arith.index_cast %add3A_761 : i32 to index
        %get3A_765 = arith.constant 16 : index
        %get3A_766 = tpu.vector_load %arg8[%get3A_763, %get3A_764, %get3A_765] {strides = array<i32>} : memref<2x512x64xf32, #tpu.memory_space<vmem>>, vector<16xf32>,
        %add3A_767 = arith.addf %get3A_766, %get3A_174 : vector<16xf32>
        %add3A_768 = arith.constant 128 : i32
        %add3A_769 = arith.addi %add3A_768, %add3A_715 : i32
        %get3A_770 = arith.constant 0 : i32
        %get3A_771 = arith.index_cast %get3A_770 : i32 to index
        %get3A_772 = arith.index_cast %add3A_769 : i32 to index
        %get3A_773 = arith.constant 32 : index
        %get3A_774 = tpu.vector_load %arg8[%get3A_771, %get3A_772, %get3A_773] {strides = array<i32>} : memref<2x512x64xf32, #tpu.memory_space<vmem>>, vector<16xf32>,
        %add3A_775 = arith.addf %get3A_774, %get3A_181 : vector<16xf32>
        %add3A_776 = arith.constant 128 : i32
        %add3A_777 = arith.addi %add3A_776, %add3A_715 : i32
        %get3A_778 = arith.constant 0 : i32
        %get3A_779 = arith.index_cast %get3A_778 : i32 to index
        %get3A_780 = arith.index_cast %add3A_777 : i32 to index
        %get3A_781 = arith.constant 48 : index
        %get3A_782 = tpu.vector_load %arg8[%get3A_779, %get3A_780, %get3A_781] {strides = array<i32>} : memref<2x512x64xf32, #tpu.memory_space<vmem>>, vector<16xf32>,
        %add3A_783 = arith.addf %get3A_782, %get3A_188 : vector<16xf32>
        %add3A_784 = arith.constant 0 : i32
        %add3A_785 = vector.broadcast %add3A_784 : i32 to vector<16xi32>
        %add3A_786 = arith.addi %iota3A, %add3A_785 : vector<16xi32>
        %broadcast_in_dim3A_787 = arith.constant 0 : i32
        %broadcast_in_dim3A_788 = vector.broadcast %broadcast_in_dim3A_787 : i32 to vector<16xi32>
        %broadcast_in_dim3A_789 = arith.constant 0 : i32
        %broadcast_in_dim3A_790 = vector.broadcast %broadcast_in_dim3A_789 : i32 to vector<16xi32>
        %shift_right_arithmetic3A_791 = arith.constant 3 : i32
        %shift_right_arithmetic3A_792 = vector.broadcast %shift_right_arithmetic3A_791 : i32 to vector<16xi32>
        %shift_right_arithmetic3A_793 = arith.shrsi %add3A_786, %shift_right_arithmetic3A_792 : vector<16xi32>
        %and3A_794 = arith.constant 7 : i32
        %and3A_795 = vector.broadcast %and3A_794 : i32 to vector<16xi32>
        %and3A_796 = arith.andi %add3A_786, %and3A_795 : vector<16xi32>
        tpu.vector_store_idx %arg9[%broadcast_in_dim3A_788, %broadcast_in_dim3A_790, %shift_right_arithmetic3A_793, %and3A_796, %add3A_719], %add3A_727 : memref<2x2x8x8x129xf32, #tpu.memory_space<vmem>>[vector<16xi32>, vector<16xi32>, vector<16xi32>, vector<16xi32>, vector<16xi32>], vector<16xf32>,
        %add3A_797 = arith.constant 16 : i32
        %add3A_798 = vector.broadcast %add3A_797 : i32 to vector<16xi32>
        %add3A_799 = arith.addi %iota3A, %add3A_798 : vector<16xi32>
        %broadcast_in_dim3A_800 = arith.constant 0 : i32
        %broadcast_in_dim3A_801 = vector.broadcast %broadcast_in_dim3A_800 : i32 to vector<16xi32>
        %broadcast_in_dim3A_802 = arith.constant 0 : i32
        %broadcast_in_dim3A_803 = vector.broadcast %broadcast_in_dim3A_802 : i32 to vector<16xi32>
        %shift_right_arithmetic3A_804 = arith.constant 3 : i32
        %shift_right_arithmetic3A_805 = vector.broadcast %shift_right_arithmetic3A_804 : i32 to vector<16xi32>
        %shift_right_arithmetic3A_806 = arith.shrsi %add3A_799, %shift_right_arithmetic3A_805 : vector<16xi32>
        %and3A_807 = arith.constant 7 : i32
        %and3A_808 = vector.broadcast %and3A_807 : i32 to vector<16xi32>
        %and3A_809 = arith.andi %add3A_799, %and3A_808 : vector<16xi32>
        tpu.vector_store_idx %arg9[%broadcast_in_dim3A_801, %broadcast_in_dim3A_803, %shift_right_arithmetic3A_806, %and3A_809, %add3A_719], %add3A_735 : memref<2x2x8x8x129xf32, #tpu.memory_space<vmem>>[vector<16xi32>, vector<16xi32>, vector<16xi32>, vector<16xi32>, vector<16xi32>], vector<16xf32>,
        %add3A_810 = arith.constant 32 : i32
        %add3A_811 = vector.broadcast %add3A_810 : i32 to vector<16xi32>
        %add3A_812 = arith.addi %iota3A, %add3A_811 : vector<16xi32>
        %broadcast_in_dim3A_813 = arith.constant 0 : i32
        %broadcast_in_dim3A_814 = vector.broadcast %broadcast_in_dim3A_813 : i32 to vector<16xi32>
        %broadcast_in_dim3A_815 = arith.constant 0 : i32
        %broadcast_in_dim3A_816 = vector.broadcast %broadcast_in_dim3A_815 : i32 to vector<16xi32>
        %shift_right_arithmetic3A_817 = arith.constant 3 : i32
        %shift_right_arithmetic3A_818 = vector.broadcast %shift_right_arithmetic3A_817 : i32 to vector<16xi32>
        %shift_right_arithmetic3A_819 = arith.shrsi %add3A_812, %shift_right_arithmetic3A_818 : vector<16xi32>
        %and3A_820 = arith.constant 7 : i32
        %and3A_821 = vector.broadcast %and3A_820 : i32 to vector<16xi32>
        %and3A_822 = arith.andi %add3A_812, %and3A_821 : vector<16xi32>
        tpu.vector_store_idx %arg9[%broadcast_in_dim3A_814, %broadcast_in_dim3A_816, %shift_right_arithmetic3A_819, %and3A_822, %add3A_719], %add3A_743 : memref<2x2x8x8x129xf32, #tpu.memory_space<vmem>>[vector<16xi32>, vector<16xi32>, vector<16xi32>, vector<16xi32>, vector<16xi32>], vector<16xf32>,
        %add3A_823 = arith.constant 48 : i32
        %add3A_824 = vector.broadcast %add3A_823 : i32 to vector<16xi32>
        %add3A_825 = arith.addi %iota3A, %add3A_824 : vector<16xi32>
        %broadcast_in_dim3A_826 = arith.constant 0 : i32
        %broadcast_in_dim3A_827 = vector.broadcast %broadcast_in_dim3A_826 : i32 to vector<16xi32>
        %broadcast_in_dim3A_828 = arith.constant 0 : i32
        %broadcast_in_dim3A_829 = vector.broadcast %broadcast_in_dim3A_828 : i32 to vector<16xi32>
        %shift_right_arithmetic3A_830 = arith.constant 3 : i32
        %shift_right_arithmetic3A_831 = vector.broadcast %shift_right_arithmetic3A_830 : i32 to vector<16xi32>
        %shift_right_arithmetic3A_832 = arith.shrsi %add3A_825, %shift_right_arithmetic3A_831 : vector<16xi32>
        %and3A_833 = arith.constant 7 : i32
        %and3A_834 = vector.broadcast %and3A_833 : i32 to vector<16xi32>
        %and3A_835 = arith.andi %add3A_825, %and3A_834 : vector<16xi32>
        tpu.vector_store_idx %arg9[%broadcast_in_dim3A_827, %broadcast_in_dim3A_829, %shift_right_arithmetic3A_832, %and3A_835, %add3A_719], %add3A_751 : memref<2x2x8x8x129xf32, #tpu.memory_space<vmem>>[vector<16xi32>, vector<16xi32>, vector<16xi32>, vector<16xi32>, vector<16xi32>], vector<16xf32>,
        %add3A_836 = arith.constant 0 : i32
        %add3A_837 = vector.broadcast %add3A_836 : i32 to vector<16xi32>
        %add3A_838 = arith.addi %iota3A, %add3A_837 : vector<16xi32>
        %broadcast_in_dim3A_839 = arith.constant 0 : i32
        %broadcast_in_dim3A_840 = vector.broadcast %broadcast_in_dim3A_839 : i32 to vector<16xi32>
        %broadcast_in_dim3A_841 = arith.constant 1 : i32
        %broadcast_in_dim3A_842 = vector.broadcast %broadcast_in_dim3A_841 : i32 to vector<16xi32>
        %shift_right_arithmetic3A_843 = arith.constant 3 : i32
        %shift_right_arithmetic3A_844 = vector.broadcast %shift_right_arithmetic3A_843 : i32 to vector<16xi32>
        %shift_right_arithmetic3A_845 = arith.shrsi %add3A_838, %shift_right_arithmetic3A_844 : vector<16xi32>
        %and3A_846 = arith.constant 7 : i32
        %and3A_847 = vector.broadcast %and3A_846 : i32 to vector<16xi32>
        %and3A_848 = arith.andi %add3A_838, %and3A_847 : vector<16xi32>
        tpu.vector_store_idx %arg9[%broadcast_in_dim3A_840, %broadcast_in_dim3A_842, %shift_right_arithmetic3A_845, %and3A_848, %add3A_719], %add3A_759 : memref<2x2x8x8x129xf32, #tpu.memory_space<vmem>>[vector<16xi32>, vector<16xi32>, vector<16xi32>, vector<16xi32>, vector<16xi32>], vector<16xf32>,
        %add3A_849 = arith.constant 16 : i32
        %add3A_850 = vector.broadcast %add3A_849 : i32 to vector<16xi32>
        %add3A_851 = arith.addi %iota3A, %add3A_850 : vector<16xi32>
        %broadcast_in_dim3A_852 = arith.constant 0 : i32
        %broadcast_in_dim3A_853 = vector.broadcast %broadcast_in_dim3A_852 : i32 to vector<16xi32>
        %broadcast_in_dim3A_854 = arith.constant 1 : i32
        %broadcast_in_dim3A_855 = vector.broadcast %broadcast_in_dim3A_854 : i32 to vector<16xi32>
        %shift_right_arithmetic3A_856 = arith.constant 3 : i32
        %shift_right_arithmetic3A_857 = vector.broadcast %shift_right_arithmetic3A_856 : i32 to vector<16xi32>
        %shift_right_arithmetic3A_858 = arith.shrsi %add3A_851, %shift_right_arithmetic3A_857 : vector<16xi32>
        %and3A_859 = arith.constant 7 : i32
        %and3A_860 = vector.broadcast %and3A_859 : i32 to vector<16xi32>
        %and3A_861 = arith.andi %add3A_851, %and3A_860 : vector<16xi32>
        tpu.vector_store_idx %arg9[%broadcast_in_dim3A_853, %broadcast_in_dim3A_855, %shift_right_arithmetic3A_858, %and3A_861, %add3A_719], %add3A_767 : memref<2x2x8x8x129xf32, #tpu.memory_space<vmem>>[vector<16xi32>, vector<16xi32>, vector<16xi32>, vector<16xi32>, vector<16xi32>], vector<16xf32>,
        %add3A_862 = arith.constant 32 : i32
        %add3A_863 = vector.broadcast %add3A_862 : i32 to vector<16xi32>
        %add3A_864 = arith.addi %iota3A, %add3A_863 : vector<16xi32>
        %broadcast_in_dim3A_865 = arith.constant 0 : i32
        %broadcast_in_dim3A_866 = vector.broadcast %broadcast_in_dim3A_865 : i32 to vector<16xi32>
        %broadcast_in_dim3A_867 = arith.constant 1 : i32
        %broadcast_in_dim3A_868 = vector.broadcast %broadcast_in_dim3A_867 : i32 to vector<16xi32>
        %shift_right_arithmetic3A_869 = arith.constant 3 : i32
        %shift_right_arithmetic3A_870 = vector.broadcast %shift_right_arithmetic3A_869 : i32 to vector<16xi32>
        %shift_right_arithmetic3A_871 = arith.shrsi %add3A_864, %shift_right_arithmetic3A_870 : vector<16xi32>
        %and3A_872 = arith.constant 7 : i32
        %and3A_873 = vector.broadcast %and3A_872 : i32 to vector<16xi32>
        %and3A_874 = arith.andi %add3A_864, %and3A_873 : vector<16xi32>
        tpu.vector_store_idx %arg9[%broadcast_in_dim3A_866, %broadcast_in_dim3A_868, %shift_right_arithmetic3A_871, %and3A_874, %add3A_719], %add3A_775 : memref<2x2x8x8x129xf32, #tpu.memory_space<vmem>>[vector<16xi32>, vector<16xi32>, vector<16xi32>, vector<16xi32>, vector<16xi32>], vector<16xf32>,
        %add3A_875 = arith.constant 48 : i32
        %add3A_876 = vector.broadcast %add3A_875 : i32 to vector<16xi32>
        %add3A_877 = arith.addi %iota3A, %add3A_876 : vector<16xi32>
        %broadcast_in_dim3A_878 = arith.constant 0 : i32
        %broadcast_in_dim3A_879 = vector.broadcast %broadcast_in_dim3A_878 : i32 to vector<16xi32>
        %broadcast_in_dim3A_880 = arith.constant 1 : i32
        %broadcast_in_dim3A_881 = vector.broadcast %broadcast_in_dim3A_880 : i32 to vector<16xi32>
        %shift_right_arithmetic3A_882 = arith.constant 3 : i32
        %shift_right_arithmetic3A_883 = vector.broadcast %shift_right_arithmetic3A_882 : i32 to vector<16xi32>
        %shift_right_arithmetic3A_884 = arith.shrsi %add3A_877, %shift_right_arithmetic3A_883 : vector<16xi32>
        %and3A_885 = arith.constant 7 : i32
        %and3A_886 = vector.broadcast %and3A_885 : i32 to vector<16xi32>
        %and3A_887 = arith.andi %add3A_877, %and3A_886 : vector<16xi32>
        tpu.vector_store_idx %arg9[%broadcast_in_dim3A_879, %broadcast_in_dim3A_881, %shift_right_arithmetic3A_884, %and3A_887, %add3A_719], %add3A_783 : memref<2x2x8x8x129xf32, #tpu.memory_space<vmem>>[vector<16xi32>, vector<16xi32>, vector<16xi32>, vector<16xi32>, vector<16xi32>], vector<16xf32>,
      }
      %scan3A_254 = arith.constant 64 : i32
      %mul3A_255 = arith.constant 4 : i32
      %mul3A_256 = arith.muli %mul3A_110, %mul3A_255 : i32
      %add3A_257 = arith.constant 0 : i32
      %add3A_258 = arith.addi %mul3A_256, %add3A_257 : i32
      %dma_start3A_259 = arith.constant 0 : i32
      %dma_start3A_260 = arith.constant 0 : i32
      %dma_start3A_261 = arith.constant 0 : i32
      %dma_start3A_262 = arith.constant 0 : i32
      %dma_start3A_263 = arith.constant 0 : i32
      %dma_start3A_264 = tpu.memref_slice %arg9[%dma_start3A_259, %dma_start3A_260, %dma_start3A_261, %dma_start3A_262, %dma_start3A_263] : memref<2x2x8x8x129xf32, #tpu.memory_space<vmem>> -> memref<1x2x8x8x128xf32, #tpu.memory_space<vmem>>
      %dma_start3A_265 = tpu.memref_squeeze %dma_start3A_264 : memref<1x2x8x8x128xf32, #tpu.memory_space<vmem>> -> memref<2x8x8x128xf32, #tpu.memory_space<vmem>>
      %dma_start3A_266 = arith.constant 0 : i32
      %dma_start3A_267 = arith.constant 0 : i32
      %dma_start3A_268 = arith.constant 0 : i32
      %dma_start3A_269 = tpu.memref_slice %arg5[%add3A_258, %dma_start3A_266, %add3A, %dma_start3A_267, %dma_start3A_268] : memref<200x8x32x8x128xf32, #tpu.memory_space<hbm>> -> memref<2x8x1x8x128xf32, #tpu.memory_space<hbm>>
      %dma_start3A_270 = tpu.memref_squeeze %dma_start3A_269 : memref<2x8x1x8x128xf32, #tpu.memory_space<hbm>> -> memref<2x8x8x128xf32, #tpu.memory_space<hbm>>
      %dma_start3A_271 = arith.constant 0 : i32
      %dma_start3A_272 = arith.constant 0 : i32
      %dma_start3A_273 = arith.constant 0 : i32
      %dma_start3A_274 = tpu.memref_slice %arg5[%add3A_258, %dma_start3A_271, %add3A, %dma_start3A_272, %dma_start3A_273] : memref<200x8x32x8x128xf32, #tpu.memory_space<hbm>> -> memref<2x8x1x8x128xf32, #tpu.memory_space<hbm>>
      %dma_start3A_275 = tpu.memref_squeeze %dma_start3A_274 : memref<2x8x1x8x128xf32, #tpu.memory_space<hbm>> -> memref<2x8x8x128xf32, #tpu.memory_space<hbm>>
      %dma_start3A_276 = arith.constant 0 : i32
      %dma_start3A_277 = arith.constant 0 : i32
      %dma_start3A_278 = arith.constant 0 : i32
      %dma_start3A_279 = arith.constant 0 : i32
      %dma_start3A_280 = tpu.memref_slice %arg9[%dma_start3A_259, %dma_start3A_276, %dma_start3A_277, %dma_start3A_278, %dma_start3A_279] : memref<2x2x8x8x129xf32, #tpu.memory_space<vmem>> -> memref<1x2x8x8x128xf32, #tpu.memory_space<vmem>>
      %dma_start3A_281 = tpu.memref_squeeze %dma_start3A_280 : memref<1x2x8x8x128xf32, #tpu.memory_space<vmem>> -> memref<2x8x8x128xf32, #tpu.memory_space<vmem>>
      tpu.enqueue_dma source(%dma_start3A_281 : memref<2x8x8x128xf32, #tpu.memory_space<vmem>>) target(%dma_start3A_275 : memref<2x8x8x128xf32, #tpu.memory_space<hbm>>) target_semaphore(%arg14 : memref<!tpu.dma_semaphore, #tpu.memory_space<semaphore_mem>>)
      %ge3A_282 = arith.constant 1 : i32
      %ge3A_283 = arith.cmpi sge, %mul3A_110, %ge3A_282 : i32
      %convert_element_type3A_284 = arith.extui %ge3A_283 : i1 to i32
      %cond3A_285 = arith.constant 0 : i32
      %cond3A_286 = arith.cmpi ne, %convert_element_type3A_284, %cond3A_285 : i32
      scf.if %cond3A_286 {
        %sub3A = arith.constant 1 : i32
        %sub3A_538 = arith.subi %mul3A_110, %sub3A : i32
        %mul3A_539 = arith.constant 4 : i32
        %mul3A_540 = arith.muli %sub3A_538, %mul3A_539 : i32
        %add3A_541 = arith.constant 2 : i32
        %add3A_542 = arith.addi %mul3A_540, %add3A_541 : i32
        %dma_wait3A_543 = arith.constant 1 : i32
        %dma_wait3A_544 = arith.constant 0 : i32
        %dma_wait3A_545 = arith.constant 0 : i32
        %dma_wait3A_546 = arith.constant 0 : i32
        %dma_wait3A_547 = arith.constant 0 : i32
        %dma_wait3A_548 = tpu.memref_slice %arg9[%dma_wait3A_543, %dma_wait3A_544, %dma_wait3A_545, %dma_wait3A_546, %dma_wait3A_547] : memref<2x2x8x8x129xf32, #tpu.memory_space<vmem>> -> memref<1x2x8x8x128xf32, #tpu.memory_space<vmem>>
        %dma_wait3A_549 = tpu.memref_squeeze %dma_wait3A_548 : memref<1x2x8x8x128xf32, #tpu.memory_space<vmem>> -> memref<2x8x8x128xf32, #tpu.memory_space<vmem>>
        %dma_wait3A_550 = arith.constant 0 : i32
        %dma_wait3A_551 = arith.constant 0 : i32
        %dma_wait3A_552 = arith.constant 0 : i32
        %dma_wait3A_553 = tpu.memref_slice %arg5[%add3A_542, %dma_wait3A_550, %add3A, %dma_wait3A_551, %dma_wait3A_552] : memref<200x8x32x8x128xf32, #tpu.memory_space<hbm>> -> memref<2x8x1x8x128xf32, #tpu.memory_space<hbm>>
        %dma_wait3A_554 = tpu.memref_squeeze %dma_wait3A_553 : memref<2x8x1x8x128xf32, #tpu.memory_space<hbm>> -> memref<2x8x8x128xf32, #tpu.memory_space<hbm>>
        %dma_wait3A_555 = arith.constant 0 : i32
        %dma_wait3A_556 = arith.constant 0 : i32
        %dma_wait3A_557 = arith.constant 0 : i32
        %dma_wait3A_558 = tpu.memref_slice %arg5[%add3A_542, %dma_wait3A_555, %add3A, %dma_wait3A_556, %dma_wait3A_557] : memref<200x8x32x8x128xf32, #tpu.memory_space<hbm>> -> memref<2x8x1x8x128xf32, #tpu.memory_space<hbm>>
        %dma_wait3A_559 = tpu.memref_squeeze %dma_wait3A_558 : memref<2x8x1x8x128xf32, #tpu.memory_space<hbm>> -> memref<2x8x8x128xf32, #tpu.memory_space<hbm>>
        %dma_wait3A_560 = arith.constant 0 : i32
        %dma_wait3A_561 = arith.constant 0 : i32
        %dma_wait3A_562 = arith.constant 0 : i32
        %dma_wait3A_563 = arith.constant 0 : i32
        %dma_wait3A_564 = tpu.memref_slice %arg9[%dma_wait3A_543, %dma_wait3A_560, %dma_wait3A_561, %dma_wait3A_562, %dma_wait3A_563] : memref<2x2x8x8x129xf32, #tpu.memory_space<vmem>> -> memref<1x2x8x8x128xf32, #tpu.memory_space<vmem>>
        %dma_wait3A_565 = tpu.memref_squeeze %dma_wait3A_564 : memref<1x2x8x8x128xf32, #tpu.memory_space<vmem>> -> memref<2x8x8x128xf32, #tpu.memory_space<vmem>>
        tpu.wait_dma2 semaphore(%arg15 : memref<!tpu.dma_semaphore, #tpu.memory_space<semaphore_mem>>) src(%dma_wait3A_565 : memref<2x8x8x128xf32, #tpu.memory_space<vmem>>) dst(%dma_wait3A_559 : memref<2x8x8x128xf32, #tpu.memory_space<hbm>>)
      } else {
      }
      %scan3A_287 = arith.constant 0 : i32
      %scan3A_288 = arith.constant 0 : i32
      %scan3A_289 = arith.constant 64 : i32
      %scan3A_290 = arith.addi %scan3A_288, %scan3A_289 : i32
      %scan3A_291 = arith.constant 1 : i32
      scf.for %scan3A_538 = %scan3A_288 to %scan3A_290 step %scan3A_291  : i32 {
        %iota3A = tpu.iota {dimensions = array<i32: 0>} : vector<16xi32>
        %mul3A_539 = arith.constant 2 : i32
        %mul3A_540 = arith.muli %scan3A_538, %mul3A_539 : i32
        %add3A_541 = arith.constant 0 : i32
        %add3A_542 = arith.addi %mul3A_540, %add3A_541 : i32
        %broadcast_in_dim3A = arith.constant 0 : i32
        %broadcast_in_dim3A_543 = vector.broadcast %broadcast_in_dim3A : i32 to vector<16xi32>
        %add3A_544 = vector.broadcast %add3A_542 : i32 to vector<16xi32>
        %add3A_545 = arith.addi %broadcast_in_dim3A_543, %add3A_544 : vector<16xi32>
        %add3A_546 = arith.constant 256 : i32
        %add3A_547 = arith.addi %add3A_546, %add3A_542 : i32
        %get3A_548 = arith.constant 0 : i32
        %get3A_549 = arith.index_cast %get3A_548 : i32 to index
        %get3A_550 = arith.index_cast %add3A_547 : i32 to index
        %get3A_551 = arith.constant 0 : index
        %get3A_552 = tpu.vector_load %arg8[%get3A_549, %get3A_550, %get3A_551] {strides = array<i32>} : memref<2x512x64xf32, #tpu.memory_space<vmem>>, vector<16xf32>,
        %add3A_553 = arith.addf %get3A_552, %get3A_195 : vector<16xf32>
        %add3A_554 = arith.constant 256 : i32
        %add3A_555 = arith.addi %add3A_554, %add3A_542 : i32
        %get3A_556 = arith.constant 0 : i32
        %get3A_557 = arith.index_cast %get3A_556 : i32 to index
        %get3A_558 = arith.index_cast %add3A_555 : i32 to index
        %get3A_559 = arith.constant 16 : index
        %get3A_560 = tpu.vector_load %arg8[%get3A_557, %get3A_558, %get3A_559] {strides = array<i32>} : memref<2x512x64xf32, #tpu.memory_space<vmem>>, vector<16xf32>,
        %add3A_561 = arith.addf %get3A_560, %get3A_202 : vector<16xf32>
        %add3A_562 = arith.constant 256 : i32
        %add3A_563 = arith.addi %add3A_562, %add3A_542 : i32
        %get3A_564 = arith.constant 0 : i32
        %get3A_565 = arith.index_cast %get3A_564 : i32 to index
        %get3A_566 = arith.index_cast %add3A_563 : i32 to index
        %get3A_567 = arith.constant 32 : index
        %get3A_568 = tpu.vector_load %arg8[%get3A_565, %get3A_566, %get3A_567] {strides = array<i32>} : memref<2x512x64xf32, #tpu.memory_space<vmem>>, vector<16xf32>,
        %add3A_569 = arith.addf %get3A_568, %get3A_209 : vector<16xf32>
        %add3A_570 = arith.constant 256 : i32
        %add3A_571 = arith.addi %add3A_570, %add3A_542 : i32
        %get3A_572 = arith.constant 0 : i32
        %get3A_573 = arith.index_cast %get3A_572 : i32 to index
        %get3A_574 = arith.index_cast %add3A_571 : i32 to index
        %get3A_575 = arith.constant 48 : index
        %get3A_576 = tpu.vector_load %arg8[%get3A_573, %get3A_574, %get3A_575] {strides = array<i32>} : memref<2x512x64xf32, #tpu.memory_space<vmem>>, vector<16xf32>,
        %add3A_577 = arith.addf %get3A_576, %get3A_216 : vector<16xf32>
        %add3A_578 = arith.constant 384 : i32
        %add3A_579 = arith.addi %add3A_578, %add3A_542 : i32
        %get3A_580 = arith.constant 0 : i32
        %get3A_581 = arith.index_cast %get3A_580 : i32 to index
        %get3A_582 = arith.index_cast %add3A_579 : i32 to index
        %get3A_583 = arith.constant 0 : index
        %get3A_584 = tpu.vector_load %arg8[%get3A_581, %get3A_582, %get3A_583] {strides = array<i32>} : memref<2x512x64xf32, #tpu.memory_space<vmem>>, vector<16xf32>,
        %add3A_585 = arith.addf %get3A_584, %get3A_223 : vector<16xf32>
        %add3A_586 = arith.constant 384 : i32
        %add3A_587 = arith.addi %add3A_586, %add3A_542 : i32
        %get3A_588 = arith.constant 0 : i32
        %get3A_589 = arith.index_cast %get3A_588 : i32 to index
        %get3A_590 = arith.index_cast %add3A_587 : i32 to index
        %get3A_591 = arith.constant 16 : index
        %get3A_592 = tpu.vector_load %arg8[%get3A_589, %get3A_590, %get3A_591] {strides = array<i32>} : memref<2x512x64xf32, #tpu.memory_space<vmem>>, vector<16xf32>,
        %add3A_593 = arith.addf %get3A_592, %get3A_230 : vector<16xf32>
        %add3A_594 = arith.constant 384 : i32
        %add3A_595 = arith.addi %add3A_594, %add3A_542 : i32
        %get3A_596 = arith.constant 0 : i32
        %get3A_597 = arith.index_cast %get3A_596 : i32 to index
        %get3A_598 = arith.index_cast %add3A_595 : i32 to index
        %get3A_599 = arith.constant 32 : index
        %get3A_600 = tpu.vector_load %arg8[%get3A_597, %get3A_598, %get3A_599] {strides = array<i32>} : memref<2x512x64xf32, #tpu.memory_space<vmem>>, vector<16xf32>,
        %add3A_601 = arith.addf %get3A_600, %get3A_237 : vector<16xf32>
        %add3A_602 = arith.constant 384 : i32
        %add3A_603 = arith.addi %add3A_602, %add3A_542 : i32
        %get3A_604 = arith.constant 0 : i32
        %get3A_605 = arith.index_cast %get3A_604 : i32 to index
        %get3A_606 = arith.index_cast %add3A_603 : i32 to index
        %get3A_607 = arith.constant 48 : index
        %get3A_608 = tpu.vector_load %arg8[%get3A_605, %get3A_606, %get3A_607] {strides = array<i32>} : memref<2x512x64xf32, #tpu.memory_space<vmem>>, vector<16xf32>,
        %add3A_609 = arith.addf %get3A_608, %get3A_244 : vector<16xf32>
        %add3A_610 = arith.constant 0 : i32
        %add3A_611 = vector.broadcast %add3A_610 : i32 to vector<16xi32>
        %add3A_612 = arith.addi %iota3A, %add3A_611 : vector<16xi32>
        %broadcast_in_dim3A_613 = arith.constant 1 : i32
        %broadcast_in_dim3A_614 = vector.broadcast %broadcast_in_dim3A_613 : i32 to vector<16xi32>
        %broadcast_in_dim3A_615 = arith.constant 0 : i32
        %broadcast_in_dim3A_616 = vector.broadcast %broadcast_in_dim3A_615 : i32 to vector<16xi32>
        %shift_right_arithmetic3A = arith.constant 3 : i32
        %shift_right_arithmetic3A_617 = vector.broadcast %shift_right_arithmetic3A : i32 to vector<16xi32>
        %shift_right_arithmetic3A_618 = arith.shrsi %add3A_612, %shift_right_arithmetic3A_617 : vector<16xi32>
        %and3A = arith.constant 7 : i32
        %and3A_619 = vector.broadcast %and3A : i32 to vector<16xi32>
        %and3A_620 = arith.andi %add3A_612, %and3A_619 : vector<16xi32>
        tpu.vector_store_idx %arg9[%broadcast_in_dim3A_614, %broadcast_in_dim3A_616, %shift_right_arithmetic3A_618, %and3A_620, %add3A_545], %add3A_553 : memref<2x2x8x8x129xf32, #tpu.memory_space<vmem>>[vector<16xi32>, vector<16xi32>, vector<16xi32>, vector<16xi32>, vector<16xi32>], vector<16xf32>,
        %add3A_621 = arith.constant 16 : i32
        %add3A_622 = vector.broadcast %add3A_621 : i32 to vector<16xi32>
        %add3A_623 = arith.addi %iota3A, %add3A_622 : vector<16xi32>
        %broadcast_in_dim3A_624 = arith.constant 1 : i32
        %broadcast_in_dim3A_625 = vector.broadcast %broadcast_in_dim3A_624 : i32 to vector<16xi32>
        %broadcast_in_dim3A_626 = arith.constant 0 : i32
        %broadcast_in_dim3A_627 = vector.broadcast %broadcast_in_dim3A_626 : i32 to vector<16xi32>
        %shift_right_arithmetic3A_628 = arith.constant 3 : i32
        %shift_right_arithmetic3A_629 = vector.broadcast %shift_right_arithmetic3A_628 : i32 to vector<16xi32>
        %shift_right_arithmetic3A_630 = arith.shrsi %add3A_623, %shift_right_arithmetic3A_629 : vector<16xi32>
        %and3A_631 = arith.constant 7 : i32
        %and3A_632 = vector.broadcast %and3A_631 : i32 to vector<16xi32>
        %and3A_633 = arith.andi %add3A_623, %and3A_632 : vector<16xi32>
        tpu.vector_store_idx %arg9[%broadcast_in_dim3A_625, %broadcast_in_dim3A_627, %shift_right_arithmetic3A_630, %and3A_633, %add3A_545], %add3A_561 : memref<2x2x8x8x129xf32, #tpu.memory_space<vmem>>[vector<16xi32>, vector<16xi32>, vector<16xi32>, vector<16xi32>, vector<16xi32>], vector<16xf32>,
        %add3A_634 = arith.constant 32 : i32
        %add3A_635 = vector.broadcast %add3A_634 : i32 to vector<16xi32>
        %add3A_636 = arith.addi %iota3A, %add3A_635 : vector<16xi32>
        %broadcast_in_dim3A_637 = arith.constant 1 : i32
        %broadcast_in_dim3A_638 = vector.broadcast %broadcast_in_dim3A_637 : i32 to vector<16xi32>
        %broadcast_in_dim3A_639 = arith.constant 0 : i32
        %broadcast_in_dim3A_640 = vector.broadcast %broadcast_in_dim3A_639 : i32 to vector<16xi32>
        %shift_right_arithmetic3A_641 = arith.constant 3 : i32
        %shift_right_arithmetic3A_642 = vector.broadcast %shift_right_arithmetic3A_641 : i32 to vector<16xi32>
        %shift_right_arithmetic3A_643 = arith.shrsi %add3A_636, %shift_right_arithmetic3A_642 : vector<16xi32>
        %and3A_644 = arith.constant 7 : i32
        %and3A_645 = vector.broadcast %and3A_644 : i32 to vector<16xi32>
        %and3A_646 = arith.andi %add3A_636, %and3A_645 : vector<16xi32>
        tpu.vector_store_idx %arg9[%broadcast_in_dim3A_638, %broadcast_in_dim3A_640, %shift_right_arithmetic3A_643, %and3A_646, %add3A_545], %add3A_569 : memref<2x2x8x8x129xf32, #tpu.memory_space<vmem>>[vector<16xi32>, vector<16xi32>, vector<16xi32>, vector<16xi32>, vector<16xi32>], vector<16xf32>,
        %add3A_647 = arith.constant 48 : i32
        %add3A_648 = vector.broadcast %add3A_647 : i32 to vector<16xi32>
        %add3A_649 = arith.addi %iota3A, %add3A_648 : vector<16xi32>
        %broadcast_in_dim3A_650 = arith.constant 1 : i32
        %broadcast_in_dim3A_651 = vector.broadcast %broadcast_in_dim3A_650 : i32 to vector<16xi32>
        %broadcast_in_dim3A_652 = arith.constant 0 : i32
        %broadcast_in_dim3A_653 = vector.broadcast %broadcast_in_dim3A_652 : i32 to vector<16xi32>
        %shift_right_arithmetic3A_654 = arith.constant 3 : i32
        %shift_right_arithmetic3A_655 = vector.broadcast %shift_right_arithmetic3A_654 : i32 to vector<16xi32>
        %shift_right_arithmetic3A_656 = arith.shrsi %add3A_649, %shift_right_arithmetic3A_655 : vector<16xi32>
        %and3A_657 = arith.constant 7 : i32
        %and3A_658 = vector.broadcast %and3A_657 : i32 to vector<16xi32>
        %and3A_659 = arith.andi %add3A_649, %and3A_658 : vector<16xi32>
        tpu.vector_store_idx %arg9[%broadcast_in_dim3A_651, %broadcast_in_dim3A_653, %shift_right_arithmetic3A_656, %and3A_659, %add3A_545], %add3A_577 : memref<2x2x8x8x129xf32, #tpu.memory_space<vmem>>[vector<16xi32>, vector<16xi32>, vector<16xi32>, vector<16xi32>, vector<16xi32>], vector<16xf32>,
        %add3A_660 = arith.constant 0 : i32
        %add3A_661 = vector.broadcast %add3A_660 : i32 to vector<16xi32>
        %add3A_662 = arith.addi %iota3A, %add3A_661 : vector<16xi32>
        %broadcast_in_dim3A_663 = arith.constant 1 : i32
        %broadcast_in_dim3A_664 = vector.broadcast %broadcast_in_dim3A_663 : i32 to vector<16xi32>
        %broadcast_in_dim3A_665 = arith.constant 1 : i32
        %broadcast_in_dim3A_666 = vector.broadcast %broadcast_in_dim3A_665 : i32 to vector<16xi32>
        %shift_right_arithmetic3A_667 = arith.constant 3 : i32
        %shift_right_arithmetic3A_668 = vector.broadcast %shift_right_arithmetic3A_667 : i32 to vector<16xi32>
        %shift_right_arithmetic3A_669 = arith.shrsi %add3A_662, %shift_right_arithmetic3A_668 : vector<16xi32>
        %and3A_670 = arith.constant 7 : i32
        %and3A_671 = vector.broadcast %and3A_670 : i32 to vector<16xi32>
        %and3A_672 = arith.andi %add3A_662, %and3A_671 : vector<16xi32>
        tpu.vector_store_idx %arg9[%broadcast_in_dim3A_664, %broadcast_in_dim3A_666, %shift_right_arithmetic3A_669, %and3A_672, %add3A_545], %add3A_585 : memref<2x2x8x8x129xf32, #tpu.memory_space<vmem>>[vector<16xi32>, vector<16xi32>, vector<16xi32>, vector<16xi32>, vector<16xi32>], vector<16xf32>,
        %add3A_673 = arith.constant 16 : i32
        %add3A_674 = vector.broadcast %add3A_673 : i32 to vector<16xi32>
        %add3A_675 = arith.addi %iota3A, %add3A_674 : vector<16xi32>
        %broadcast_in_dim3A_676 = arith.constant 1 : i32
        %broadcast_in_dim3A_677 = vector.broadcast %broadcast_in_dim3A_676 : i32 to vector<16xi32>
        %broadcast_in_dim3A_678 = arith.constant 1 : i32
        %broadcast_in_dim3A_679 = vector.broadcast %broadcast_in_dim3A_678 : i32 to vector<16xi32>
        %shift_right_arithmetic3A_680 = arith.constant 3 : i32
        %shift_right_arithmetic3A_681 = vector.broadcast %shift_right_arithmetic3A_680 : i32 to vector<16xi32>
        %shift_right_arithmetic3A_682 = arith.shrsi %add3A_675, %shift_right_arithmetic3A_681 : vector<16xi32>
        %and3A_683 = arith.constant 7 : i32
        %and3A_684 = vector.broadcast %and3A_683 : i32 to vector<16xi32>
        %and3A_685 = arith.andi %add3A_675, %and3A_684 : vector<16xi32>
        tpu.vector_store_idx %arg9[%broadcast_in_dim3A_677, %broadcast_in_dim3A_679, %shift_right_arithmetic3A_682, %and3A_685, %add3A_545], %add3A_593 : memref<2x2x8x8x129xf32, #tpu.memory_space<vmem>>[vector<16xi32>, vector<16xi32>, vector<16xi32>, vector<16xi32>, vector<16xi32>], vector<16xf32>,
        %add3A_686 = arith.constant 32 : i32
        %add3A_687 = vector.broadcast %add3A_686 : i32 to vector<16xi32>
        %add3A_688 = arith.addi %iota3A, %add3A_687 : vector<16xi32>
        %broadcast_in_dim3A_689 = arith.constant 1 : i32
        %broadcast_in_dim3A_690 = vector.broadcast %broadcast_in_dim3A_689 : i32 to vector<16xi32>
        %broadcast_in_dim3A_691 = arith.constant 1 : i32
        %broadcast_in_dim3A_692 = vector.broadcast %broadcast_in_dim3A_691 : i32 to vector<16xi32>
        %shift_right_arithmetic3A_693 = arith.constant 3 : i32
        %shift_right_arithmetic3A_694 = vector.broadcast %shift_right_arithmetic3A_693 : i32 to vector<16xi32>
        %shift_right_arithmetic3A_695 = arith.shrsi %add3A_688, %shift_right_arithmetic3A_694 : vector<16xi32>
        %and3A_696 = arith.constant 7 : i32
        %and3A_697 = vector.broadcast %and3A_696 : i32 to vector<16xi32>
        %and3A_698 = arith.andi %add3A_688, %and3A_697 : vector<16xi32>
        tpu.vector_store_idx %arg9[%broadcast_in_dim3A_690, %broadcast_in_dim3A_692, %shift_right_arithmetic3A_695, %and3A_698, %add3A_545], %add3A_601 : memref<2x2x8x8x129xf32, #tpu.memory_space<vmem>>[vector<16xi32>, vector<16xi32>, vector<16xi32>, vector<16xi32>, vector<16xi32>], vector<16xf32>,
        %add3A_699 = arith.constant 48 : i32
        %add3A_700 = vector.broadcast %add3A_699 : i32 to vector<16xi32>
        %add3A_701 = arith.addi %iota3A, %add3A_700 : vector<16xi32>
        %broadcast_in_dim3A_702 = arith.constant 1 : i32
        %broadcast_in_dim3A_703 = vector.broadcast %broadcast_in_dim3A_702 : i32 to vector<16xi32>
        %broadcast_in_dim3A_704 = arith.constant 1 : i32
        %broadcast_in_dim3A_705 = vector.broadcast %broadcast_in_dim3A_704 : i32 to vector<16xi32>
        %shift_right_arithmetic3A_706 = arith.constant 3 : i32
        %shift_right_arithmetic3A_707 = vector.broadcast %shift_right_arithmetic3A_706 : i32 to vector<16xi32>
        %shift_right_arithmetic3A_708 = arith.shrsi %add3A_701, %shift_right_arithmetic3A_707 : vector<16xi32>
        %and3A_709 = arith.constant 7 : i32
        %and3A_710 = vector.broadcast %and3A_709 : i32 to vector<16xi32>
        %and3A_711 = arith.andi %add3A_701, %and3A_710 : vector<16xi32>
        tpu.vector_store_idx %arg9[%broadcast_in_dim3A_703, %broadcast_in_dim3A_705, %shift_right_arithmetic3A_708, %and3A_711, %add3A_545], %add3A_609 : memref<2x2x8x8x129xf32, #tpu.memory_space<vmem>>[vector<16xi32>, vector<16xi32>, vector<16xi32>, vector<16xi32>, vector<16xi32>], vector<16xf32>,
        %mul3A_712 = arith.constant 2 : i32
        %mul3A_713 = arith.muli %scan3A_538, %mul3A_712 : i32
        %add3A_714 = arith.constant 1 : i32
        %add3A_715 = arith.addi %mul3A_713, %add3A_714 : i32
        %broadcast_in_dim3A_716 = arith.constant 0 : i32
        %broadcast_in_dim3A_717 = vector.broadcast %broadcast_in_dim3A_716 : i32 to vector<16xi32>
        %add3A_718 = vector.broadcast %add3A_715 : i32 to vector<16xi32>
        %add3A_719 = arith.addi %broadcast_in_dim3A_717, %add3A_718 : vector<16xi32>
        %add3A_720 = arith.constant 256 : i32
        %add3A_721 = arith.addi %add3A_720, %add3A_715 : i32
        %get3A_722 = arith.constant 0 : i32
        %get3A_723 = arith.index_cast %get3A_722 : i32 to index
        %get3A_724 = arith.index_cast %add3A_721 : i32 to index
        %get3A_725 = arith.constant 0 : index
        %get3A_726 = tpu.vector_load %arg8[%get3A_723, %get3A_724, %get3A_725] {strides = array<i32>} : memref<2x512x64xf32, #tpu.memory_space<vmem>>, vector<16xf32>,
        %add3A_727 = arith.addf %get3A_726, %get3A_195 : vector<16xf32>
        %add3A_728 = arith.constant 256 : i32
        %add3A_729 = arith.addi %add3A_728, %add3A_715 : i32
        %get3A_730 = arith.constant 0 : i32
        %get3A_731 = arith.index_cast %get3A_730 : i32 to index
        %get3A_732 = arith.index_cast %add3A_729 : i32 to index
        %get3A_733 = arith.constant 16 : index
        %get3A_734 = tpu.vector_load %arg8[%get3A_731, %get3A_732, %get3A_733] {strides = array<i32>} : memref<2x512x64xf32, #tpu.memory_space<vmem>>, vector<16xf32>,
        %add3A_735 = arith.addf %get3A_734, %get3A_202 : vector<16xf32>
        %add3A_736 = arith.constant 256 : i32
        %add3A_737 = arith.addi %add3A_736, %add3A_715 : i32
        %get3A_738 = arith.constant 0 : i32
        %get3A_739 = arith.index_cast %get3A_738 : i32 to index
        %get3A_740 = arith.index_cast %add3A_737 : i32 to index
        %get3A_741 = arith.constant 32 : index
        %get3A_742 = tpu.vector_load %arg8[%get3A_739, %get3A_740, %get3A_741] {strides = array<i32>} : memref<2x512x64xf32, #tpu.memory_space<vmem>>, vector<16xf32>,
        %add3A_743 = arith.addf %get3A_742, %get3A_209 : vector<16xf32>
        %add3A_744 = arith.constant 256 : i32
        %add3A_745 = arith.addi %add3A_744, %add3A_715 : i32
        %get3A_746 = arith.constant 0 : i32
        %get3A_747 = arith.index_cast %get3A_746 : i32 to index
        %get3A_748 = arith.index_cast %add3A_745 : i32 to index
        %get3A_749 = arith.constant 48 : index
        %get3A_750 = tpu.vector_load %arg8[%get3A_747, %get3A_748, %get3A_749] {strides = array<i32>} : memref<2x512x64xf32, #tpu.memory_space<vmem>>, vector<16xf32>,
        %add3A_751 = arith.addf %get3A_750, %get3A_216 : vector<16xf32>
        %add3A_752 = arith.constant 384 : i32
        %add3A_753 = arith.addi %add3A_752, %add3A_715 : i32
        %get3A_754 = arith.constant 0 : i32
        %get3A_755 = arith.index_cast %get3A_754 : i32 to index
        %get3A_756 = arith.index_cast %add3A_753 : i32 to index
        %get3A_757 = arith.constant 0 : index
        %get3A_758 = tpu.vector_load %arg8[%get3A_755, %get3A_756, %get3A_757] {strides = array<i32>} : memref<2x512x64xf32, #tpu.memory_space<vmem>>, vector<16xf32>,
        %add3A_759 = arith.addf %get3A_758, %get3A_223 : vector<16xf32>
        %add3A_760 = arith.constant 384 : i32
        %add3A_761 = arith.addi %add3A_760, %add3A_715 : i32
        %get3A_762 = arith.constant 0 : i32
        %get3A_763 = arith.index_cast %get3A_762 : i32 to index
        %get3A_764 = arith.index_cast %add3A_761 : i32 to index
        %get3A_765 = arith.constant 16 : index
        %get3A_766 = tpu.vector_load %arg8[%get3A_763, %get3A_764, %get3A_765] {strides = array<i32>} : memref<2x512x64xf32, #tpu.memory_space<vmem>>, vector<16xf32>,
        %add3A_767 = arith.addf %get3A_766, %get3A_230 : vector<16xf32>
        %add3A_768 = arith.constant 384 : i32
        %add3A_769 = arith.addi %add3A_768, %add3A_715 : i32
        %get3A_770 = arith.constant 0 : i32
        %get3A_771 = arith.index_cast %get3A_770 : i32 to index
        %get3A_772 = arith.index_cast %add3A_769 : i32 to index
        %get3A_773 = arith.constant 32 : index
        %get3A_774 = tpu.vector_load %arg8[%get3A_771, %get3A_772, %get3A_773] {strides = array<i32>} : memref<2x512x64xf32, #tpu.memory_space<vmem>>, vector<16xf32>,
        %add3A_775 = arith.addf %get3A_774, %get3A_237 : vector<16xf32>
        %add3A_776 = arith.constant 384 : i32
        %add3A_777 = arith.addi %add3A_776, %add3A_715 : i32
        %get3A_778 = arith.constant 0 : i32
        %get3A_779 = arith.index_cast %get3A_778 : i32 to index
        %get3A_780 = arith.index_cast %add3A_777 : i32 to index
        %get3A_781 = arith.constant 48 : index
        %get3A_782 = tpu.vector_load %arg8[%get3A_779, %get3A_780, %get3A_781] {strides = array<i32>} : memref<2x512x64xf32, #tpu.memory_space<vmem>>, vector<16xf32>,
        %add3A_783 = arith.addf %get3A_782, %get3A_244 : vector<16xf32>
        %add3A_784 = arith.constant 0 : i32
        %add3A_785 = vector.broadcast %add3A_784 : i32 to vector<16xi32>
        %add3A_786 = arith.addi %iota3A, %add3A_785 : vector<16xi32>
        %broadcast_in_dim3A_787 = arith.constant 1 : i32
        %broadcast_in_dim3A_788 = vector.broadcast %broadcast_in_dim3A_787 : i32 to vector<16xi32>
        %broadcast_in_dim3A_789 = arith.constant 0 : i32
        %broadcast_in_dim3A_790 = vector.broadcast %broadcast_in_dim3A_789 : i32 to vector<16xi32>
        %shift_right_arithmetic3A_791 = arith.constant 3 : i32
        %shift_right_arithmetic3A_792 = vector.broadcast %shift_right_arithmetic3A_791 : i32 to vector<16xi32>
        %shift_right_arithmetic3A_793 = arith.shrsi %add3A_786, %shift_right_arithmetic3A_792 : vector<16xi32>
        %and3A_794 = arith.constant 7 : i32
        %and3A_795 = vector.broadcast %and3A_794 : i32 to vector<16xi32>
        %and3A_796 = arith.andi %add3A_786, %and3A_795 : vector<16xi32>
        tpu.vector_store_idx %arg9[%broadcast_in_dim3A_788, %broadcast_in_dim3A_790, %shift_right_arithmetic3A_793, %and3A_796, %add3A_719], %add3A_727 : memref<2x2x8x8x129xf32, #tpu.memory_space<vmem>>[vector<16xi32>, vector<16xi32>, vector<16xi32>, vector<16xi32>, vector<16xi32>], vector<16xf32>,
        %add3A_797 = arith.constant 16 : i32
        %add3A_798 = vector.broadcast %add3A_797 : i32 to vector<16xi32>
        %add3A_799 = arith.addi %iota3A, %add3A_798 : vector<16xi32>
        %broadcast_in_dim3A_800 = arith.constant 1 : i32
        %broadcast_in_dim3A_801 = vector.broadcast %broadcast_in_dim3A_800 : i32 to vector<16xi32>
        %broadcast_in_dim3A_802 = arith.constant 0 : i32
        %broadcast_in_dim3A_803 = vector.broadcast %broadcast_in_dim3A_802 : i32 to vector<16xi32>
        %shift_right_arithmetic3A_804 = arith.constant 3 : i32
        %shift_right_arithmetic3A_805 = vector.broadcast %shift_right_arithmetic3A_804 : i32 to vector<16xi32>
        %shift_right_arithmetic3A_806 = arith.shrsi %add3A_799, %shift_right_arithmetic3A_805 : vector<16xi32>
        %and3A_807 = arith.constant 7 : i32
        %and3A_808 = vector.broadcast %and3A_807 : i32 to vector<16xi32>
        %and3A_809 = arith.andi %add3A_799, %and3A_808 : vector<16xi32>
        tpu.vector_store_idx %arg9[%broadcast_in_dim3A_801, %broadcast_in_dim3A_803, %shift_right_arithmetic3A_806, %and3A_809, %add3A_719], %add3A_735 : memref<2x2x8x8x129xf32, #tpu.memory_space<vmem>>[vector<16xi32>, vector<16xi32>, vector<16xi32>, vector<16xi32>, vector<16xi32>], vector<16xf32>,
        %add3A_810 = arith.constant 32 : i32
        %add3A_811 = vector.broadcast %add3A_810 : i32 to vector<16xi32>
        %add3A_812 = arith.addi %iota3A, %add3A_811 : vector<16xi32>
        %broadcast_in_dim3A_813 = arith.constant 1 : i32
        %broadcast_in_dim3A_814 = vector.broadcast %broadcast_in_dim3A_813 : i32 to vector<16xi32>
        %broadcast_in_dim3A_815 = arith.constant 0 : i32
        %broadcast_in_dim3A_816 = vector.broadcast %broadcast_in_dim3A_815 : i32 to vector<16xi32>
        %shift_right_arithmetic3A_817 = arith.constant 3 : i32
        %shift_right_arithmetic3A_818 = vector.broadcast %shift_right_arithmetic3A_817 : i32 to vector<16xi32>
        %shift_right_arithmetic3A_819 = arith.shrsi %add3A_812, %shift_right_arithmetic3A_818 : vector<16xi32>
        %and3A_820 = arith.constant 7 : i32
        %and3A_821 = vector.broadcast %and3A_820 : i32 to vector<16xi32>
        %and3A_822 = arith.andi %add3A_812, %and3A_821 : vector<16xi32>
        tpu.vector_store_idx %arg9[%broadcast_in_dim3A_814, %broadcast_in_dim3A_816, %shift_right_arithmetic3A_819, %and3A_822, %add3A_719], %add3A_743 : memref<2x2x8x8x129xf32, #tpu.memory_space<vmem>>[vector<16xi32>, vector<16xi32>, vector<16xi32>, vector<16xi32>, vector<16xi32>], vector<16xf32>,
        %add3A_823 = arith.constant 48 : i32
        %add3A_824 = vector.broadcast %add3A_823 : i32 to vector<16xi32>
        %add3A_825 = arith.addi %iota3A, %add3A_824 : vector<16xi32>
        %broadcast_in_dim3A_826 = arith.constant 1 : i32
        %broadcast_in_dim3A_827 = vector.broadcast %broadcast_in_dim3A_826 : i32 to vector<16xi32>
        %broadcast_in_dim3A_828 = arith.constant 0 : i32
        %broadcast_in_dim3A_829 = vector.broadcast %broadcast_in_dim3A_828 : i32 to vector<16xi32>
        %shift_right_arithmetic3A_830 = arith.constant 3 : i32
        %shift_right_arithmetic3A_831 = vector.broadcast %shift_right_arithmetic3A_830 : i32 to vector<16xi32>
        %shift_right_arithmetic3A_832 = arith.shrsi %add3A_825, %shift_right_arithmetic3A_831 : vector<16xi32>
        %and3A_833 = arith.constant 7 : i32
        %and3A_834 = vector.broadcast %and3A_833 : i32 to vector<16xi32>
        %and3A_835 = arith.andi %add3A_825, %and3A_834 : vector<16xi32>
        tpu.vector_store_idx %arg9[%broadcast_in_dim3A_827, %broadcast_in_dim3A_829, %shift_right_arithmetic3A_832, %and3A_835, %add3A_719], %add3A_751 : memref<2x2x8x8x129xf32, #tpu.memory_space<vmem>>[vector<16xi32>, vector<16xi32>, vector<16xi32>, vector<16xi32>, vector<16xi32>], vector<16xf32>,
        %add3A_836 = arith.constant 0 : i32
        %add3A_837 = vector.broadcast %add3A_836 : i32 to vector<16xi32>
        %add3A_838 = arith.addi %iota3A, %add3A_837 : vector<16xi32>
        %broadcast_in_dim3A_839 = arith.constant 1 : i32
        %broadcast_in_dim3A_840 = vector.broadcast %broadcast_in_dim3A_839 : i32 to vector<16xi32>
        %broadcast_in_dim3A_841 = arith.constant 1 : i32
        %broadcast_in_dim3A_842 = vector.broadcast %broadcast_in_dim3A_841 : i32 to vector<16xi32>
        %shift_right_arithmetic3A_843 = arith.constant 3 : i32
        %shift_right_arithmetic3A_844 = vector.broadcast %shift_right_arithmetic3A_843 : i32 to vector<16xi32>
        %shift_right_arithmetic3A_845 = arith.shrsi %add3A_838, %shift_right_arithmetic3A_844 : vector<16xi32>
        %and3A_846 = arith.constant 7 : i32
        %and3A_847 = vector.broadcast %and3A_846 : i32 to vector<16xi32>
        %and3A_848 = arith.andi %add3A_838, %and3A_847 : vector<16xi32>
        tpu.vector_store_idx %arg9[%broadcast_in_dim3A_840, %broadcast_in_dim3A_842, %shift_right_arithmetic3A_845, %and3A_848, %add3A_719], %add3A_759 : memref<2x2x8x8x129xf32, #tpu.memory_space<vmem>>[vector<16xi32>, vector<16xi32>, vector<16xi32>, vector<16xi32>, vector<16xi32>], vector<16xf32>,
        %add3A_849 = arith.constant 16 : i32
        %add3A_850 = vector.broadcast %add3A_849 : i32 to vector<16xi32>
        %add3A_851 = arith.addi %iota3A, %add3A_850 : vector<16xi32>
        %broadcast_in_dim3A_852 = arith.constant 1 : i32
        %broadcast_in_dim3A_853 = vector.broadcast %broadcast_in_dim3A_852 : i32 to vector<16xi32>
        %broadcast_in_dim3A_854 = arith.constant 1 : i32
        %broadcast_in_dim3A_855 = vector.broadcast %broadcast_in_dim3A_854 : i32 to vector<16xi32>
        %shift_right_arithmetic3A_856 = arith.constant 3 : i32
        %shift_right_arithmetic3A_857 = vector.broadcast %shift_right_arithmetic3A_856 : i32 to vector<16xi32>
        %shift_right_arithmetic3A_858 = arith.shrsi %add3A_851, %shift_right_arithmetic3A_857 : vector<16xi32>
        %and3A_859 = arith.constant 7 : i32
        %and3A_860 = vector.broadcast %and3A_859 : i32 to vector<16xi32>
        %and3A_861 = arith.andi %add3A_851, %and3A_860 : vector<16xi32>
        tpu.vector_store_idx %arg9[%broadcast_in_dim3A_853, %broadcast_in_dim3A_855, %shift_right_arithmetic3A_858, %and3A_861, %add3A_719], %add3A_767 : memref<2x2x8x8x129xf32, #tpu.memory_space<vmem>>[vector<16xi32>, vector<16xi32>, vector<16xi32>, vector<16xi32>, vector<16xi32>], vector<16xf32>,
        %add3A_862 = arith.constant 32 : i32
        %add3A_863 = vector.broadcast %add3A_862 : i32 to vector<16xi32>
        %add3A_864 = arith.addi %iota3A, %add3A_863 : vector<16xi32>
        %broadcast_in_dim3A_865 = arith.constant 1 : i32
        %broadcast_in_dim3A_866 = vector.broadcast %broadcast_in_dim3A_865 : i32 to vector<16xi32>
        %broadcast_in_dim3A_867 = arith.constant 1 : i32
        %broadcast_in_dim3A_868 = vector.broadcast %broadcast_in_dim3A_867 : i32 to vector<16xi32>
        %shift_right_arithmetic3A_869 = arith.constant 3 : i32
        %shift_right_arithmetic3A_870 = vector.broadcast %shift_right_arithmetic3A_869 : i32 to vector<16xi32>
        %shift_right_arithmetic3A_871 = arith.shrsi %add3A_864, %shift_right_arithmetic3A_870 : vector<16xi32>
        %and3A_872 = arith.constant 7 : i32
        %and3A_873 = vector.broadcast %and3A_872 : i32 to vector<16xi32>
        %and3A_874 = arith.andi %add3A_864, %and3A_873 : vector<16xi32>
        tpu.vector_store_idx %arg9[%broadcast_in_dim3A_866, %broadcast_in_dim3A_868, %shift_right_arithmetic3A_871, %and3A_874, %add3A_719], %add3A_775 : memref<2x2x8x8x129xf32, #tpu.memory_space<vmem>>[vector<16xi32>, vector<16xi32>, vector<16xi32>, vector<16xi32>, vector<16xi32>], vector<16xf32>,
        %add3A_875 = arith.constant 48 : i32
        %add3A_876 = vector.broadcast %add3A_875 : i32 to vector<16xi32>
        %add3A_877 = arith.addi %iota3A, %add3A_876 : vector<16xi32>
        %broadcast_in_dim3A_878 = arith.constant 1 : i32
        %broadcast_in_dim3A_879 = vector.broadcast %broadcast_in_dim3A_878 : i32 to vector<16xi32>
        %broadcast_in_dim3A_880 = arith.constant 1 : i32
        %broadcast_in_dim3A_881 = vector.broadcast %broadcast_in_dim3A_880 : i32 to vector<16xi32>
        %shift_right_arithmetic3A_882 = arith.constant 3 : i32
        %shift_right_arithmetic3A_883 = vector.broadcast %shift_right_arithmetic3A_882 : i32 to vector<16xi32>
        %shift_right_arithmetic3A_884 = arith.shrsi %add3A_877, %shift_right_arithmetic3A_883 : vector<16xi32>
        %and3A_885 = arith.constant 7 : i32
        %and3A_886 = vector.broadcast %and3A_885 : i32 to vector<16xi32>
        %and3A_887 = arith.andi %add3A_877, %and3A_886 : vector<16xi32>
        tpu.vector_store_idx %arg9[%broadcast_in_dim3A_879, %broadcast_in_dim3A_881, %shift_right_arithmetic3A_884, %and3A_887, %add3A_719], %add3A_783 : memref<2x2x8x8x129xf32, #tpu.memory_space<vmem>>[vector<16xi32>, vector<16xi32>, vector<16xi32>, vector<16xi32>, vector<16xi32>], vector<16xf32>,
      }
      %scan3A_292 = arith.constant 64 : i32
      %mul3A_293 = arith.constant 4 : i32
      %mul3A_294 = arith.muli %mul3A_110, %mul3A_293 : i32
      %add3A_295 = arith.constant 2 : i32
      %add3A_296 = arith.addi %mul3A_294, %add3A_295 : i32
      %dma_start3A_297 = arith.constant 1 : i32
      %dma_start3A_298 = arith.constant 0 : i32
      %dma_start3A_299 = arith.constant 0 : i32
      %dma_start3A_300 = arith.constant 0 : i32
      %dma_start3A_301 = arith.constant 0 : i32
      %dma_start3A_302 = tpu.memref_slice %arg9[%dma_start3A_297, %dma_start3A_298, %dma_start3A_299, %dma_start3A_300, %dma_start3A_301] : memref<2x2x8x8x129xf32, #tpu.memory_space<vmem>> -> memref<1x2x8x8x128xf32, #tpu.memory_space<vmem>>
      %dma_start3A_303 = tpu.memref_squeeze %dma_start3A_302 : memref<1x2x8x8x128xf32, #tpu.memory_space<vmem>> -> memref<2x8x8x128xf32, #tpu.memory_space<vmem>>
      %dma_start3A_304 = arith.constant 0 : i32
      %dma_start3A_305 = arith.constant 0 : i32
      %dma_start3A_306 = arith.constant 0 : i32
      %dma_start3A_307 = tpu.memref_slice %arg5[%add3A_296, %dma_start3A_304, %add3A, %dma_start3A_305, %dma_start3A_306] : memref<200x8x32x8x128xf32, #tpu.memory_space<hbm>> -> memref<2x8x1x8x128xf32, #tpu.memory_space<hbm>>
      %dma_start3A_308 = tpu.memref_squeeze %dma_start3A_307 : memref<2x8x1x8x128xf32, #tpu.memory_space<hbm>> -> memref<2x8x8x128xf32, #tpu.memory_space<hbm>>
      %dma_start3A_309 = arith.constant 0 : i32
      %dma_start3A_310 = arith.constant 0 : i32
      %dma_start3A_311 = arith.constant 0 : i32
      %dma_start3A_312 = tpu.memref_slice %arg5[%add3A_296, %dma_start3A_309, %add3A, %dma_start3A_310, %dma_start3A_311] : memref<200x8x32x8x128xf32, #tpu.memory_space<hbm>> -> memref<2x8x1x8x128xf32, #tpu.memory_space<hbm>>
      %dma_start3A_313 = tpu.memref_squeeze %dma_start3A_312 : memref<2x8x1x8x128xf32, #tpu.memory_space<hbm>> -> memref<2x8x8x128xf32, #tpu.memory_space<hbm>>
      %dma_start3A_314 = arith.constant 0 : i32
      %dma_start3A_315 = arith.constant 0 : i32
      %dma_start3A_316 = arith.constant 0 : i32
      %dma_start3A_317 = arith.constant 0 : i32
      %dma_start3A_318 = tpu.memref_slice %arg9[%dma_start3A_297, %dma_start3A_314, %dma_start3A_315, %dma_start3A_316, %dma_start3A_317] : memref<2x2x8x8x129xf32, #tpu.memory_space<vmem>> -> memref<1x2x8x8x128xf32, #tpu.memory_space<vmem>>
      %dma_start3A_319 = tpu.memref_squeeze %dma_start3A_318 : memref<1x2x8x8x128xf32, #tpu.memory_space<vmem>> -> memref<2x8x8x128xf32, #tpu.memory_space<vmem>>
      tpu.enqueue_dma source(%dma_start3A_319 : memref<2x8x8x128xf32, #tpu.memory_space<vmem>>) target(%dma_start3A_313 : memref<2x8x8x128xf32, #tpu.memory_space<hbm>>) target_semaphore(%arg15 : memref<!tpu.dma_semaphore, #tpu.memory_space<semaphore_mem>>)
      %mul3A_320 = arith.constant 2 : i32
      %mul3A_321 = arith.muli %mul3A_320, %scan3A_108 : i32
      %add3A_322 = arith.constant 1 : i32
      %add3A_323 = arith.addi %mul3A_321, %add3A_322 : i32
      %add3A_324 = arith.constant 1 : i32
      %add3A_325 = arith.addi %add3A_323, %add3A_324 : i32
      %lt3A_326 = arith.constant 50 : i32
      %lt3A_327 = arith.cmpi slt, %add3A_325, %lt3A_326 : i32
      %convert_element_type3A_328 = arith.extui %lt3A_327 : i1 to i32
      %cond3A_329 = arith.constant 0 : i32
      %cond3A_330 = arith.cmpi ne, %convert_element_type3A_328, %cond3A_329 : i32
      scf.if %cond3A_330 {
        %add3A_538 = arith.constant 1 : i32
        %add3A_539 = arith.addi %add3A_323, %add3A_538 : i32
        %dma_wait3A_540 = arith.constant 0 : i32
        %dma_wait3A_541 = arith.constant 0 : i32
        %dma_wait3A_542 = tpu.memref_slice %arg7[%dma_wait3A_540, %dma_wait3A_541] : memref<2x512xi32, #tpu.memory_space<vmem>> -> memref<1x512xi32, #tpu.memory_space<vmem>>
        %dma_wait3A_543 = tpu.memref_squeeze %dma_wait3A_542 : memref<1x512xi32, #tpu.memory_space<vmem>> -> memref<512xi32, #tpu.memory_space<vmem>>
        %dma_wait3A_544 = arith.constant 0 : i32
        %dma_wait3A_545 = tpu.memref_slice %arg2[%add3A_539, %add3A, %dma_wait3A_544] : memref<50x32x512xi32, #tpu.memory_space<hbm>> -> memref<1x1x512xi32, #tpu.memory_space<hbm>>
        %dma_wait3A_546 = tpu.memref_squeeze %dma_wait3A_545 : memref<1x1x512xi32, #tpu.memory_space<hbm>> -> memref<512xi32, #tpu.memory_space<hbm>>
        %dma_wait3A_547 = arith.constant 0 : i32
        %dma_wait3A_548 = tpu.memref_slice %arg7[%dma_wait3A_540, %dma_wait3A_547] : memref<2x512xi32, #tpu.memory_space<vmem>> -> memref<1x512xi32, #tpu.memory_space<vmem>>
        %dma_wait3A_549 = tpu.memref_squeeze %dma_wait3A_548 : memref<1x512xi32, #tpu.memory_space<vmem>> -> memref<512xi32, #tpu.memory_space<vmem>>
        %dma_wait3A_550 = arith.constant 0 : i32
        %dma_wait3A_551 = tpu.memref_slice %arg2[%add3A_539, %add3A, %dma_wait3A_550] : memref<50x32x512xi32, #tpu.memory_space<hbm>> -> memref<1x1x512xi32, #tpu.memory_space<hbm>>
        %dma_wait3A_552 = tpu.memref_squeeze %dma_wait3A_551 : memref<1x1x512xi32, #tpu.memory_space<hbm>> -> memref<512xi32, #tpu.memory_space<hbm>>
        tpu.wait_dma2 semaphore(%arg12 : memref<!tpu.dma_semaphore, #tpu.memory_space<semaphore_mem>>) src(%dma_wait3A_552 : memref<512xi32, #tpu.memory_space<hbm>>) dst(%dma_wait3A_549 : memref<512xi32, #tpu.memory_space<vmem>>)
        %dma_start3A_553 = arith.constant 0 : i32
        %dma_start3A_554 = arith.constant 0 : i32
        %dma_start3A_555 = arith.constant 0 : i32
        %dma_start3A_556 = arith.constant 0 : i32
        %dma_start3A_557 = tpu.memref_slice %arg8[%dma_start3A_554, %dma_start3A_555, %dma_start3A_556] : memref<2x512x64xf32, #tpu.memory_space<vmem>> -> memref<1x512x64xf32, #tpu.memory_space<vmem>>
        %dma_start3A_558 = tpu.memref_squeeze %dma_start3A_557 : memref<1x512x64xf32, #tpu.memory_space<vmem>> -> memref<512x64xf32, #tpu.memory_space<vmem>>
        %dma_start3A_559 = arith.constant 0 : i32
        %dma_start3A_560 = tpu.memref_slice %arg7[%dma_start3A_553, %dma_start3A_559] : memref<2x512xi32, #tpu.memory_space<vmem>> -> memref<1x512xi32, #tpu.memory_space<vmem>>
        %dma_start3A_561 = tpu.memref_squeeze %dma_start3A_560 : memref<1x512xi32, #tpu.memory_space<vmem>> -> memref<512xi32, #tpu.memory_space<vmem>>
        %dma_start3A_562 = arith.constant 0 : i32
        %dma_start3A_563 = arith.constant 0 : i32
        %dma_start3A_564 = tpu.memref_slice %arg3[%dma_start3A_562, %dma_start3A_563] : memref<100000x64xf32, #tpu.memory_space<hbm>> -> memref<100000x64xf32, #tpu.memory_space<hbm>>
        tpu.enqueue_indirect_dma source(%dma_start3A_564 : memref<100000x64xf32, #tpu.memory_space<hbm>>) target(%dma_start3A_558 : memref<512x64xf32, #tpu.memory_space<vmem>>) offsets(%dma_start3A_561 : memref<512xi32, #tpu.memory_space<vmem>>) semaphore(%arg10 : memref<!tpu.dma_semaphore, #tpu.memory_space<semaphore_mem>>)
      } else {
      }
      %dma_wait3A_331 = arith.constant 1 : i32
      %dma_wait3A_332 = arith.constant 1 : i32
      %dma_wait3A_333 = arith.constant 0 : i32
      %dma_wait3A_334 = arith.constant 0 : i32
      %dma_wait3A_335 = tpu.memref_slice %arg8[%dma_wait3A_332, %dma_wait3A_333, %dma_wait3A_334] : memref<2x512x64xf32, #tpu.memory_space<vmem>> -> memref<1x512x64xf32, #tpu.memory_space<vmem>>
      %dma_wait3A_336 = tpu.memref_squeeze %dma_wait3A_335 : memref<1x512x64xf32, #tpu.memory_space<vmem>> -> memref<512x64xf32, #tpu.memory_space<vmem>>
      %dma_wait3A_337 = arith.constant 0 : i32
      %dma_wait3A_338 = tpu.memref_slice %arg7[%dma_wait3A_331, %dma_wait3A_337] : memref<2x512xi32, #tpu.memory_space<vmem>> -> memref<1x512xi32, #tpu.memory_space<vmem>>
      %dma_wait3A_339 = tpu.memref_squeeze %dma_wait3A_338 : memref<1x512xi32, #tpu.memory_space<vmem>> -> memref<512xi32, #tpu.memory_space<vmem>>
      %dma_wait3A_340 = arith.constant 0 : i32
      %dma_wait3A_341 = arith.constant 0 : i32
      %dma_wait3A_342 = tpu.memref_slice %arg3[%dma_wait3A_340, %dma_wait3A_341] : memref<100000x64xf32, #tpu.memory_space<hbm>> -> memref<100000x64xf32, #tpu.memory_space<hbm>>
      tpu.wait_indirect_dma semaphore(%arg11 : memref<!tpu.dma_semaphore, #tpu.memory_space<semaphore_mem>>) src(%dma_wait3A_342 : memref<100000x64xf32, #tpu.memory_space<hbm>>) dst(%dma_wait3A_336 : memref<512x64xf32, #tpu.memory_space<vmem>>)
      %add3A_343 = arith.constant 2 : i32
      %add3A_344 = arith.addi %add3A_323, %add3A_343 : i32
      %lt3A_345 = arith.constant 50 : i32
      %lt3A_346 = arith.cmpi slt, %add3A_344, %lt3A_345 : i32
      %convert_element_type3A_347 = arith.extui %lt3A_346 : i1 to i32
      %cond3A_348 = arith.constant 0 : i32
      %cond3A_349 = arith.cmpi ne, %convert_element_type3A_347, %cond3A_348 : i32
      scf.if %cond3A_349 {
        %add3A_538 = arith.constant 2 : i32
        %add3A_539 = arith.addi %add3A_323, %add3A_538 : i32
        %dma_start3A_540 = arith.constant 1 : i32
        %dma_start3A_541 = arith.constant 0 : i32
        %dma_start3A_542 = tpu.memref_slice %arg7[%dma_start3A_540, %dma_start3A_541] : memref<2x512xi32, #tpu.memory_space<vmem>> -> memref<1x512xi32, #tpu.memory_space<vmem>>
        %dma_start3A_543 = tpu.memref_squeeze %dma_start3A_542 : memref<1x512xi32, #tpu.memory_space<vmem>> -> memref<512xi32, #tpu.memory_space<vmem>>
        %dma_start3A_544 = arith.constant 0 : i32
        %dma_start3A_545 = tpu.memref_slice %arg2[%add3A_539, %add3A, %dma_start3A_544] : memref<50x32x512xi32, #tpu.memory_space<hbm>> -> memref<1x1x512xi32, #tpu.memory_space<hbm>>
        %dma_start3A_546 = tpu.memref_squeeze %dma_start3A_545 : memref<1x1x512xi32, #tpu.memory_space<hbm>> -> memref<512xi32, #tpu.memory_space<hbm>>
        %dma_start3A_547 = arith.constant 0 : i32
        %dma_start3A_548 = tpu.memref_slice %arg7[%dma_start3A_540, %dma_start3A_547] : memref<2x512xi32, #tpu.memory_space<vmem>> -> memref<1x512xi32, #tpu.memory_space<vmem>>
        %dma_start3A_549 = tpu.memref_squeeze %dma_start3A_548 : memref<1x512xi32, #tpu.memory_space<vmem>> -> memref<512xi32, #tpu.memory_space<vmem>>
        %dma_start3A_550 = arith.constant 0 : i32
        %dma_start3A_551 = tpu.memref_slice %arg2[%add3A_539, %add3A, %dma_start3A_550] : memref<50x32x512xi32, #tpu.memory_space<hbm>> -> memref<1x1x512xi32, #tpu.memory_space<hbm>>
        %dma_start3A_552 = tpu.memref_squeeze %dma_start3A_551 : memref<1x1x512xi32, #tpu.memory_space<hbm>> -> memref<512xi32, #tpu.memory_space<hbm>>
        tpu.enqueue_dma source(%dma_start3A_552 : memref<512xi32, #tpu.memory_space<hbm>>) target(%dma_start3A_549 : memref<512xi32, #tpu.memory_space<vmem>>) target_semaphore(%arg13 : memref<!tpu.dma_semaphore, #tpu.memory_space<semaphore_mem>>)
      } else {
      }
      %mul3A_350 = arith.constant 4 : i32
      %mul3A_351 = arith.muli %add3A_323, %mul3A_350 : i32
      %add3A_352 = arith.constant 0 : i32
      %add3A_353 = arith.addi %mul3A_351, %add3A_352 : i32
      %get3A_354 = arith.index_cast %add3A_353 : i32 to index
      %get3A_355 = arith.constant 0 : index
      %get3A_356 = tpu.vector_load %arg6[%get3A_354, %get3A_355] {strides = array<i32>} : memref<200x64xf32, #tpu.memory_space<vmem>>, vector<16xf32>,
      %mul3A_357 = arith.constant 4 : i32
      %mul3A_358 = arith.muli %add3A_323, %mul3A_357 : i32
      %add3A_359 = arith.constant 0 : i32
      %add3A_360 = arith.addi %mul3A_358, %add3A_359 : i32
      %get3A_361 = arith.index_cast %add3A_360 : i32 to index
      %get3A_362 = arith.constant 16 : index
      %get3A_363 = tpu.vector_load %arg6[%get3A_361, %get3A_362] {strides = array<i32>} : memref<200x64xf32, #tpu.memory_space<vmem>>, vector<16xf32>,
      %mul3A_364 = arith.constant 4 : i32
      %mul3A_365 = arith.muli %add3A_323, %mul3A_364 : i32
      %add3A_366 = arith.constant 0 : i32
      %add3A_367 = arith.addi %mul3A_365, %add3A_366 : i32
      %get3A_368 = arith.index_cast %add3A_367 : i32 to index
      %get3A_369 = arith.constant 32 : index
      %get3A_370 = tpu.vector_load %arg6[%get3A_368, %get3A_369] {strides = array<i32>} : memref<200x64xf32, #tpu.memory_space<vmem>>, vector<16xf32>,
      %mul3A_371 = arith.constant 4 : i32
      %mul3A_372 = arith.muli %add3A_323, %mul3A_371 : i32
      %add3A_373 = arith.constant 0 : i32
      %add3A_374 = arith.addi %mul3A_372, %add3A_373 : i32
      %get3A_375 = arith.index_cast %add3A_374 : i32 to index
      %get3A_376 = arith.constant 48 : index
      %get3A_377 = tpu.vector_load %arg6[%get3A_375, %get3A_376] {strides = array<i32>} : memref<200x64xf32, #tpu.memory_space<vmem>>, vector<16xf32>,
      %mul3A_378 = arith.constant 4 : i32
      %mul3A_379 = arith.muli %add3A_323, %mul3A_378 : i32
      %add3A_380 = arith.constant 1 : i32
      %add3A_381 = arith.addi %mul3A_379, %add3A_380 : i32
      %get3A_382 = arith.index_cast %add3A_381 : i32 to index
      %get3A_383 = arith.constant 0 : index
      %get3A_384 = tpu.vector_load %arg6[%get3A_382, %get3A_383] {strides = array<i32>} : memref<200x64xf32, #tpu.memory_space<vmem>>, vector<16xf32>,
      %mul3A_385 = arith.constant 4 : i32
      %mul3A_386 = arith.muli %add3A_323, %mul3A_385 : i32
      %add3A_387 = arith.constant 1 : i32
      %add3A_388 = arith.addi %mul3A_386, %add3A_387 : i32
      %get3A_389 = arith.index_cast %add3A_388 : i32 to index
      %get3A_390 = arith.constant 16 : index
      %get3A_391 = tpu.vector_load %arg6[%get3A_389, %get3A_390] {strides = array<i32>} : memref<200x64xf32, #tpu.memory_space<vmem>>, vector<16xf32>,
      %mul3A_392 = arith.constant 4 : i32
      %mul3A_393 = arith.muli %add3A_323, %mul3A_392 : i32
      %add3A_394 = arith.constant 1 : i32
      %add3A_395 = arith.addi %mul3A_393, %add3A_394 : i32
      %get3A_396 = arith.index_cast %add3A_395 : i32 to index
      %get3A_397 = arith.constant 32 : index
      %get3A_398 = tpu.vector_load %arg6[%get3A_396, %get3A_397] {strides = array<i32>} : memref<200x64xf32, #tpu.memory_space<vmem>>, vector<16xf32>,
      %mul3A_399 = arith.constant 4 : i32
      %mul3A_400 = arith.muli %add3A_323, %mul3A_399 : i32
      %add3A_401 = arith.constant 1 : i32
      %add3A_402 = arith.addi %mul3A_400, %add3A_401 : i32
      %get3A_403 = arith.index_cast %add3A_402 : i32 to index
      %get3A_404 = arith.constant 48 : index
      %get3A_405 = tpu.vector_load %arg6[%get3A_403, %get3A_404] {strides = array<i32>} : memref<200x64xf32, #tpu.memory_space<vmem>>, vector<16xf32>,
      %mul3A_406 = arith.constant 4 : i32
      %mul3A_407 = arith.muli %add3A_323, %mul3A_406 : i32
      %add3A_408 = arith.constant 2 : i32
      %add3A_409 = arith.addi %mul3A_407, %add3A_408 : i32
      %get3A_410 = arith.index_cast %add3A_409 : i32 to index
      %get3A_411 = arith.constant 0 : index
      %get3A_412 = tpu.vector_load %arg6[%get3A_410, %get3A_411] {strides = array<i32>} : memref<200x64xf32, #tpu.memory_space<vmem>>, vector<16xf32>,
      %mul3A_413 = arith.constant 4 : i32
      %mul3A_414 = arith.muli %add3A_323, %mul3A_413 : i32
      %add3A_415 = arith.constant 2 : i32
      %add3A_416 = arith.addi %mul3A_414, %add3A_415 : i32
      %get3A_417 = arith.index_cast %add3A_416 : i32 to index
      %get3A_418 = arith.constant 16 : index
      %get3A_419 = tpu.vector_load %arg6[%get3A_417, %get3A_418] {strides = array<i32>} : memref<200x64xf32, #tpu.memory_space<vmem>>, vector<16xf32>,
      %mul3A_420 = arith.constant 4 : i32
      %mul3A_421 = arith.muli %add3A_323, %mul3A_420 : i32
      %add3A_422 = arith.constant 2 : i32
      %add3A_423 = arith.addi %mul3A_421, %add3A_422 : i32
      %get3A_424 = arith.index_cast %add3A_423 : i32 to index
      %get3A_425 = arith.constant 32 : index
      %get3A_426 = tpu.vector_load %arg6[%get3A_424, %get3A_425] {strides = array<i32>} : memref<200x64xf32, #tpu.memory_space<vmem>>, vector<16xf32>,
      %mul3A_427 = arith.constant 4 : i32
      %mul3A_428 = arith.muli %add3A_323, %mul3A_427 : i32
      %add3A_429 = arith.constant 2 : i32
      %add3A_430 = arith.addi %mul3A_428, %add3A_429 : i32
      %get3A_431 = arith.index_cast %add3A_430 : i32 to index
      %get3A_432 = arith.constant 48 : index
      %get3A_433 = tpu.vector_load %arg6[%get3A_431, %get3A_432] {strides = array<i32>} : memref<200x64xf32, #tpu.memory_space<vmem>>, vector<16xf32>,
      %mul3A_434 = arith.constant 4 : i32
      %mul3A_435 = arith.muli %add3A_323, %mul3A_434 : i32
      %add3A_436 = arith.constant 3 : i32
      %add3A_437 = arith.addi %mul3A_435, %add3A_436 : i32
      %get3A_438 = arith.index_cast %add3A_437 : i32 to index
      %get3A_439 = arith.constant 0 : index
      %get3A_440 = tpu.vector_load %arg6[%get3A_438, %get3A_439] {strides = array<i32>} : memref<200x64xf32, #tpu.memory_space<vmem>>, vector<16xf32>,
      %mul3A_441 = arith.constant 4 : i32
      %mul3A_442 = arith.muli %add3A_323, %mul3A_441 : i32
      %add3A_443 = arith.constant 3 : i32
      %add3A_444 = arith.addi %mul3A_442, %add3A_443 : i32
      %get3A_445 = arith.index_cast %add3A_444 : i32 to index
      %get3A_446 = arith.constant 16 : index
      %get3A_447 = tpu.vector_load %arg6[%get3A_445, %get3A_446] {strides = array<i32>} : memref<200x64xf32, #tpu.memory_space<vmem>>, vector<16xf32>,
      %mul3A_448 = arith.constant 4 : i32
      %mul3A_449 = arith.muli %add3A_323, %mul3A_448 : i32
      %add3A_450 = arith.constant 3 : i32
      %add3A_451 = arith.addi %mul3A_449, %add3A_450 : i32
      %get3A_452 = arith.index_cast %add3A_451 : i32 to index
      %get3A_453 = arith.constant 32 : index
      %get3A_454 = tpu.vector_load %arg6[%get3A_452, %get3A_453] {strides = array<i32>} : memref<200x64xf32, #tpu.memory_space<vmem>>, vector<16xf32>,
      %mul3A_455 = arith.constant 4 : i32
      %mul3A_456 = arith.muli %add3A_323, %mul3A_455 : i32
      %add3A_457 = arith.constant 3 : i32
      %add3A_458 = arith.addi %mul3A_456, %add3A_457 : i32
      %get3A_459 = arith.index_cast %add3A_458 : i32 to index
      %get3A_460 = arith.constant 48 : index
      %get3A_461 = tpu.vector_load %arg6[%get3A_459, %get3A_460] {strides = array<i32>} : memref<200x64xf32, #tpu.memory_space<vmem>>, vector<16xf32>,
      %ge3A_462 = arith.constant 1 : i32
      %ge3A_463 = arith.cmpi sge, %add3A_323, %ge3A_462 : i32
      %convert_element_type3A_464 = arith.extui %ge3A_463 : i1 to i32
      %cond3A_465 = arith.constant 0 : i32
      %cond3A_466 = arith.cmpi ne, %convert_element_type3A_464, %cond3A_465 : i32
      scf.if %cond3A_466 {
        %sub3A = arith.constant 1 : i32
        %sub3A_538 = arith.subi %add3A_323, %sub3A : i32
        %mul3A_539 = arith.constant 4 : i32
        %mul3A_540 = arith.muli %sub3A_538, %mul3A_539 : i32
        %add3A_541 = arith.constant 0 : i32
        %add3A_542 = arith.addi %mul3A_540, %add3A_541 : i32
        %dma_wait3A_543 = arith.constant 0 : i32
        %dma_wait3A_544 = arith.constant 0 : i32
        %dma_wait3A_545 = arith.constant 0 : i32
        %dma_wait3A_546 = arith.constant 0 : i32
        %dma_wait3A_547 = arith.constant 0 : i32
        %dma_wait3A_548 = tpu.memref_slice %arg9[%dma_wait3A_543, %dma_wait3A_544, %dma_wait3A_545, %dma_wait3A_546, %dma_wait3A_547] : memref<2x2x8x8x129xf32, #tpu.memory_space<vmem>> -> memref<1x2x8x8x128xf32, #tpu.memory_space<vmem>>
        %dma_wait3A_549 = tpu.memref_squeeze %dma_wait3A_548 : memref<1x2x8x8x128xf32, #tpu.memory_space<vmem>> -> memref<2x8x8x128xf32, #tpu.memory_space<vmem>>
        %dma_wait3A_550 = arith.constant 0 : i32
        %dma_wait3A_551 = arith.constant 0 : i32
        %dma_wait3A_552 = arith.constant 0 : i32
        %dma_wait3A_553 = tpu.memref_slice %arg5[%add3A_542, %dma_wait3A_550, %add3A, %dma_wait3A_551, %dma_wait3A_552] : memref<200x8x32x8x128xf32, #tpu.memory_space<hbm>> -> memref<2x8x1x8x128xf32, #tpu.memory_space<hbm>>
        %dma_wait3A_554 = tpu.memref_squeeze %dma_wait3A_553 : memref<2x8x1x8x128xf32, #tpu.memory_space<hbm>> -> memref<2x8x8x128xf32, #tpu.memory_space<hbm>>
        %dma_wait3A_555 = arith.constant 0 : i32
        %dma_wait3A_556 = arith.constant 0 : i32
        %dma_wait3A_557 = arith.constant 0 : i32
        %dma_wait3A_558 = tpu.memref_slice %arg5[%add3A_542, %dma_wait3A_555, %add3A, %dma_wait3A_556, %dma_wait3A_557] : memref<200x8x32x8x128xf32, #tpu.memory_space<hbm>> -> memref<2x8x1x8x128xf32, #tpu.memory_space<hbm>>
        %dma_wait3A_559 = tpu.memref_squeeze %dma_wait3A_558 : memref<2x8x1x8x128xf32, #tpu.memory_space<hbm>> -> memref<2x8x8x128xf32, #tpu.memory_space<hbm>>
        %dma_wait3A_560 = arith.constant 0 : i32
        %dma_wait3A_561 = arith.constant 0 : i32
        %dma_wait3A_562 = arith.constant 0 : i32
        %dma_wait3A_563 = arith.constant 0 : i32
        %dma_wait3A_564 = tpu.memref_slice %arg9[%dma_wait3A_543, %dma_wait3A_560, %dma_wait3A_561, %dma_wait3A_562, %dma_wait3A_563] : memref<2x2x8x8x129xf32, #tpu.memory_space<vmem>> -> memref<1x2x8x8x128xf32, #tpu.memory_space<vmem>>
        %dma_wait3A_565 = tpu.memref_squeeze %dma_wait3A_564 : memref<1x2x8x8x128xf32, #tpu.memory_space<vmem>> -> memref<2x8x8x128xf32, #tpu.memory_space<vmem>>
        tpu.wait_dma2 semaphore(%arg14 : memref<!tpu.dma_semaphore, #tpu.memory_space<semaphore_mem>>) src(%dma_wait3A_565 : memref<2x8x8x128xf32, #tpu.memory_space<vmem>>) dst(%dma_wait3A_559 : memref<2x8x8x128xf32, #tpu.memory_space<hbm>>)
      } else {
      }
      %scan3A_467 = arith.constant 0 : i32
      %scan3A_468 = arith.constant 0 : i32
      %scan3A_469 = arith.constant 64 : i32
      %scan3A_470 = arith.addi %scan3A_468, %scan3A_469 : i32
      %scan3A_471 = arith.constant 1 : i32
      scf.for %scan3A_538 = %scan3A_468 to %scan3A_470 step %scan3A_471  : i32 {
        %iota3A = tpu.iota {dimensions = array<i32: 0>} : vector<16xi32>
        %mul3A_539 = arith.constant 2 : i32
        %mul3A_540 = arith.muli %scan3A_538, %mul3A_539 : i32
        %add3A_541 = arith.constant 0 : i32
        %add3A_542 = arith.addi %mul3A_540, %add3A_541 : i32
        %broadcast_in_dim3A = arith.constant 0 : i32
        %broadcast_in_dim3A_543 = vector.broadcast %broadcast_in_dim3A : i32 to vector<16xi32>
        %add3A_544 = vector.broadcast %add3A_542 : i32 to vector<16xi32>
        %add3A_545 = arith.addi %broadcast_in_dim3A_543, %add3A_544 : vector<16xi32>
        %add3A_546 = arith.constant 0 : i32
        %add3A_547 = arith.addi %add3A_546, %add3A_542 : i32
        %get3A_548 = arith.constant 1 : i32
        %get3A_549 = arith.index_cast %get3A_548 : i32 to index
        %get3A_550 = arith.index_cast %add3A_547 : i32 to index
        %get3A_551 = arith.constant 0 : index
        %get3A_552 = tpu.vector_load %arg8[%get3A_549, %get3A_550, %get3A_551] {strides = array<i32>} : memref<2x512x64xf32, #tpu.memory_space<vmem>>, vector<16xf32>,
        %add3A_553 = arith.addf %get3A_552, %get3A_356 : vector<16xf32>
        %add3A_554 = arith.constant 0 : i32
        %add3A_555 = arith.addi %add3A_554, %add3A_542 : i32
        %get3A_556 = arith.constant 1 : i32
        %get3A_557 = arith.index_cast %get3A_556 : i32 to index
        %get3A_558 = arith.index_cast %add3A_555 : i32 to index
        %get3A_559 = arith.constant 16 : index
        %get3A_560 = tpu.vector_load %arg8[%get3A_557, %get3A_558, %get3A_559] {strides = array<i32>} : memref<2x512x64xf32, #tpu.memory_space<vmem>>, vector<16xf32>,
        %add3A_561 = arith.addf %get3A_560, %get3A_363 : vector<16xf32>
        %add3A_562 = arith.constant 0 : i32
        %add3A_563 = arith.addi %add3A_562, %add3A_542 : i32
        %get3A_564 = arith.constant 1 : i32
        %get3A_565 = arith.index_cast %get3A_564 : i32 to index
        %get3A_566 = arith.index_cast %add3A_563 : i32 to index
        %get3A_567 = arith.constant 32 : index
        %get3A_568 = tpu.vector_load %arg8[%get3A_565, %get3A_566, %get3A_567] {strides = array<i32>} : memref<2x512x64xf32, #tpu.memory_space<vmem>>, vector<16xf32>,
        %add3A_569 = arith.addf %get3A_568, %get3A_370 : vector<16xf32>
        %add3A_570 = arith.constant 0 : i32
        %add3A_571 = arith.addi %add3A_570, %add3A_542 : i32
        %get3A_572 = arith.constant 1 : i32
        %get3A_573 = arith.index_cast %get3A_572 : i32 to index
        %get3A_574 = arith.index_cast %add3A_571 : i32 to index
        %get3A_575 = arith.constant 48 : index
        %get3A_576 = tpu.vector_load %arg8[%get3A_573, %get3A_574, %get3A_575] {strides = array<i32>} : memref<2x512x64xf32, #tpu.memory_space<vmem>>, vector<16xf32>,
        %add3A_577 = arith.addf %get3A_576, %get3A_377 : vector<16xf32>
        %add3A_578 = arith.constant 128 : i32
        %add3A_579 = arith.addi %add3A_578, %add3A_542 : i32
        %get3A_580 = arith.constant 1 : i32
        %get3A_581 = arith.index_cast %get3A_580 : i32 to index
        %get3A_582 = arith.index_cast %add3A_579 : i32 to index
        %get3A_583 = arith.constant 0 : index
        %get3A_584 = tpu.vector_load %arg8[%get3A_581, %get3A_582, %get3A_583] {strides = array<i32>} : memref<2x512x64xf32, #tpu.memory_space<vmem>>, vector<16xf32>,
        %add3A_585 = arith.addf %get3A_584, %get3A_384 : vector<16xf32>
        %add3A_586 = arith.constant 128 : i32
        %add3A_587 = arith.addi %add3A_586, %add3A_542 : i32
        %get3A_588 = arith.constant 1 : i32
        %get3A_589 = arith.index_cast %get3A_588 : i32 to index
        %get3A_590 = arith.index_cast %add3A_587 : i32 to index
        %get3A_591 = arith.constant 16 : index
        %get3A_592 = tpu.vector_load %arg8[%get3A_589, %get3A_590, %get3A_591] {strides = array<i32>} : memref<2x512x64xf32, #tpu.memory_space<vmem>>, vector<16xf32>,
        %add3A_593 = arith.addf %get3A_592, %get3A_391 : vector<16xf32>
        %add3A_594 = arith.constant 128 : i32
        %add3A_595 = arith.addi %add3A_594, %add3A_542 : i32
        %get3A_596 = arith.constant 1 : i32
        %get3A_597 = arith.index_cast %get3A_596 : i32 to index
        %get3A_598 = arith.index_cast %add3A_595 : i32 to index
        %get3A_599 = arith.constant 32 : index
        %get3A_600 = tpu.vector_load %arg8[%get3A_597, %get3A_598, %get3A_599] {strides = array<i32>} : memref<2x512x64xf32, #tpu.memory_space<vmem>>, vector<16xf32>,
        %add3A_601 = arith.addf %get3A_600, %get3A_398 : vector<16xf32>
        %add3A_602 = arith.constant 128 : i32
        %add3A_603 = arith.addi %add3A_602, %add3A_542 : i32
        %get3A_604 = arith.constant 1 : i32
        %get3A_605 = arith.index_cast %get3A_604 : i32 to index
        %get3A_606 = arith.index_cast %add3A_603 : i32 to index
        %get3A_607 = arith.constant 48 : index
        %get3A_608 = tpu.vector_load %arg8[%get3A_605, %get3A_606, %get3A_607] {strides = array<i32>} : memref<2x512x64xf32, #tpu.memory_space<vmem>>, vector<16xf32>,
        %add3A_609 = arith.addf %get3A_608, %get3A_405 : vector<16xf32>
        %add3A_610 = arith.constant 0 : i32
        %add3A_611 = vector.broadcast %add3A_610 : i32 to vector<16xi32>
        %add3A_612 = arith.addi %iota3A, %add3A_611 : vector<16xi32>
        %broadcast_in_dim3A_613 = arith.constant 0 : i32
        %broadcast_in_dim3A_614 = vector.broadcast %broadcast_in_dim3A_613 : i32 to vector<16xi32>
        %broadcast_in_dim3A_615 = arith.constant 0 : i32
        %broadcast_in_dim3A_616 = vector.broadcast %broadcast_in_dim3A_615 : i32 to vector<16xi32>
        %shift_right_arithmetic3A = arith.constant 3 : i32
        %shift_right_arithmetic3A_617 = vector.broadcast %shift_right_arithmetic3A : i32 to vector<16xi32>
        %shift_right_arithmetic3A_618 = arith.shrsi %add3A_612, %shift_right_arithmetic3A_617 : vector<16xi32>
        %and3A = arith.constant 7 : i32
        %and3A_619 = vector.broadcast %and3A : i32 to vector<16xi32>
        %and3A_620 = arith.andi %add3A_612, %and3A_619 : vector<16xi32>
        tpu.vector_store_idx %arg9[%broadcast_in_dim3A_614, %broadcast_in_dim3A_616, %shift_right_arithmetic3A_618, %and3A_620, %add3A_545], %add3A_553 : memref<2x2x8x8x129xf32, #tpu.memory_space<vmem>>[vector<16xi32>, vector<16xi32>, vector<16xi32>, vector<16xi32>, vector<16xi32>], vector<16xf32>,
        %add3A_621 = arith.constant 16 : i32
        %add3A_622 = vector.broadcast %add3A_621 : i32 to vector<16xi32>
        %add3A_623 = arith.addi %iota3A, %add3A_622 : vector<16xi32>
        %broadcast_in_dim3A_624 = arith.constant 0 : i32
        %broadcast_in_dim3A_625 = vector.broadcast %broadcast_in_dim3A_624 : i32 to vector<16xi32>
        %broadcast_in_dim3A_626 = arith.constant 0 : i32
        %broadcast_in_dim3A_627 = vector.broadcast %broadcast_in_dim3A_626 : i32 to vector<16xi32>
        %shift_right_arithmetic3A_628 = arith.constant 3 : i32
        %shift_right_arithmetic3A_629 = vector.broadcast %shift_right_arithmetic3A_628 : i32 to vector<16xi32>
        %shift_right_arithmetic3A_630 = arith.shrsi %add3A_623, %shift_right_arithmetic3A_629 : vector<16xi32>
        %and3A_631 = arith.constant 7 : i32
        %and3A_632 = vector.broadcast %and3A_631 : i32 to vector<16xi32>
        %and3A_633 = arith.andi %add3A_623, %and3A_632 : vector<16xi32>
        tpu.vector_store_idx %arg9[%broadcast_in_dim3A_625, %broadcast_in_dim3A_627, %shift_right_arithmetic3A_630, %and3A_633, %add3A_545], %add3A_561 : memref<2x2x8x8x129xf32, #tpu.memory_space<vmem>>[vector<16xi32>, vector<16xi32>, vector<16xi32>, vector<16xi32>, vector<16xi32>], vector<16xf32>,
        %add3A_634 = arith.constant 32 : i32
        %add3A_635 = vector.broadcast %add3A_634 : i32 to vector<16xi32>
        %add3A_636 = arith.addi %iota3A, %add3A_635 : vector<16xi32>
        %broadcast_in_dim3A_637 = arith.constant 0 : i32
        %broadcast_in_dim3A_638 = vector.broadcast %broadcast_in_dim3A_637 : i32 to vector<16xi32>
        %broadcast_in_dim3A_639 = arith.constant 0 : i32
        %broadcast_in_dim3A_640 = vector.broadcast %broadcast_in_dim3A_639 : i32 to vector<16xi32>
        %shift_right_arithmetic3A_641 = arith.constant 3 : i32
        %shift_right_arithmetic3A_642 = vector.broadcast %shift_right_arithmetic3A_641 : i32 to vector<16xi32>
        %shift_right_arithmetic3A_643 = arith.shrsi %add3A_636, %shift_right_arithmetic3A_642 : vector<16xi32>
        %and3A_644 = arith.constant 7 : i32
        %and3A_645 = vector.broadcast %and3A_644 : i32 to vector<16xi32>
        %and3A_646 = arith.andi %add3A_636, %and3A_645 : vector<16xi32>
        tpu.vector_store_idx %arg9[%broadcast_in_dim3A_638, %broadcast_in_dim3A_640, %shift_right_arithmetic3A_643, %and3A_646, %add3A_545], %add3A_569 : memref<2x2x8x8x129xf32, #tpu.memory_space<vmem>>[vector<16xi32>, vector<16xi32>, vector<16xi32>, vector<16xi32>, vector<16xi32>], vector<16xf32>,
        %add3A_647 = arith.constant 48 : i32
        %add3A_648 = vector.broadcast %add3A_647 : i32 to vector<16xi32>
        %add3A_649 = arith.addi %iota3A, %add3A_648 : vector<16xi32>
        %broadcast_in_dim3A_650 = arith.constant 0 : i32
        %broadcast_in_dim3A_651 = vector.broadcast %broadcast_in_dim3A_650 : i32 to vector<16xi32>
        %broadcast_in_dim3A_652 = arith.constant 0 : i32
        %broadcast_in_dim3A_653 = vector.broadcast %broadcast_in_dim3A_652 : i32 to vector<16xi32>
        %shift_right_arithmetic3A_654 = arith.constant 3 : i32
        %shift_right_arithmetic3A_655 = vector.broadcast %shift_right_arithmetic3A_654 : i32 to vector<16xi32>
        %shift_right_arithmetic3A_656 = arith.shrsi %add3A_649, %shift_right_arithmetic3A_655 : vector<16xi32>
        %and3A_657 = arith.constant 7 : i32
        %and3A_658 = vector.broadcast %and3A_657 : i32 to vector<16xi32>
        %and3A_659 = arith.andi %add3A_649, %and3A_658 : vector<16xi32>
        tpu.vector_store_idx %arg9[%broadcast_in_dim3A_651, %broadcast_in_dim3A_653, %shift_right_arithmetic3A_656, %and3A_659, %add3A_545], %add3A_577 : memref<2x2x8x8x129xf32, #tpu.memory_space<vmem>>[vector<16xi32>, vector<16xi32>, vector<16xi32>, vector<16xi32>, vector<16xi32>], vector<16xf32>,
        %add3A_660 = arith.constant 0 : i32
        %add3A_661 = vector.broadcast %add3A_660 : i32 to vector<16xi32>
        %add3A_662 = arith.addi %iota3A, %add3A_661 : vector<16xi32>
        %broadcast_in_dim3A_663 = arith.constant 0 : i32
        %broadcast_in_dim3A_664 = vector.broadcast %broadcast_in_dim3A_663 : i32 to vector<16xi32>
        %broadcast_in_dim3A_665 = arith.constant 1 : i32
        %broadcast_in_dim3A_666 = vector.broadcast %broadcast_in_dim3A_665 : i32 to vector<16xi32>
        %shift_right_arithmetic3A_667 = arith.constant 3 : i32
        %shift_right_arithmetic3A_668 = vector.broadcast %shift_right_arithmetic3A_667 : i32 to vector<16xi32>
        %shift_right_arithmetic3A_669 = arith.shrsi %add3A_662, %shift_right_arithmetic3A_668 : vector<16xi32>
        %and3A_670 = arith.constant 7 : i32
        %and3A_671 = vector.broadcast %and3A_670 : i32 to vector<16xi32>
        %and3A_672 = arith.andi %add3A_662, %and3A_671 : vector<16xi32>
        tpu.vector_store_idx %arg9[%broadcast_in_dim3A_664, %broadcast_in_dim3A_666, %shift_right_arithmetic3A_669, %and3A_672, %add3A_545], %add3A_585 : memref<2x2x8x8x129xf32, #tpu.memory_space<vmem>>[vector<16xi32>, vector<16xi32>, vector<16xi32>, vector<16xi32>, vector<16xi32>], vector<16xf32>,
        %add3A_673 = arith.constant 16 : i32
        %add3A_674 = vector.broadcast %add3A_673 : i32 to vector<16xi32>
        %add3A_675 = arith.addi %iota3A, %add3A_674 : vector<16xi32>
        %broadcast_in_dim3A_676 = arith.constant 0 : i32
        %broadcast_in_dim3A_677 = vector.broadcast %broadcast_in_dim3A_676 : i32 to vector<16xi32>
        %broadcast_in_dim3A_678 = arith.constant 1 : i32
        %broadcast_in_dim3A_679 = vector.broadcast %broadcast_in_dim3A_678 : i32 to vector<16xi32>
        %shift_right_arithmetic3A_680 = arith.constant 3 : i32
        %shift_right_arithmetic3A_681 = vector.broadcast %shift_right_arithmetic3A_680 : i32 to vector<16xi32>
        %shift_right_arithmetic3A_682 = arith.shrsi %add3A_675, %shift_right_arithmetic3A_681 : vector<16xi32>
        %and3A_683 = arith.constant 7 : i32
        %and3A_684 = vector.broadcast %and3A_683 : i32 to vector<16xi32>
        %and3A_685 = arith.andi %add3A_675, %and3A_684 : vector<16xi32>
        tpu.vector_store_idx %arg9[%broadcast_in_dim3A_677, %broadcast_in_dim3A_679, %shift_right_arithmetic3A_682, %and3A_685, %add3A_545], %add3A_593 : memref<2x2x8x8x129xf32, #tpu.memory_space<vmem>>[vector<16xi32>, vector<16xi32>, vector<16xi32>, vector<16xi32>, vector<16xi32>], vector<16xf32>,
        %add3A_686 = arith.constant 32 : i32
        %add3A_687 = vector.broadcast %add3A_686 : i32 to vector<16xi32>
        %add3A_688 = arith.addi %iota3A, %add3A_687 : vector<16xi32>
        %broadcast_in_dim3A_689 = arith.constant 0 : i32
        %broadcast_in_dim3A_690 = vector.broadcast %broadcast_in_dim3A_689 : i32 to vector<16xi32>
        %broadcast_in_dim3A_691 = arith.constant 1 : i32
        %broadcast_in_dim3A_692 = vector.broadcast %broadcast_in_dim3A_691 : i32 to vector<16xi32>
        %shift_right_arithmetic3A_693 = arith.constant 3 : i32
        %shift_right_arithmetic3A_694 = vector.broadcast %shift_right_arithmetic3A_693 : i32 to vector<16xi32>
        %shift_right_arithmetic3A_695 = arith.shrsi %add3A_688, %shift_right_arithmetic3A_694 : vector<16xi32>
        %and3A_696 = arith.constant 7 : i32
        %and3A_697 = vector.broadcast %and3A_696 : i32 to vector<16xi32>
        %and3A_698 = arith.andi %add3A_688, %and3A_697 : vector<16xi32>
        tpu.vector_store_idx %arg9[%broadcast_in_dim3A_690, %broadcast_in_dim3A_692, %shift_right_arithmetic3A_695, %and3A_698, %add3A_545], %add3A_601 : memref<2x2x8x8x129xf32, #tpu.memory_space<vmem>>[vector<16xi32>, vector<16xi32>, vector<16xi32>, vector<16xi32>, vector<16xi32>], vector<16xf32>,
        %add3A_699 = arith.constant 48 : i32
        %add3A_700 = vector.broadcast %add3A_699 : i32 to vector<16xi32>
        %add3A_701 = arith.addi %iota3A, %add3A_700 : vector<16xi32>
        %broadcast_in_dim3A_702 = arith.constant 0 : i32
        %broadcast_in_dim3A_703 = vector.broadcast %broadcast_in_dim3A_702 : i32 to vector<16xi32>
        %broadcast_in_dim3A_704 = arith.constant 1 : i32
        %broadcast_in_dim3A_705 = vector.broadcast %broadcast_in_dim3A_704 : i32 to vector<16xi32>
        %shift_right_arithmetic3A_706 = arith.constant 3 : i32
        %shift_right_arithmetic3A_707 = vector.broadcast %shift_right_arithmetic3A_706 : i32 to vector<16xi32>
        %shift_right_arithmetic3A_708 = arith.shrsi %add3A_701, %shift_right_arithmetic3A_707 : vector<16xi32>
        %and3A_709 = arith.constant 7 : i32
        %and3A_710 = vector.broadcast %and3A_709 : i32 to vector<16xi32>
        %and3A_711 = arith.andi %add3A_701, %and3A_710 : vector<16xi32>
        tpu.vector_store_idx %arg9[%broadcast_in_dim3A_703, %broadcast_in_dim3A_705, %shift_right_arithmetic3A_708, %and3A_711, %add3A_545], %add3A_609 : memref<2x2x8x8x129xf32, #tpu.memory_space<vmem>>[vector<16xi32>, vector<16xi32>, vector<16xi32>, vector<16xi32>, vector<16xi32>], vector<16xf32>,
        %mul3A_712 = arith.constant 2 : i32
        %mul3A_713 = arith.muli %scan3A_538, %mul3A_712 : i32
        %add3A_714 = arith.constant 1 : i32
        %add3A_715 = arith.addi %mul3A_713, %add3A_714 : i32
        %broadcast_in_dim3A_716 = arith.constant 0 : i32
        %broadcast_in_dim3A_717 = vector.broadcast %broadcast_in_dim3A_716 : i32 to vector<16xi32>
        %add3A_718 = vector.broadcast %add3A_715 : i32 to vector<16xi32>
        %add3A_719 = arith.addi %broadcast_in_dim3A_717, %add3A_718 : vector<16xi32>
        %add3A_720 = arith.constant 0 : i32
        %add3A_721 = arith.addi %add3A_720, %add3A_715 : i32
        %get3A_722 = arith.constant 1 : i32
        %get3A_723 = arith.index_cast %get3A_722 : i32 to index
        %get3A_724 = arith.index_cast %add3A_721 : i32 to index
        %get3A_725 = arith.constant 0 : index
        %get3A_726 = tpu.vector_load %arg8[%get3A_723, %get3A_724, %get3A_725] {strides = array<i32>} : memref<2x512x64xf32, #tpu.memory_space<vmem>>, vector<16xf32>,
        %add3A_727 = arith.addf %get3A_726, %get3A_356 : vector<16xf32>
        %add3A_728 = arith.constant 0 : i32
        %add3A_729 = arith.addi %add3A_728, %add3A_715 : i32
        %get3A_730 = arith.constant 1 : i32
        %get3A_731 = arith.index_cast %get3A_730 : i32 to index
        %get3A_732 = arith.index_cast %add3A_729 : i32 to index
        %get3A_733 = arith.constant 16 : index
        %get3A_734 = tpu.vector_load %arg8[%get3A_731, %get3A_732, %get3A_733] {strides = array<i32>} : memref<2x512x64xf32, #tpu.memory_space<vmem>>, vector<16xf32>,
        %add3A_735 = arith.addf %get3A_734, %get3A_363 : vector<16xf32>
        %add3A_736 = arith.constant 0 : i32
        %add3A_737 = arith.addi %add3A_736, %add3A_715 : i32
        %get3A_738 = arith.constant 1 : i32
        %get3A_739 = arith.index_cast %get3A_738 : i32 to index
        %get3A_740 = arith.index_cast %add3A_737 : i32 to index
        %get3A_741 = arith.constant 32 : index
        %get3A_742 = tpu.vector_load %arg8[%get3A_739, %get3A_740, %get3A_741] {strides = array<i32>} : memref<2x512x64xf32, #tpu.memory_space<vmem>>, vector<16xf32>,
        %add3A_743 = arith.addf %get3A_742, %get3A_370 : vector<16xf32>
        %add3A_744 = arith.constant 0 : i32
        %add3A_745 = arith.addi %add3A_744, %add3A_715 : i32
        %get3A_746 = arith.constant 1 : i32
        %get3A_747 = arith.index_cast %get3A_746 : i32 to index
        %get3A_748 = arith.index_cast %add3A_745 : i32 to index
        %get3A_749 = arith.constant 48 : index
        %get3A_750 = tpu.vector_load %arg8[%get3A_747, %get3A_748, %get3A_749] {strides = array<i32>} : memref<2x512x64xf32, #tpu.memory_space<vmem>>, vector<16xf32>,
        %add3A_751 = arith.addf %get3A_750, %get3A_377 : vector<16xf32>
        %add3A_752 = arith.constant 128 : i32
        %add3A_753 = arith.addi %add3A_752, %add3A_715 : i32
        %get3A_754 = arith.constant 1 : i32
        %get3A_755 = arith.index_cast %get3A_754 : i32 to index
        %get3A_756 = arith.index_cast %add3A_753 : i32 to index
        %get3A_757 = arith.constant 0 : index
        %get3A_758 = tpu.vector_load %arg8[%get3A_755, %get3A_756, %get3A_757] {strides = array<i32>} : memref<2x512x64xf32, #tpu.memory_space<vmem>>, vector<16xf32>,
        %add3A_759 = arith.addf %get3A_758, %get3A_384 : vector<16xf32>
        %add3A_760 = arith.constant 128 : i32
        %add3A_761 = arith.addi %add3A_760, %add3A_715 : i32
        %get3A_762 = arith.constant 1 : i32
        %get3A_763 = arith.index_cast %get3A_762 : i32 to index
        %get3A_764 = arith.index_cast %add3A_761 : i32 to index
        %get3A_765 = arith.constant 16 : index
        %get3A_766 = tpu.vector_load %arg8[%get3A_763, %get3A_764, %get3A_765] {strides = array<i32>} : memref<2x512x64xf32, #tpu.memory_space<vmem>>, vector<16xf32>,
        %add3A_767 = arith.addf %get3A_766, %get3A_391 : vector<16xf32>
        %add3A_768 = arith.constant 128 : i32
        %add3A_769 = arith.addi %add3A_768, %add3A_715 : i32
        %get3A_770 = arith.constant 1 : i32
        %get3A_771 = arith.index_cast %get3A_770 : i32 to index
        %get3A_772 = arith.index_cast %add3A_769 : i32 to index
        %get3A_773 = arith.constant 32 : index
        %get3A_774 = tpu.vector_load %arg8[%get3A_771, %get3A_772, %get3A_773] {strides = array<i32>} : memref<2x512x64xf32, #tpu.memory_space<vmem>>, vector<16xf32>,
        %add3A_775 = arith.addf %get3A_774, %get3A_398 : vector<16xf32>
        %add3A_776 = arith.constant 128 : i32
        %add3A_777 = arith.addi %add3A_776, %add3A_715 : i32
        %get3A_778 = arith.constant 1 : i32
        %get3A_779 = arith.index_cast %get3A_778 : i32 to index
        %get3A_780 = arith.index_cast %add3A_777 : i32 to index
        %get3A_781 = arith.constant 48 : index
        %get3A_782 = tpu.vector_load %arg8[%get3A_779, %get3A_780, %get3A_781] {strides = array<i32>} : memref<2x512x64xf32, #tpu.memory_space<vmem>>, vector<16xf32>,
        %add3A_783 = arith.addf %get3A_782, %get3A_405 : vector<16xf32>
        %add3A_784 = arith.constant 0 : i32
        %add3A_785 = vector.broadcast %add3A_784 : i32 to vector<16xi32>
        %add3A_786 = arith.addi %iota3A, %add3A_785 : vector<16xi32>
        %broadcast_in_dim3A_787 = arith.constant 0 : i32
        %broadcast_in_dim3A_788 = vector.broadcast %broadcast_in_dim3A_787 : i32 to vector<16xi32>
        %broadcast_in_dim3A_789 = arith.constant 0 : i32
        %broadcast_in_dim3A_790 = vector.broadcast %broadcast_in_dim3A_789 : i32 to vector<16xi32>
        %shift_right_arithmetic3A_791 = arith.constant 3 : i32
        %shift_right_arithmetic3A_792 = vector.broadcast %shift_right_arithmetic3A_791 : i32 to vector<16xi32>
        %shift_right_arithmetic3A_793 = arith.shrsi %add3A_786, %shift_right_arithmetic3A_792 : vector<16xi32>
        %and3A_794 = arith.constant 7 : i32
        %and3A_795 = vector.broadcast %and3A_794 : i32 to vector<16xi32>
        %and3A_796 = arith.andi %add3A_786, %and3A_795 : vector<16xi32>
        tpu.vector_store_idx %arg9[%broadcast_in_dim3A_788, %broadcast_in_dim3A_790, %shift_right_arithmetic3A_793, %and3A_796, %add3A_719], %add3A_727 : memref<2x2x8x8x129xf32, #tpu.memory_space<vmem>>[vector<16xi32>, vector<16xi32>, vector<16xi32>, vector<16xi32>, vector<16xi32>], vector<16xf32>,
        %add3A_797 = arith.constant 16 : i32
        %add3A_798 = vector.broadcast %add3A_797 : i32 to vector<16xi32>
        %add3A_799 = arith.addi %iota3A, %add3A_798 : vector<16xi32>
        %broadcast_in_dim3A_800 = arith.constant 0 : i32
        %broadcast_in_dim3A_801 = vector.broadcast %broadcast_in_dim3A_800 : i32 to vector<16xi32>
        %broadcast_in_dim3A_802 = arith.constant 0 : i32
        %broadcast_in_dim3A_803 = vector.broadcast %broadcast_in_dim3A_802 : i32 to vector<16xi32>
        %shift_right_arithmetic3A_804 = arith.constant 3 : i32
        %shift_right_arithmetic3A_805 = vector.broadcast %shift_right_arithmetic3A_804 : i32 to vector<16xi32>
        %shift_right_arithmetic3A_806 = arith.shrsi %add3A_799, %shift_right_arithmetic3A_805 : vector<16xi32>
        %and3A_807 = arith.constant 7 : i32
        %and3A_808 = vector.broadcast %and3A_807 : i32 to vector<16xi32>
        %and3A_809 = arith.andi %add3A_799, %and3A_808 : vector<16xi32>
        tpu.vector_store_idx %arg9[%broadcast_in_dim3A_801, %broadcast_in_dim3A_803, %shift_right_arithmetic3A_806, %and3A_809, %add3A_719], %add3A_735 : memref<2x2x8x8x129xf32, #tpu.memory_space<vmem>>[vector<16xi32>, vector<16xi32>, vector<16xi32>, vector<16xi32>, vector<16xi32>], vector<16xf32>,
        %add3A_810 = arith.constant 32 : i32
        %add3A_811 = vector.broadcast %add3A_810 : i32 to vector<16xi32>
        %add3A_812 = arith.addi %iota3A, %add3A_811 : vector<16xi32>
        %broadcast_in_dim3A_813 = arith.constant 0 : i32
        %broadcast_in_dim3A_814 = vector.broadcast %broadcast_in_dim3A_813 : i32 to vector<16xi32>
        %broadcast_in_dim3A_815 = arith.constant 0 : i32
        %broadcast_in_dim3A_816 = vector.broadcast %broadcast_in_dim3A_815 : i32 to vector<16xi32>
        %shift_right_arithmetic3A_817 = arith.constant 3 : i32
        %shift_right_arithmetic3A_818 = vector.broadcast %shift_right_arithmetic3A_817 : i32 to vector<16xi32>
        %shift_right_arithmetic3A_819 = arith.shrsi %add3A_812, %shift_right_arithmetic3A_818 : vector<16xi32>
        %and3A_820 = arith.constant 7 : i32
        %and3A_821 = vector.broadcast %and3A_820 : i32 to vector<16xi32>
        %and3A_822 = arith.andi %add3A_812, %and3A_821 : vector<16xi32>
        tpu.vector_store_idx %arg9[%broadcast_in_dim3A_814, %broadcast_in_dim3A_816, %shift_right_arithmetic3A_819, %and3A_822, %add3A_719], %add3A_743 : memref<2x2x8x8x129xf32, #tpu.memory_space<vmem>>[vector<16xi32>, vector<16xi32>, vector<16xi32>, vector<16xi32>, vector<16xi32>], vector<16xf32>,
        %add3A_823 = arith.constant 48 : i32
        %add3A_824 = vector.broadcast %add3A_823 : i32 to vector<16xi32>
        %add3A_825 = arith.addi %iota3A, %add3A_824 : vector<16xi32>
        %broadcast_in_dim3A_826 = arith.constant 0 : i32
        %broadcast_in_dim3A_827 = vector.broadcast %broadcast_in_dim3A_826 : i32 to vector<16xi32>
        %broadcast_in_dim3A_828 = arith.constant 0 : i32
        %broadcast_in_dim3A_829 = vector.broadcast %broadcast_in_dim3A_828 : i32 to vector<16xi32>
        %shift_right_arithmetic3A_830 = arith.constant 3 : i32
        %shift_right_arithmetic3A_831 = vector.broadcast %shift_right_arithmetic3A_830 : i32 to vector<16xi32>
        %shift_right_arithmetic3A_832 = arith.shrsi %add3A_825, %shift_right_arithmetic3A_831 : vector<16xi32>
        %and3A_833 = arith.constant 7 : i32
        %and3A_834 = vector.broadcast %and3A_833 : i32 to vector<16xi32>
        %and3A_835 = arith.andi %add3A_825, %and3A_834 : vector<16xi32>
        tpu.vector_store_idx %arg9[%broadcast_in_dim3A_827, %broadcast_in_dim3A_829, %shift_right_arithmetic3A_832, %and3A_835, %add3A_719], %add3A_751 : memref<2x2x8x8x129xf32, #tpu.memory_space<vmem>>[vector<16xi32>, vector<16xi32>, vector<16xi32>, vector<16xi32>, vector<16xi32>], vector<16xf32>,
        %add3A_836 = arith.constant 0 : i32
        %add3A_837 = vector.broadcast %add3A_836 : i32 to vector<16xi32>
        %add3A_838 = arith.addi %iota3A, %add3A_837 : vector<16xi32>
        %broadcast_in_dim3A_839 = arith.constant 0 : i32
        %broadcast_in_dim3A_840 = vector.broadcast %broadcast_in_dim3A_839 : i32 to vector<16xi32>
        %broadcast_in_dim3A_841 = arith.constant 1 : i32
        %broadcast_in_dim3A_842 = vector.broadcast %broadcast_in_dim3A_841 : i32 to vector<16xi32>
        %shift_right_arithmetic3A_843 = arith.constant 3 : i32
        %shift_right_arithmetic3A_844 = vector.broadcast %shift_right_arithmetic3A_843 : i32 to vector<16xi32>
        %shift_right_arithmetic3A_845 = arith.shrsi %add3A_838, %shift_right_arithmetic3A_844 : vector<16xi32>
        %and3A_846 = arith.constant 7 : i32
        %and3A_847 = vector.broadcast %and3A_846 : i32 to vector<16xi32>
        %and3A_848 = arith.andi %add3A_838, %and3A_847 : vector<16xi32>
        tpu.vector_store_idx %arg9[%broadcast_in_dim3A_840, %broadcast_in_dim3A_842, %shift_right_arithmetic3A_845, %and3A_848, %add3A_719], %add3A_759 : memref<2x2x8x8x129xf32, #tpu.memory_space<vmem>>[vector<16xi32>, vector<16xi32>, vector<16xi32>, vector<16xi32>, vector<16xi32>], vector<16xf32>,
        %add3A_849 = arith.constant 16 : i32
        %add3A_850 = vector.broadcast %add3A_849 : i32 to vector<16xi32>
        %add3A_851 = arith.addi %iota3A, %add3A_850 : vector<16xi32>
        %broadcast_in_dim3A_852 = arith.constant 0 : i32
        %broadcast_in_dim3A_853 = vector.broadcast %broadcast_in_dim3A_852 : i32 to vector<16xi32>
        %broadcast_in_dim3A_854 = arith.constant 1 : i32
        %broadcast_in_dim3A_855 = vector.broadcast %broadcast_in_dim3A_854 : i32 to vector<16xi32>
        %shift_right_arithmetic3A_856 = arith.constant 3 : i32
        %shift_right_arithmetic3A_857 = vector.broadcast %shift_right_arithmetic3A_856 : i32 to vector<16xi32>
        %shift_right_arithmetic3A_858 = arith.shrsi %add3A_851, %shift_right_arithmetic3A_857 : vector<16xi32>
        %and3A_859 = arith.constant 7 : i32
        %and3A_860 = vector.broadcast %and3A_859 : i32 to vector<16xi32>
        %and3A_861 = arith.andi %add3A_851, %and3A_860 : vector<16xi32>
        tpu.vector_store_idx %arg9[%broadcast_in_dim3A_853, %broadcast_in_dim3A_855, %shift_right_arithmetic3A_858, %and3A_861, %add3A_719], %add3A_767 : memref<2x2x8x8x129xf32, #tpu.memory_space<vmem>>[vector<16xi32>, vector<16xi32>, vector<16xi32>, vector<16xi32>, vector<16xi32>], vector<16xf32>,
        %add3A_862 = arith.constant 32 : i32
        %add3A_863 = vector.broadcast %add3A_862 : i32 to vector<16xi32>
        %add3A_864 = arith.addi %iota3A, %add3A_863 : vector<16xi32>
        %broadcast_in_dim3A_865 = arith.constant 0 : i32
        %broadcast_in_dim3A_866 = vector.broadcast %broadcast_in_dim3A_865 : i32 to vector<16xi32>
        %broadcast_in_dim3A_867 = arith.constant 1 : i32
        %broadcast_in_dim3A_868 = vector.broadcast %broadcast_in_dim3A_867 : i32 to vector<16xi32>
        %shift_right_arithmetic3A_869 = arith.constant 3 : i32
        %shift_right_arithmetic3A_870 = vector.broadcast %shift_right_arithmetic3A_869 : i32 to vector<16xi32>
        %shift_right_arithmetic3A_871 = arith.shrsi %add3A_864, %shift_right_arithmetic3A_870 : vector<16xi32>
        %and3A_872 = arith.constant 7 : i32
        %and3A_873 = vector.broadcast %and3A_872 : i32 to vector<16xi32>
        %and3A_874 = arith.andi %add3A_864, %and3A_873 : vector<16xi32>
        tpu.vector_store_idx %arg9[%broadcast_in_dim3A_866, %broadcast_in_dim3A_868, %shift_right_arithmetic3A_871, %and3A_874, %add3A_719], %add3A_775 : memref<2x2x8x8x129xf32, #tpu.memory_space<vmem>>[vector<16xi32>, vector<16xi32>, vector<16xi32>, vector<16xi32>, vector<16xi32>], vector<16xf32>,
        %add3A_875 = arith.constant 48 : i32
        %add3A_876 = vector.broadcast %add3A_875 : i32 to vector<16xi32>
        %add3A_877 = arith.addi %iota3A, %add3A_876 : vector<16xi32>
        %broadcast_in_dim3A_878 = arith.constant 0 : i32
        %broadcast_in_dim3A_879 = vector.broadcast %broadcast_in_dim3A_878 : i32 to vector<16xi32>
        %broadcast_in_dim3A_880 = arith.constant 1 : i32
        %broadcast_in_dim3A_881 = vector.broadcast %broadcast_in_dim3A_880 : i32 to vector<16xi32>
        %shift_right_arithmetic3A_882 = arith.constant 3 : i32
        %shift_right_arithmetic3A_883 = vector.broadcast %shift_right_arithmetic3A_882 : i32 to vector<16xi32>
        %shift_right_arithmetic3A_884 = arith.shrsi %add3A_877, %shift_right_arithmetic3A_883 : vector<16xi32>
        %and3A_885 = arith.constant 7 : i32
        %and3A_886 = vector.broadcast %and3A_885 : i32 to vector<16xi32>
        %and3A_887 = arith.andi %add3A_877, %and3A_886 : vector<16xi32>
        tpu.vector_store_idx %arg9[%broadcast_in_dim3A_879, %broadcast_in_dim3A_881, %shift_right_arithmetic3A_884, %and3A_887, %add3A_719], %add3A_783 : memref<2x2x8x8x129xf32, #tpu.memory_space<vmem>>[vector<16xi32>, vector<16xi32>, vector<16xi32>, vector<16xi32>, vector<16xi32>], vector<16xf32>,
      }
      %scan3A_472 = arith.constant 64 : i32
      %mul3A_473 = arith.constant 4 : i32
      %mul3A_474 = arith.muli %add3A_323, %mul3A_473 : i32
      %add3A_475 = arith.constant 0 : i32
      %add3A_476 = arith.addi %mul3A_474, %add3A_475 : i32
      %dma_start3A_477 = arith.constant 0 : i32
      %dma_start3A_478 = arith.constant 0 : i32
      %dma_start3A_479 = arith.constant 0 : i32
      %dma_start3A_480 = arith.constant 0 : i32
      %dma_start3A_481 = arith.constant 0 : i32
      %dma_start3A_482 = tpu.memref_slice %arg9[%dma_start3A_477, %dma_start3A_478, %dma_start3A_479, %dma_start3A_480, %dma_start3A_481] : memref<2x2x8x8x129xf32, #tpu.memory_space<vmem>> -> memref<1x2x8x8x128xf32, #tpu.memory_space<vmem>>
      %dma_start3A_483 = tpu.memref_squeeze %dma_start3A_482 : memref<1x2x8x8x128xf32, #tpu.memory_space<vmem>> -> memref<2x8x8x128xf32, #tpu.memory_space<vmem>>
      %dma_start3A_484 = arith.constant 0 : i32
      %dma_start3A_485 = arith.constant 0 : i32
      %dma_start3A_486 = arith.constant 0 : i32
      %dma_start3A_487 = tpu.memref_slice %arg5[%add3A_476, %dma_start3A_484, %add3A, %dma_start3A_485, %dma_start3A_486] : memref<200x8x32x8x128xf32, #tpu.memory_space<hbm>> -> memref<2x8x1x8x128xf32, #tpu.memory_space<hbm>>
      %dma_start3A_488 = tpu.memref_squeeze %dma_start3A_487 : memref<2x8x1x8x128xf32, #tpu.memory_space<hbm>> -> memref<2x8x8x128xf32, #tpu.memory_space<hbm>>
      %dma_start3A_489 = arith.constant 0 : i32
      %dma_start3A_490 = arith.constant 0 : i32
      %dma_start3A_491 = arith.constant 0 : i32
      %dma_start3A_492 = tpu.memref_slice %arg5[%add3A_476, %dma_start3A_489, %add3A, %dma_start3A_490, %dma_start3A_491] : memref<200x8x32x8x128xf32, #tpu.memory_space<hbm>> -> memref<2x8x1x8x128xf32, #tpu.memory_space<hbm>>
      %dma_start3A_493 = tpu.memref_squeeze %dma_start3A_492 : memref<2x8x1x8x128xf32, #tpu.memory_space<hbm>> -> memref<2x8x8x128xf32, #tpu.memory_space<hbm>>
      %dma_start3A_494 = arith.constant 0 : i32
      %dma_start3A_495 = arith.constant 0 : i32
      %dma_start3A_496 = arith.constant 0 : i32
      %dma_start3A_497 = arith.constant 0 : i32
      %dma_start3A_498 = tpu.memref_slice %arg9[%dma_start3A_477, %dma_start3A_494, %dma_start3A_495, %dma_start3A_496, %dma_start3A_497] : memref<2x2x8x8x129xf32, #tpu.memory_space<vmem>> -> memref<1x2x8x8x128xf32, #tpu.memory_space<vmem>>
      %dma_start3A_499 = tpu.memref_squeeze %dma_start3A_498 : memref<1x2x8x8x128xf32, #tpu.memory_space<vmem>> -> memref<2x8x8x128xf32, #tpu.memory_space<vmem>>
      tpu.enqueue_dma source(%dma_start3A_499 : memref<2x8x8x128xf32, #tpu.memory_space<vmem>>) target(%dma_start3A_493 : memref<2x8x8x128xf32, #tpu.memory_space<hbm>>) target_semaphore(%arg14 : memref<!tpu.dma_semaphore, #tpu.memory_space<semaphore_mem>>)
      %ge3A_500 = arith.constant 1 : i32
      %ge3A_501 = arith.cmpi sge, %add3A_323, %ge3A_500 : i32
      %convert_element_type3A_502 = arith.extui %ge3A_501 : i1 to i32
      %cond3A_503 = arith.constant 0 : i32
      %cond3A_504 = arith.cmpi ne, %convert_element_type3A_502, %cond3A_503 : i32
      scf.if %cond3A_504 {
        %sub3A = arith.constant 1 : i32
        %sub3A_538 = arith.subi %add3A_323, %sub3A : i32
        %mul3A_539 = arith.constant 4 : i32
        %mul3A_540 = arith.muli %sub3A_538, %mul3A_539 : i32
        %add3A_541 = arith.constant 2 : i32
        %add3A_542 = arith.addi %mul3A_540, %add3A_541 : i32
        %dma_wait3A_543 = arith.constant 1 : i32
        %dma_wait3A_544 = arith.constant 0 : i32
        %dma_wait3A_545 = arith.constant 0 : i32
        %dma_wait3A_546 = arith.constant 0 : i32
        %dma_wait3A_547 = arith.constant 0 : i32
        %dma_wait3A_548 = tpu.memref_slice %arg9[%dma_wait3A_543, %dma_wait3A_544, %dma_wait3A_545, %dma_wait3A_546, %dma_wait3A_547] : memref<2x2x8x8x129xf32, #tpu.memory_space<vmem>> -> memref<1x2x8x8x128xf32, #tpu.memory_space<vmem>>
        %dma_wait3A_549 = tpu.memref_squeeze %dma_wait3A_548 : memref<1x2x8x8x128xf32, #tpu.memory_space<vmem>> -> memref<2x8x8x128xf32, #tpu.memory_space<vmem>>
        %dma_wait3A_550 = arith.constant 0 : i32
        %dma_wait3A_551 = arith.constant 0 : i32
        %dma_wait3A_552 = arith.constant 0 : i32
        %dma_wait3A_553 = tpu.memref_slice %arg5[%add3A_542, %dma_wait3A_550, %add3A, %dma_wait3A_551, %dma_wait3A_552] : memref<200x8x32x8x128xf32, #tpu.memory_space<hbm>> -> memref<2x8x1x8x128xf32, #tpu.memory_space<hbm>>
        %dma_wait3A_554 = tpu.memref_squeeze %dma_wait3A_553 : memref<2x8x1x8x128xf32, #tpu.memory_space<hbm>> -> memref<2x8x8x128xf32, #tpu.memory_space<hbm>>
        %dma_wait3A_555 = arith.constant 0 : i32
        %dma_wait3A_556 = arith.constant 0 : i32
        %dma_wait3A_557 = arith.constant 0 : i32
        %dma_wait3A_558 = tpu.memref_slice %arg5[%add3A_542, %dma_wait3A_555, %add3A, %dma_wait3A_556, %dma_wait3A_557] : memref<200x8x32x8x128xf32, #tpu.memory_space<hbm>> -> memref<2x8x1x8x128xf32, #tpu.memory_space<hbm>>
        %dma_wait3A_559 = tpu.memref_squeeze %dma_wait3A_558 : memref<2x8x1x8x128xf32, #tpu.memory_space<hbm>> -> memref<2x8x8x128xf32, #tpu.memory_space<hbm>>
        %dma_wait3A_560 = arith.constant 0 : i32
        %dma_wait3A_561 = arith.constant 0 : i32
        %dma_wait3A_562 = arith.constant 0 : i32
        %dma_wait3A_563 = arith.constant 0 : i32
        %dma_wait3A_564 = tpu.memref_slice %arg9[%dma_wait3A_543, %dma_wait3A_560, %dma_wait3A_561, %dma_wait3A_562, %dma_wait3A_563] : memref<2x2x8x8x129xf32, #tpu.memory_space<vmem>> -> memref<1x2x8x8x128xf32, #tpu.memory_space<vmem>>
        %dma_wait3A_565 = tpu.memref_squeeze %dma_wait3A_564 : memref<1x2x8x8x128xf32, #tpu.memory_space<vmem>> -> memref<2x8x8x128xf32, #tpu.memory_space<vmem>>
        tpu.wait_dma2 semaphore(%arg15 : memref<!tpu.dma_semaphore, #tpu.memory_space<semaphore_mem>>) src(%dma_wait3A_565 : memref<2x8x8x128xf32, #tpu.memory_space<vmem>>) dst(%dma_wait3A_559 : memref<2x8x8x128xf32, #tpu.memory_space<hbm>>)
      } else {
      }
      %scan3A_505 = arith.constant 0 : i32
      %scan3A_506 = arith.constant 0 : i32
      %scan3A_507 = arith.constant 64 : i32
      %scan3A_508 = arith.addi %scan3A_506, %scan3A_507 : i32
      %scan3A_509 = arith.constant 1 : i32
      scf.for %scan3A_538 = %scan3A_506 to %scan3A_508 step %scan3A_509  : i32 {
        %iota3A = tpu.iota {dimensions = array<i32: 0>} : vector<16xi32>
        %mul3A_539 = arith.constant 2 : i32
        %mul3A_540 = arith.muli %scan3A_538, %mul3A_539 : i32
        %add3A_541 = arith.constant 0 : i32
        %add3A_542 = arith.addi %mul3A_540, %add3A_541 : i32
        %broadcast_in_dim3A = arith.constant 0 : i32
        %broadcast_in_dim3A_543 = vector.broadcast %broadcast_in_dim3A : i32 to vector<16xi32>
        %add3A_544 = vector.broadcast %add3A_542 : i32 to vector<16xi32>
        %add3A_545 = arith.addi %broadcast_in_dim3A_543, %add3A_544 : vector<16xi32>
        %add3A_546 = arith.constant 256 : i32
        %add3A_547 = arith.addi %add3A_546, %add3A_542 : i32
        %get3A_548 = arith.constant 1 : i32
        %get3A_549 = arith.index_cast %get3A_548 : i32 to index
        %get3A_550 = arith.index_cast %add3A_547 : i32 to index
        %get3A_551 = arith.constant 0 : index
        %get3A_552 = tpu.vector_load %arg8[%get3A_549, %get3A_550, %get3A_551] {strides = array<i32>} : memref<2x512x64xf32, #tpu.memory_space<vmem>>, vector<16xf32>,
        %add3A_553 = arith.addf %get3A_552, %get3A_412 : vector<16xf32>
        %add3A_554 = arith.constant 256 : i32
        %add3A_555 = arith.addi %add3A_554, %add3A_542 : i32
        %get3A_556 = arith.constant 1 : i32
        %get3A_557 = arith.index_cast %get3A_556 : i32 to index
        %get3A_558 = arith.index_cast %add3A_555 : i32 to index
        %get3A_559 = arith.constant 16 : index
        %get3A_560 = tpu.vector_load %arg8[%get3A_557, %get3A_558, %get3A_559] {strides = array<i32>} : memref<2x512x64xf32, #tpu.memory_space<vmem>>, vector<16xf32>,
        %add3A_561 = arith.addf %get3A_560, %get3A_419 : vector<16xf32>
        %add3A_562 = arith.constant 256 : i32
        %add3A_563 = arith.addi %add3A_562, %add3A_542 : i32
        %get3A_564 = arith.constant 1 : i32
        %get3A_565 = arith.index_cast %get3A_564 : i32 to index
        %get3A_566 = arith.index_cast %add3A_563 : i32 to index
        %get3A_567 = arith.constant 32 : index
        %get3A_568 = tpu.vector_load %arg8[%get3A_565, %get3A_566, %get3A_567] {strides = array<i32>} : memref<2x512x64xf32, #tpu.memory_space<vmem>>, vector<16xf32>,
        %add3A_569 = arith.addf %get3A_568, %get3A_426 : vector<16xf32>
        %add3A_570 = arith.constant 256 : i32
        %add3A_571 = arith.addi %add3A_570, %add3A_542 : i32
        %get3A_572 = arith.constant 1 : i32
        %get3A_573 = arith.index_cast %get3A_572 : i32 to index
        %get3A_574 = arith.index_cast %add3A_571 : i32 to index
        %get3A_575 = arith.constant 48 : index
        %get3A_576 = tpu.vector_load %arg8[%get3A_573, %get3A_574, %get3A_575] {strides = array<i32>} : memref<2x512x64xf32, #tpu.memory_space<vmem>>, vector<16xf32>,
        %add3A_577 = arith.addf %get3A_576, %get3A_433 : vector<16xf32>
        %add3A_578 = arith.constant 384 : i32
        %add3A_579 = arith.addi %add3A_578, %add3A_542 : i32
        %get3A_580 = arith.constant 1 : i32
        %get3A_581 = arith.index_cast %get3A_580 : i32 to index
        %get3A_582 = arith.index_cast %add3A_579 : i32 to index
        %get3A_583 = arith.constant 0 : index
        %get3A_584 = tpu.vector_load %arg8[%get3A_581, %get3A_582, %get3A_583] {strides = array<i32>} : memref<2x512x64xf32, #tpu.memory_space<vmem>>, vector<16xf32>,
        %add3A_585 = arith.addf %get3A_584, %get3A_440 : vector<16xf32>
        %add3A_586 = arith.constant 384 : i32
        %add3A_587 = arith.addi %add3A_586, %add3A_542 : i32
        %get3A_588 = arith.constant 1 : i32
        %get3A_589 = arith.index_cast %get3A_588 : i32 to index
        %get3A_590 = arith.index_cast %add3A_587 : i32 to index
        %get3A_591 = arith.constant 16 : index
        %get3A_592 = tpu.vector_load %arg8[%get3A_589, %get3A_590, %get3A_591] {strides = array<i32>} : memref<2x512x64xf32, #tpu.memory_space<vmem>>, vector<16xf32>,
        %add3A_593 = arith.addf %get3A_592, %get3A_447 : vector<16xf32>
        %add3A_594 = arith.constant 384 : i32
        %add3A_595 = arith.addi %add3A_594, %add3A_542 : i32
        %get3A_596 = arith.constant 1 : i32
        %get3A_597 = arith.index_cast %get3A_596 : i32 to index
        %get3A_598 = arith.index_cast %add3A_595 : i32 to index
        %get3A_599 = arith.constant 32 : index
        %get3A_600 = tpu.vector_load %arg8[%get3A_597, %get3A_598, %get3A_599] {strides = array<i32>} : memref<2x512x64xf32, #tpu.memory_space<vmem>>, vector<16xf32>,
        %add3A_601 = arith.addf %get3A_600, %get3A_454 : vector<16xf32>
        %add3A_602 = arith.constant 384 : i32
        %add3A_603 = arith.addi %add3A_602, %add3A_542 : i32
        %get3A_604 = arith.constant 1 : i32
        %get3A_605 = arith.index_cast %get3A_604 : i32 to index
        %get3A_606 = arith.index_cast %add3A_603 : i32 to index
        %get3A_607 = arith.constant 48 : index
        %get3A_608 = tpu.vector_load %arg8[%get3A_605, %get3A_606, %get3A_607] {strides = array<i32>} : memref<2x512x64xf32, #tpu.memory_space<vmem>>, vector<16xf32>,
        %add3A_609 = arith.addf %get3A_608, %get3A_461 : vector<16xf32>
        %add3A_610 = arith.constant 0 : i32
        %add3A_611 = vector.broadcast %add3A_610 : i32 to vector<16xi32>
        %add3A_612 = arith.addi %iota3A, %add3A_611 : vector<16xi32>
        %broadcast_in_dim3A_613 = arith.constant 1 : i32
        %broadcast_in_dim3A_614 = vector.broadcast %broadcast_in_dim3A_613 : i32 to vector<16xi32>
        %broadcast_in_dim3A_615 = arith.constant 0 : i32
        %broadcast_in_dim3A_616 = vector.broadcast %broadcast_in_dim3A_615 : i32 to vector<16xi32>
        %shift_right_arithmetic3A = arith.constant 3 : i32
        %shift_right_arithmetic3A_617 = vector.broadcast %shift_right_arithmetic3A : i32 to vector<16xi32>
        %shift_right_arithmetic3A_618 = arith.shrsi %add3A_612, %shift_right_arithmetic3A_617 : vector<16xi32>
        %and3A = arith.constant 7 : i32
        %and3A_619 = vector.broadcast %and3A : i32 to vector<16xi32>
        %and3A_620 = arith.andi %add3A_612, %and3A_619 : vector<16xi32>
        tpu.vector_store_idx %arg9[%broadcast_in_dim3A_614, %broadcast_in_dim3A_616, %shift_right_arithmetic3A_618, %and3A_620, %add3A_545], %add3A_553 : memref<2x2x8x8x129xf32, #tpu.memory_space<vmem>>[vector<16xi32>, vector<16xi32>, vector<16xi32>, vector<16xi32>, vector<16xi32>], vector<16xf32>,
        %add3A_621 = arith.constant 16 : i32
        %add3A_622 = vector.broadcast %add3A_621 : i32 to vector<16xi32>
        %add3A_623 = arith.addi %iota3A, %add3A_622 : vector<16xi32>
        %broadcast_in_dim3A_624 = arith.constant 1 : i32
        %broadcast_in_dim3A_625 = vector.broadcast %broadcast_in_dim3A_624 : i32 to vector<16xi32>
        %broadcast_in_dim3A_626 = arith.constant 0 : i32
        %broadcast_in_dim3A_627 = vector.broadcast %broadcast_in_dim3A_626 : i32 to vector<16xi32>
        %shift_right_arithmetic3A_628 = arith.constant 3 : i32
        %shift_right_arithmetic3A_629 = vector.broadcast %shift_right_arithmetic3A_628 : i32 to vector<16xi32>
        %shift_right_arithmetic3A_630 = arith.shrsi %add3A_623, %shift_right_arithmetic3A_629 : vector<16xi32>
        %and3A_631 = arith.constant 7 : i32
        %and3A_632 = vector.broadcast %and3A_631 : i32 to vector<16xi32>
        %and3A_633 = arith.andi %add3A_623, %and3A_632 : vector<16xi32>
        tpu.vector_store_idx %arg9[%broadcast_in_dim3A_625, %broadcast_in_dim3A_627, %shift_right_arithmetic3A_630, %and3A_633, %add3A_545], %add3A_561 : memref<2x2x8x8x129xf32, #tpu.memory_space<vmem>>[vector<16xi32>, vector<16xi32>, vector<16xi32>, vector<16xi32>, vector<16xi32>], vector<16xf32>,
        %add3A_634 = arith.constant 32 : i32
        %add3A_635 = vector.broadcast %add3A_634 : i32 to vector<16xi32>
        %add3A_636 = arith.addi %iota3A, %add3A_635 : vector<16xi32>
        %broadcast_in_dim3A_637 = arith.constant 1 : i32
        %broadcast_in_dim3A_638 = vector.broadcast %broadcast_in_dim3A_637 : i32 to vector<16xi32>
        %broadcast_in_dim3A_639 = arith.constant 0 : i32
        %broadcast_in_dim3A_640 = vector.broadcast %broadcast_in_dim3A_639 : i32 to vector<16xi32>
        %shift_right_arithmetic3A_641 = arith.constant 3 : i32
        %shift_right_arithmetic3A_642 = vector.broadcast %shift_right_arithmetic3A_641 : i32 to vector<16xi32>
        %shift_right_arithmetic3A_643 = arith.shrsi %add3A_636, %shift_right_arithmetic3A_642 : vector<16xi32>
        %and3A_644 = arith.constant 7 : i32
        %and3A_645 = vector.broadcast %and3A_644 : i32 to vector<16xi32>
        %and3A_646 = arith.andi %add3A_636, %and3A_645 : vector<16xi32>
        tpu.vector_store_idx %arg9[%broadcast_in_dim3A_638, %broadcast_in_dim3A_640, %shift_right_arithmetic3A_643, %and3A_646, %add3A_545], %add3A_569 : memref<2x2x8x8x129xf32, #tpu.memory_space<vmem>>[vector<16xi32>, vector<16xi32>, vector<16xi32>, vector<16xi32>, vector<16xi32>], vector<16xf32>,
        %add3A_647 = arith.constant 48 : i32
        %add3A_648 = vector.broadcast %add3A_647 : i32 to vector<16xi32>
        %add3A_649 = arith.addi %iota3A, %add3A_648 : vector<16xi32>
        %broadcast_in_dim3A_650 = arith.constant 1 : i32
        %broadcast_in_dim3A_651 = vector.broadcast %broadcast_in_dim3A_650 : i32 to vector<16xi32>
        %broadcast_in_dim3A_652 = arith.constant 0 : i32
        %broadcast_in_dim3A_653 = vector.broadcast %broadcast_in_dim3A_652 : i32 to vector<16xi32>
        %shift_right_arithmetic3A_654 = arith.constant 3 : i32
        %shift_right_arithmetic3A_655 = vector.broadcast %shift_right_arithmetic3A_654 : i32 to vector<16xi32>
        %shift_right_arithmetic3A_656 = arith.shrsi %add3A_649, %shift_right_arithmetic3A_655 : vector<16xi32>
        %and3A_657 = arith.constant 7 : i32
        %and3A_658 = vector.broadcast %and3A_657 : i32 to vector<16xi32>
        %and3A_659 = arith.andi %add3A_649, %and3A_658 : vector<16xi32>
        tpu.vector_store_idx %arg9[%broadcast_in_dim3A_651, %broadcast_in_dim3A_653, %shift_right_arithmetic3A_656, %and3A_659, %add3A_545], %add3A_577 : memref<2x2x8x8x129xf32, #tpu.memory_space<vmem>>[vector<16xi32>, vector<16xi32>, vector<16xi32>, vector<16xi32>, vector<16xi32>], vector<16xf32>,
        %add3A_660 = arith.constant 0 : i32
        %add3A_661 = vector.broadcast %add3A_660 : i32 to vector<16xi32>
        %add3A_662 = arith.addi %iota3A, %add3A_661 : vector<16xi32>
        %broadcast_in_dim3A_663 = arith.constant 1 : i32
        %broadcast_in_dim3A_664 = vector.broadcast %broadcast_in_dim3A_663 : i32 to vector<16xi32>
        %broadcast_in_dim3A_665 = arith.constant 1 : i32
        %broadcast_in_dim3A_666 = vector.broadcast %broadcast_in_dim3A_665 : i32 to vector<16xi32>
        %shift_right_arithmetic3A_667 = arith.constant 3 : i32
        %shift_right_arithmetic3A_668 = vector.broadcast %shift_right_arithmetic3A_667 : i32 to vector<16xi32>
        %shift_right_arithmetic3A_669 = arith.shrsi %add3A_662, %shift_right_arithmetic3A_668 : vector<16xi32>
        %and3A_670 = arith.constant 7 : i32
        %and3A_671 = vector.broadcast %and3A_670 : i32 to vector<16xi32>
        %and3A_672 = arith.andi %add3A_662, %and3A_671 : vector<16xi32>
        tpu.vector_store_idx %arg9[%broadcast_in_dim3A_664, %broadcast_in_dim3A_666, %shift_right_arithmetic3A_669, %and3A_672, %add3A_545], %add3A_585 : memref<2x2x8x8x129xf32, #tpu.memory_space<vmem>>[vector<16xi32>, vector<16xi32>, vector<16xi32>, vector<16xi32>, vector<16xi32>], vector<16xf32>,
        %add3A_673 = arith.constant 16 : i32
        %add3A_674 = vector.broadcast %add3A_673 : i32 to vector<16xi32>
        %add3A_675 = arith.addi %iota3A, %add3A_674 : vector<16xi32>
        %broadcast_in_dim3A_676 = arith.constant 1 : i32
        %broadcast_in_dim3A_677 = vector.broadcast %broadcast_in_dim3A_676 : i32 to vector<16xi32>
        %broadcast_in_dim3A_678 = arith.constant 1 : i32
        %broadcast_in_dim3A_679 = vector.broadcast %broadcast_in_dim3A_678 : i32 to vector<16xi32>
        %shift_right_arithmetic3A_680 = arith.constant 3 : i32
        %shift_right_arithmetic3A_681 = vector.broadcast %shift_right_arithmetic3A_680 : i32 to vector<16xi32>
        %shift_right_arithmetic3A_682 = arith.shrsi %add3A_675, %shift_right_arithmetic3A_681 : vector<16xi32>
        %and3A_683 = arith.constant 7 : i32
        %and3A_684 = vector.broadcast %and3A_683 : i32 to vector<16xi32>
        %and3A_685 = arith.andi %add3A_675, %and3A_684 : vector<16xi32>
        tpu.vector_store_idx %arg9[%broadcast_in_dim3A_677, %broadcast_in_dim3A_679, %shift_right_arithmetic3A_682, %and3A_685, %add3A_545], %add3A_593 : memref<2x2x8x8x129xf32, #tpu.memory_space<vmem>>[vector<16xi32>, vector<16xi32>, vector<16xi32>, vector<16xi32>, vector<16xi32>], vector<16xf32>,
        %add3A_686 = arith.constant 32 : i32
        %add3A_687 = vector.broadcast %add3A_686 : i32 to vector<16xi32>
        %add3A_688 = arith.addi %iota3A, %add3A_687 : vector<16xi32>
        %broadcast_in_dim3A_689 = arith.constant 1 : i32
        %broadcast_in_dim3A_690 = vector.broadcast %broadcast_in_dim3A_689 : i32 to vector<16xi32>
        %broadcast_in_dim3A_691 = arith.constant 1 : i32
        %broadcast_in_dim3A_692 = vector.broadcast %broadcast_in_dim3A_691 : i32 to vector<16xi32>
        %shift_right_arithmetic3A_693 = arith.constant 3 : i32
        %shift_right_arithmetic3A_694 = vector.broadcast %shift_right_arithmetic3A_693 : i32 to vector<16xi32>
        %shift_right_arithmetic3A_695 = arith.shrsi %add3A_688, %shift_right_arithmetic3A_694 : vector<16xi32>
        %and3A_696 = arith.constant 7 : i32
        %and3A_697 = vector.broadcast %and3A_696 : i32 to vector<16xi32>
        %and3A_698 = arith.andi %add3A_688, %and3A_697 : vector<16xi32>
        tpu.vector_store_idx %arg9[%broadcast_in_dim3A_690, %broadcast_in_dim3A_692, %shift_right_arithmetic3A_695, %and3A_698, %add3A_545], %add3A_601 : memref<2x2x8x8x129xf32, #tpu.memory_space<vmem>>[vector<16xi32>, vector<16xi32>, vector<16xi32>, vector<16xi32>, vector<16xi32>], vector<16xf32>,
        %add3A_699 = arith.constant 48 : i32
        %add3A_700 = vector.broadcast %add3A_699 : i32 to vector<16xi32>
        %add3A_701 = arith.addi %iota3A, %add3A_700 : vector<16xi32>
        %broadcast_in_dim3A_702 = arith.constant 1 : i32
        %broadcast_in_dim3A_703 = vector.broadcast %broadcast_in_dim3A_702 : i32 to vector<16xi32>
        %broadcast_in_dim3A_704 = arith.constant 1 : i32
        %broadcast_in_dim3A_705 = vector.broadcast %broadcast_in_dim3A_704 : i32 to vector<16xi32>
        %shift_right_arithmetic3A_706 = arith.constant 3 : i32
        %shift_right_arithmetic3A_707 = vector.broadcast %shift_right_arithmetic3A_706 : i32 to vector<16xi32>
        %shift_right_arithmetic3A_708 = arith.shrsi %add3A_701, %shift_right_arithmetic3A_707 : vector<16xi32>
        %and3A_709 = arith.constant 7 : i32
        %and3A_710 = vector.broadcast %and3A_709 : i32 to vector<16xi32>
        %and3A_711 = arith.andi %add3A_701, %and3A_710 : vector<16xi32>
        tpu.vector_store_idx %arg9[%broadcast_in_dim3A_703, %broadcast_in_dim3A_705, %shift_right_arithmetic3A_708, %and3A_711, %add3A_545], %add3A_609 : memref<2x2x8x8x129xf32, #tpu.memory_space<vmem>>[vector<16xi32>, vector<16xi32>, vector<16xi32>, vector<16xi32>, vector<16xi32>], vector<16xf32>,
        %mul3A_712 = arith.constant 2 : i32
        %mul3A_713 = arith.muli %scan3A_538, %mul3A_712 : i32
        %add3A_714 = arith.constant 1 : i32
        %add3A_715 = arith.addi %mul3A_713, %add3A_714 : i32
        %broadcast_in_dim3A_716 = arith.constant 0 : i32
        %broadcast_in_dim3A_717 = vector.broadcast %broadcast_in_dim3A_716 : i32 to vector<16xi32>
        %add3A_718 = vector.broadcast %add3A_715 : i32 to vector<16xi32>
        %add3A_719 = arith.addi %broadcast_in_dim3A_717, %add3A_718 : vector<16xi32>
        %add3A_720 = arith.constant 256 : i32
        %add3A_721 = arith.addi %add3A_720, %add3A_715 : i32
        %get3A_722 = arith.constant 1 : i32
        %get3A_723 = arith.index_cast %get3A_722 : i32 to index
        %get3A_724 = arith.index_cast %add3A_721 : i32 to index
        %get3A_725 = arith.constant 0 : index
        %get3A_726 = tpu.vector_load %arg8[%get3A_723, %get3A_724, %get3A_725] {strides = array<i32>} : memref<2x512x64xf32, #tpu.memory_space<vmem>>, vector<16xf32>,
        %add3A_727 = arith.addf %get3A_726, %get3A_412 : vector<16xf32>
        %add3A_728 = arith.constant 256 : i32
        %add3A_729 = arith.addi %add3A_728, %add3A_715 : i32
        %get3A_730 = arith.constant 1 : i32
        %get3A_731 = arith.index_cast %get3A_730 : i32 to index
        %get3A_732 = arith.index_cast %add3A_729 : i32 to index
        %get3A_733 = arith.constant 16 : index
        %get3A_734 = tpu.vector_load %arg8[%get3A_731, %get3A_732, %get3A_733] {strides = array<i32>} : memref<2x512x64xf32, #tpu.memory_space<vmem>>, vector<16xf32>,
        %add3A_735 = arith.addf %get3A_734, %get3A_419 : vector<16xf32>
        %add3A_736 = arith.constant 256 : i32
        %add3A_737 = arith.addi %add3A_736, %add3A_715 : i32
        %get3A_738 = arith.constant 1 : i32
        %get3A_739 = arith.index_cast %get3A_738 : i32 to index
        %get3A_740 = arith.index_cast %add3A_737 : i32 to index
        %get3A_741 = arith.constant 32 : index
        %get3A_742 = tpu.vector_load %arg8[%get3A_739, %get3A_740, %get3A_741] {strides = array<i32>} : memref<2x512x64xf32, #tpu.memory_space<vmem>>, vector<16xf32>,
        %add3A_743 = arith.addf %get3A_742, %get3A_426 : vector<16xf32>
        %add3A_744 = arith.constant 256 : i32
        %add3A_745 = arith.addi %add3A_744, %add3A_715 : i32
        %get3A_746 = arith.constant 1 : i32
        %get3A_747 = arith.index_cast %get3A_746 : i32 to index
        %get3A_748 = arith.index_cast %add3A_745 : i32 to index
        %get3A_749 = arith.constant 48 : index
        %get3A_750 = tpu.vector_load %arg8[%get3A_747, %get3A_748, %get3A_749] {strides = array<i32>} : memref<2x512x64xf32, #tpu.memory_space<vmem>>, vector<16xf32>,
        %add3A_751 = arith.addf %get3A_750, %get3A_433 : vector<16xf32>
        %add3A_752 = arith.constant 384 : i32
        %add3A_753 = arith.addi %add3A_752, %add3A_715 : i32
        %get3A_754 = arith.constant 1 : i32
        %get3A_755 = arith.index_cast %get3A_754 : i32 to index
        %get3A_756 = arith.index_cast %add3A_753 : i32 to index
        %get3A_757 = arith.constant 0 : index
        %get3A_758 = tpu.vector_load %arg8[%get3A_755, %get3A_756, %get3A_757] {strides = array<i32>} : memref<2x512x64xf32, #tpu.memory_space<vmem>>, vector<16xf32>,
        %add3A_759 = arith.addf %get3A_758, %get3A_440 : vector<16xf32>
        %add3A_760 = arith.constant 384 : i32
        %add3A_761 = arith.addi %add3A_760, %add3A_715 : i32
        %get3A_762 = arith.constant 1 : i32
        %get3A_763 = arith.index_cast %get3A_762 : i32 to index
        %get3A_764 = arith.index_cast %add3A_761 : i32 to index
        %get3A_765 = arith.constant 16 : index
        %get3A_766 = tpu.vector_load %arg8[%get3A_763, %get3A_764, %get3A_765] {strides = array<i32>} : memref<2x512x64xf32, #tpu.memory_space<vmem>>, vector<16xf32>,
        %add3A_767 = arith.addf %get3A_766, %get3A_447 : vector<16xf32>
        %add3A_768 = arith.constant 384 : i32
        %add3A_769 = arith.addi %add3A_768, %add3A_715 : i32
        %get3A_770 = arith.constant 1 : i32
        %get3A_771 = arith.index_cast %get3A_770 : i32 to index
        %get3A_772 = arith.index_cast %add3A_769 : i32 to index
        %get3A_773 = arith.constant 32 : index
        %get3A_774 = tpu.vector_load %arg8[%get3A_771, %get3A_772, %get3A_773] {strides = array<i32>} : memref<2x512x64xf32, #tpu.memory_space<vmem>>, vector<16xf32>,
        %add3A_775 = arith.addf %get3A_774, %get3A_454 : vector<16xf32>
        %add3A_776 = arith.constant 384 : i32
        %add3A_777 = arith.addi %add3A_776, %add3A_715 : i32
        %get3A_778 = arith.constant 1 : i32
        %get3A_779 = arith.index_cast %get3A_778 : i32 to index
        %get3A_780 = arith.index_cast %add3A_777 : i32 to index
        %get3A_781 = arith.constant 48 : index
        %get3A_782 = tpu.vector_load %arg8[%get3A_779, %get3A_780, %get3A_781] {strides = array<i32>} : memref<2x512x64xf32, #tpu.memory_space<vmem>>, vector<16xf32>,
        %add3A_783 = arith.addf %get3A_782, %get3A_461 : vector<16xf32>
        %add3A_784 = arith.constant 0 : i32
        %add3A_785 = vector.broadcast %add3A_784 : i32 to vector<16xi32>
        %add3A_786 = arith.addi %iota3A, %add3A_785 : vector<16xi32>
        %broadcast_in_dim3A_787 = arith.constant 1 : i32
        %broadcast_in_dim3A_788 = vector.broadcast %broadcast_in_dim3A_787 : i32 to vector<16xi32>
        %broadcast_in_dim3A_789 = arith.constant 0 : i32
        %broadcast_in_dim3A_790 = vector.broadcast %broadcast_in_dim3A_789 : i32 to vector<16xi32>
        %shift_right_arithmetic3A_791 = arith.constant 3 : i32
        %shift_right_arithmetic3A_792 = vector.broadcast %shift_right_arithmetic3A_791 : i32 to vector<16xi32>
        %shift_right_arithmetic3A_793 = arith.shrsi %add3A_786, %shift_right_arithmetic3A_792 : vector<16xi32>
        %and3A_794 = arith.constant 7 : i32
        %and3A_795 = vector.broadcast %and3A_794 : i32 to vector<16xi32>
        %and3A_796 = arith.andi %add3A_786, %and3A_795 : vector<16xi32>
        tpu.vector_store_idx %arg9[%broadcast_in_dim3A_788, %broadcast_in_dim3A_790, %shift_right_arithmetic3A_793, %and3A_796, %add3A_719], %add3A_727 : memref<2x2x8x8x129xf32, #tpu.memory_space<vmem>>[vector<16xi32>, vector<16xi32>, vector<16xi32>, vector<16xi32>, vector<16xi32>], vector<16xf32>,
        %add3A_797 = arith.constant 16 : i32
        %add3A_798 = vector.broadcast %add3A_797 : i32 to vector<16xi32>
        %add3A_799 = arith.addi %iota3A, %add3A_798 : vector<16xi32>
        %broadcast_in_dim3A_800 = arith.constant 1 : i32
        %broadcast_in_dim3A_801 = vector.broadcast %broadcast_in_dim3A_800 : i32 to vector<16xi32>
        %broadcast_in_dim3A_802 = arith.constant 0 : i32
        %broadcast_in_dim3A_803 = vector.broadcast %broadcast_in_dim3A_802 : i32 to vector<16xi32>
        %shift_right_arithmetic3A_804 = arith.constant 3 : i32
        %shift_right_arithmetic3A_805 = vector.broadcast %shift_right_arithmetic3A_804 : i32 to vector<16xi32>
        %shift_right_arithmetic3A_806 = arith.shrsi %add3A_799, %shift_right_arithmetic3A_805 : vector<16xi32>
        %and3A_807 = arith.constant 7 : i32
        %and3A_808 = vector.broadcast %and3A_807 : i32 to vector<16xi32>
        %and3A_809 = arith.andi %add3A_799, %and3A_808 : vector<16xi32>
        tpu.vector_store_idx %arg9[%broadcast_in_dim3A_801, %broadcast_in_dim3A_803, %shift_right_arithmetic3A_806, %and3A_809, %add3A_719], %add3A_735 : memref<2x2x8x8x129xf32, #tpu.memory_space<vmem>>[vector<16xi32>, vector<16xi32>, vector<16xi32>, vector<16xi32>, vector<16xi32>], vector<16xf32>,
        %add3A_810 = arith.constant 32 : i32
        %add3A_811 = vector.broadcast %add3A_810 : i32 to vector<16xi32>
        %add3A_812 = arith.addi %iota3A, %add3A_811 : vector<16xi32>
        %broadcast_in_dim3A_813 = arith.constant 1 : i32
        %broadcast_in_dim3A_814 = vector.broadcast %broadcast_in_dim3A_813 : i32 to vector<16xi32>
        %broadcast_in_dim3A_815 = arith.constant 0 : i32
        %broadcast_in_dim3A_816 = vector.broadcast %broadcast_in_dim3A_815 : i32 to vector<16xi32>
        %shift_right_arithmetic3A_817 = arith.constant 3 : i32
        %shift_right_arithmetic3A_818 = vector.broadcast %shift_right_arithmetic3A_817 : i32 to vector<16xi32>
        %shift_right_arithmetic3A_819 = arith.shrsi %add3A_812, %shift_right_arithmetic3A_818 : vector<16xi32>
        %and3A_820 = arith.constant 7 : i32
        %and3A_821 = vector.broadcast %and3A_820 : i32 to vector<16xi32>
        %and3A_822 = arith.andi %add3A_812, %and3A_821 : vector<16xi32>
        tpu.vector_store_idx %arg9[%broadcast_in_dim3A_814, %broadcast_in_dim3A_816, %shift_right_arithmetic3A_819, %and3A_822, %add3A_719], %add3A_743 : memref<2x2x8x8x129xf32, #tpu.memory_space<vmem>>[vector<16xi32>, vector<16xi32>, vector<16xi32>, vector<16xi32>, vector<16xi32>], vector<16xf32>,
        %add3A_823 = arith.constant 48 : i32
        %add3A_824 = vector.broadcast %add3A_823 : i32 to vector<16xi32>
        %add3A_825 = arith.addi %iota3A, %add3A_824 : vector<16xi32>
        %broadcast_in_dim3A_826 = arith.constant 1 : i32
        %broadcast_in_dim3A_827 = vector.broadcast %broadcast_in_dim3A_826 : i32 to vector<16xi32>
        %broadcast_in_dim3A_828 = arith.constant 0 : i32
        %broadcast_in_dim3A_829 = vector.broadcast %broadcast_in_dim3A_828 : i32 to vector<16xi32>
        %shift_right_arithmetic3A_830 = arith.constant 3 : i32
        %shift_right_arithmetic3A_831 = vector.broadcast %shift_right_arithmetic3A_830 : i32 to vector<16xi32>
        %shift_right_arithmetic3A_832 = arith.shrsi %add3A_825, %shift_right_arithmetic3A_831 : vector<16xi32>
        %and3A_833 = arith.constant 7 : i32
        %and3A_834 = vector.broadcast %and3A_833 : i32 to vector<16xi32>
        %and3A_835 = arith.andi %add3A_825, %and3A_834 : vector<16xi32>
        tpu.vector_store_idx %arg9[%broadcast_in_dim3A_827, %broadcast_in_dim3A_829, %shift_right_arithmetic3A_832, %and3A_835, %add3A_719], %add3A_751 : memref<2x2x8x8x129xf32, #tpu.memory_space<vmem>>[vector<16xi32>, vector<16xi32>, vector<16xi32>, vector<16xi32>, vector<16xi32>], vector<16xf32>,
        %add3A_836 = arith.constant 0 : i32
        %add3A_837 = vector.broadcast %add3A_836 : i32 to vector<16xi32>
        %add3A_838 = arith.addi %iota3A, %add3A_837 : vector<16xi32>
        %broadcast_in_dim3A_839 = arith.constant 1 : i32
        %broadcast_in_dim3A_840 = vector.broadcast %broadcast_in_dim3A_839 : i32 to vector<16xi32>
        %broadcast_in_dim3A_841 = arith.constant 1 : i32
        %broadcast_in_dim3A_842 = vector.broadcast %broadcast_in_dim3A_841 : i32 to vector<16xi32>
        %shift_right_arithmetic3A_843 = arith.constant 3 : i32
        %shift_right_arithmetic3A_844 = vector.broadcast %shift_right_arithmetic3A_843 : i32 to vector<16xi32>
        %shift_right_arithmetic3A_845 = arith.shrsi %add3A_838, %shift_right_arithmetic3A_844 : vector<16xi32>
        %and3A_846 = arith.constant 7 : i32
        %and3A_847 = vector.broadcast %and3A_846 : i32 to vector<16xi32>
        %and3A_848 = arith.andi %add3A_838, %and3A_847 : vector<16xi32>
        tpu.vector_store_idx %arg9[%broadcast_in_dim3A_840, %broadcast_in_dim3A_842, %shift_right_arithmetic3A_845, %and3A_848, %add3A_719], %add3A_759 : memref<2x2x8x8x129xf32, #tpu.memory_space<vmem>>[vector<16xi32>, vector<16xi32>, vector<16xi32>, vector<16xi32>, vector<16xi32>], vector<16xf32>,
        %add3A_849 = arith.constant 16 : i32
        %add3A_850 = vector.broadcast %add3A_849 : i32 to vector<16xi32>
        %add3A_851 = arith.addi %iota3A, %add3A_850 : vector<16xi32>
        %broadcast_in_dim3A_852 = arith.constant 1 : i32
        %broadcast_in_dim3A_853 = vector.broadcast %broadcast_in_dim3A_852 : i32 to vector<16xi32>
        %broadcast_in_dim3A_854 = arith.constant 1 : i32
        %broadcast_in_dim3A_855 = vector.broadcast %broadcast_in_dim3A_854 : i32 to vector<16xi32>
        %shift_right_arithmetic3A_856 = arith.constant 3 : i32
        %shift_right_arithmetic3A_857 = vector.broadcast %shift_right_arithmetic3A_856 : i32 to vector<16xi32>
        %shift_right_arithmetic3A_858 = arith.shrsi %add3A_851, %shift_right_arithmetic3A_857 : vector<16xi32>
        %and3A_859 = arith.constant 7 : i32
        %and3A_860 = vector.broadcast %and3A_859 : i32 to vector<16xi32>
        %and3A_861 = arith.andi %add3A_851, %and3A_860 : vector<16xi32>
        tpu.vector_store_idx %arg9[%broadcast_in_dim3A_853, %broadcast_in_dim3A_855, %shift_right_arithmetic3A_858, %and3A_861, %add3A_719], %add3A_767 : memref<2x2x8x8x129xf32, #tpu.memory_space<vmem>>[vector<16xi32>, vector<16xi32>, vector<16xi32>, vector<16xi32>, vector<16xi32>], vector<16xf32>,
        %add3A_862 = arith.constant 32 : i32
        %add3A_863 = vector.broadcast %add3A_862 : i32 to vector<16xi32>
        %add3A_864 = arith.addi %iota3A, %add3A_863 : vector<16xi32>
        %broadcast_in_dim3A_865 = arith.constant 1 : i32
        %broadcast_in_dim3A_866 = vector.broadcast %broadcast_in_dim3A_865 : i32 to vector<16xi32>
        %broadcast_in_dim3A_867 = arith.constant 1 : i32
        %broadcast_in_dim3A_868 = vector.broadcast %broadcast_in_dim3A_867 : i32 to vector<16xi32>
        %shift_right_arithmetic3A_869 = arith.constant 3 : i32
        %shift_right_arithmetic3A_870 = vector.broadcast %shift_right_arithmetic3A_869 : i32 to vector<16xi32>
        %shift_right_arithmetic3A_871 = arith.shrsi %add3A_864, %shift_right_arithmetic3A_870 : vector<16xi32>
        %and3A_872 = arith.constant 7 : i32
        %and3A_873 = vector.broadcast %and3A_872 : i32 to vector<16xi32>
        %and3A_874 = arith.andi %add3A_864, %and3A_873 : vector<16xi32>
        tpu.vector_store_idx %arg9[%broadcast_in_dim3A_866, %broadcast_in_dim3A_868, %shift_right_arithmetic3A_871, %and3A_874, %add3A_719], %add3A_775 : memref<2x2x8x8x129xf32, #tpu.memory_space<vmem>>[vector<16xi32>, vector<16xi32>, vector<16xi32>, vector<16xi32>, vector<16xi32>], vector<16xf32>,
        %add3A_875 = arith.constant 48 : i32
        %add3A_876 = vector.broadcast %add3A_875 : i32 to vector<16xi32>
        %add3A_877 = arith.addi %iota3A, %add3A_876 : vector<16xi32>
        %broadcast_in_dim3A_878 = arith.constant 1 : i32
        %broadcast_in_dim3A_879 = vector.broadcast %broadcast_in_dim3A_878 : i32 to vector<16xi32>
        %broadcast_in_dim3A_880 = arith.constant 1 : i32
        %broadcast_in_dim3A_881 = vector.broadcast %broadcast_in_dim3A_880 : i32 to vector<16xi32>
        %shift_right_arithmetic3A_882 = arith.constant 3 : i32
        %shift_right_arithmetic3A_883 = vector.broadcast %shift_right_arithmetic3A_882 : i32 to vector<16xi32>
        %shift_right_arithmetic3A_884 = arith.shrsi %add3A_877, %shift_right_arithmetic3A_883 : vector<16xi32>
        %and3A_885 = arith.constant 7 : i32
        %and3A_886 = vector.broadcast %and3A_885 : i32 to vector<16xi32>
        %and3A_887 = arith.andi %add3A_877, %and3A_886 : vector<16xi32>
        tpu.vector_store_idx %arg9[%broadcast_in_dim3A_879, %broadcast_in_dim3A_881, %shift_right_arithmetic3A_884, %and3A_887, %add3A_719], %add3A_783 : memref<2x2x8x8x129xf32, #tpu.memory_space<vmem>>[vector<16xi32>, vector<16xi32>, vector<16xi32>, vector<16xi32>, vector<16xi32>], vector<16xf32>,
      }
      %scan3A_510 = arith.constant 64 : i32
      %mul3A_511 = arith.constant 4 : i32
      %mul3A_512 = arith.muli %add3A_323, %mul3A_511 : i32
      %add3A_513 = arith.constant 2 : i32
      %add3A_514 = arith.addi %mul3A_512, %add3A_513 : i32
      %dma_start3A_515 = arith.constant 1 : i32
      %dma_start3A_516 = arith.constant 0 : i32
      %dma_start3A_517 = arith.constant 0 : i32
      %dma_start3A_518 = arith.constant 0 : i32
      %dma_start3A_519 = arith.constant 0 : i32
      %dma_start3A_520 = tpu.memref_slice %arg9[%dma_start3A_515, %dma_start3A_516, %dma_start3A_517, %dma_start3A_518, %dma_start3A_519] : memref<2x2x8x8x129xf32, #tpu.memory_space<vmem>> -> memref<1x2x8x8x128xf32, #tpu.memory_space<vmem>>
      %dma_start3A_521 = tpu.memref_squeeze %dma_start3A_520 : memref<1x2x8x8x128xf32, #tpu.memory_space<vmem>> -> memref<2x8x8x128xf32, #tpu.memory_space<vmem>>
      %dma_start3A_522 = arith.constant 0 : i32
      %dma_start3A_523 = arith.constant 0 : i32
      %dma_start3A_524 = arith.constant 0 : i32
      %dma_start3A_525 = tpu.memref_slice %arg5[%add3A_514, %dma_start3A_522, %add3A, %dma_start3A_523, %dma_start3A_524] : memref<200x8x32x8x128xf32, #tpu.memory_space<hbm>> -> memref<2x8x1x8x128xf32, #tpu.memory_space<hbm>>
      %dma_start3A_526 = tpu.memref_squeeze %dma_start3A_525 : memref<2x8x1x8x128xf32, #tpu.memory_space<hbm>> -> memref<2x8x8x128xf32, #tpu.memory_space<hbm>>
      %dma_start3A_527 = arith.constant 0 : i32
      %dma_start3A_528 = arith.constant 0 : i32
      %dma_start3A_529 = arith.constant 0 : i32
      %dma_start3A_530 = tpu.memref_slice %arg5[%add3A_514, %dma_start3A_527, %add3A, %dma_start3A_528, %dma_start3A_529] : memref<200x8x32x8x128xf32, #tpu.memory_space<hbm>> -> memref<2x8x1x8x128xf32, #tpu.memory_space<hbm>>
      %dma_start3A_531 = tpu.memref_squeeze %dma_start3A_530 : memref<2x8x1x8x128xf32, #tpu.memory_space<hbm>> -> memref<2x8x8x128xf32, #tpu.memory_space<hbm>>
      %dma_start3A_532 = arith.constant 0 : i32
      %dma_start3A_533 = arith.constant 0 : i32
      %dma_start3A_534 = arith.constant 0 : i32
      %dma_start3A_535 = arith.constant 0 : i32
      %dma_start3A_536 = tpu.memref_slice %arg9[%dma_start3A_515, %dma_start3A_532, %dma_start3A_533, %dma_start3A_534, %dma_start3A_535] : memref<2x2x8x8x129xf32, #tpu.memory_space<vmem>> -> memref<1x2x8x8x128xf32, #tpu.memory_space<vmem>>
      %dma_start3A_537 = tpu.memref_squeeze %dma_start3A_536 : memref<1x2x8x8x128xf32, #tpu.memory_space<vmem>> -> memref<2x8x8x128xf32, #tpu.memory_space<vmem>>
      tpu.enqueue_dma source(%dma_start3A_537 : memref<2x8x8x128xf32, #tpu.memory_space<vmem>>) target(%dma_start3A_531 : memref<2x8x8x128xf32, #tpu.memory_space<hbm>>) target_semaphore(%arg15 : memref<!tpu.dma_semaphore, #tpu.memory_space<semaphore_mem>>)
    }
    %scan3A_57 = arith.constant 25 : i32
    %dma_wait3A_58 = arith.constant 0 : i32
    %dma_wait3A_59 = arith.constant 0 : i32
    %dma_wait3A_60 = arith.constant 0 : i32
    %dma_wait3A_61 = arith.constant 0 : i32
    %dma_wait3A_62 = arith.constant 0 : i32
    %dma_wait3A_63 = tpu.memref_slice %arg9[%dma_wait3A_58, %dma_wait3A_59, %dma_wait3A_60, %dma_wait3A_61, %dma_wait3A_62] : memref<2x2x8x8x129xf32, #tpu.memory_space<vmem>> -> memref<1x2x8x8x128xf32, #tpu.memory_space<vmem>>
    %dma_wait3A_64 = tpu.memref_squeeze %dma_wait3A_63 : memref<1x2x8x8x128xf32, #tpu.memory_space<vmem>> -> memref<2x8x8x128xf32, #tpu.memory_space<vmem>>
    %dma_wait3A_65 = arith.constant 196 : i32
    %dma_wait3A_66 = arith.constant 0 : i32
    %dma_wait3A_67 = arith.constant 0 : i32
    %dma_wait3A_68 = arith.constant 0 : i32
    %dma_wait3A_69 = tpu.memref_slice %arg5[%dma_wait3A_65, %dma_wait3A_66, %add3A, %dma_wait3A_67, %dma_wait3A_68] : memref<200x8x32x8x128xf32, #tpu.memory_space<hbm>> -> memref<2x8x1x8x128xf32, #tpu.memory_space<hbm>>
    %dma_wait3A_70 = tpu.memref_squeeze %dma_wait3A_69 : memref<2x8x1x8x128xf32, #tpu.memory_space<hbm>> -> memref<2x8x8x128xf32, #tpu.memory_space<hbm>>
    %dma_wait3A_71 = arith.constant 196 : i32
    %dma_wait3A_72 = arith.constant 0 : i32
    %dma_wait3A_73 = arith.constant 0 : i32
    %dma_wait3A_74 = arith.constant 0 : i32
    %dma_wait3A_75 = tpu.memref_slice %arg5[%dma_wait3A_71, %dma_wait3A_72, %add3A, %dma_wait3A_73, %dma_wait3A_74] : memref<200x8x32x8x128xf32, #tpu.memory_space<hbm>> -> memref<2x8x1x8x128xf32, #tpu.memory_space<hbm>>
    %dma_wait3A_76 = tpu.memref_squeeze %dma_wait3A_75 : memref<2x8x1x8x128xf32, #tpu.memory_space<hbm>> -> memref<2x8x8x128xf32, #tpu.memory_space<hbm>>
    %dma_wait3A_77 = arith.constant 0 : i32
    %dma_wait3A_78 = arith.constant 0 : i32
    %dma_wait3A_79 = arith.constant 0 : i32
    %dma_wait3A_80 = arith.constant 0 : i32
    %dma_wait3A_81 = tpu.memref_slice %arg9[%dma_wait3A_58, %dma_wait3A_77, %dma_wait3A_78, %dma_wait3A_79, %dma_wait3A_80] : memref<2x2x8x8x129xf32, #tpu.memory_space<vmem>> -> memref<1x2x8x8x128xf32, #tpu.memory_space<vmem>>
    %dma_wait3A_82 = tpu.memref_squeeze %dma_wait3A_81 : memref<1x2x8x8x128xf32, #tpu.memory_space<vmem>> -> memref<2x8x8x128xf32, #tpu.memory_space<vmem>>
    tpu.wait_dma2 semaphore(%arg14 : memref<!tpu.dma_semaphore, #tpu.memory_space<semaphore_mem>>) src(%dma_wait3A_82 : memref<2x8x8x128xf32, #tpu.memory_space<vmem>>) dst(%dma_wait3A_76 : memref<2x8x8x128xf32, #tpu.memory_space<hbm>>)
    %dma_wait3A_83 = arith.constant 1 : i32
    %dma_wait3A_84 = arith.constant 0 : i32
    %dma_wait3A_85 = arith.constant 0 : i32
    %dma_wait3A_86 = arith.constant 0 : i32
    %dma_wait3A_87 = arith.constant 0 : i32
    %dma_wait3A_88 = tpu.memref_slice %arg9[%dma_wait3A_83, %dma_wait3A_84, %dma_wait3A_85, %dma_wait3A_86, %dma_wait3A_87] : memref<2x2x8x8x129xf32, #tpu.memory_space<vmem>> -> memref<1x2x8x8x128xf32, #tpu.memory_space<vmem>>
    %dma_wait3A_89 = tpu.memref_squeeze %dma_wait3A_88 : memref<1x2x8x8x128xf32, #tpu.memory_space<vmem>> -> memref<2x8x8x128xf32, #tpu.memory_space<vmem>>
    %dma_wait3A_90 = arith.constant 198 : i32
    %dma_wait3A_91 = arith.constant 0 : i32
    %dma_wait3A_92 = arith.constant 0 : i32
    %dma_wait3A_93 = arith.constant 0 : i32
    %dma_wait3A_94 = tpu.memref_slice %arg5[%dma_wait3A_90, %dma_wait3A_91, %add3A, %dma_wait3A_92, %dma_wait3A_93] : memref<200x8x32x8x128xf32, #tpu.memory_space<hbm>> -> memref<2x8x1x8x128xf32, #tpu.memory_space<hbm>>
    %dma_wait3A_95 = tpu.memref_squeeze %dma_wait3A_94 : memref<2x8x1x8x128xf32, #tpu.memory_space<hbm>> -> memref<2x8x8x128xf32, #tpu.memory_space<hbm>>
    %dma_wait3A_96 = arith.constant 198 : i32
    %dma_wait3A_97 = arith.constant 0 : i32
    %dma_wait3A_98 = arith.constant 0 : i32
    %dma_wait3A_99 = arith.constant 0 : i32
    %dma_wait3A_100 = tpu.memref_slice %arg5[%dma_wait3A_96, %dma_wait3A_97, %add3A, %dma_wait3A_98, %dma_wait3A_99] : memref<200x8x32x8x128xf32, #tpu.memory_space<hbm>> -> memref<2x8x1x8x128xf32, #tpu.memory_space<hbm>>
    %dma_wait3A_101 = tpu.memref_squeeze %dma_wait3A_100 : memref<2x8x1x8x128xf32, #tpu.memory_space<hbm>> -> memref<2x8x8x128xf32, #tpu.memory_space<hbm>>
    %dma_wait3A_102 = arith.constant 0 : i32
    %dma_wait3A_103 = arith.constant 0 : i32
    %dma_wait3A_104 = arith.constant 0 : i32
    %dma_wait3A_105 = arith.constant 0 : i32
    %dma_wait3A_106 = tpu.memref_slice %arg9[%dma_wait3A_83, %dma_wait3A_102, %dma_wait3A_103, %dma_wait3A_104, %dma_wait3A_105] : memref<2x2x8x8x129xf32, #tpu.memory_space<vmem>> -> memref<1x2x8x8x128xf32, #tpu.memory_space<vmem>>
    %dma_wait3A_107 = tpu.memref_squeeze %dma_wait3A_106 : memref<1x2x8x8x128xf32, #tpu.memory_space<vmem>> -> memref<2x8x8x128xf32, #tpu.memory_space<vmem>>
    tpu.wait_dma2 semaphore(%arg15 : memref<!tpu.dma_semaphore, #tpu.memory_space<semaphore_mem>>) src(%dma_wait3A_107 : memref<2x8x8x128xf32, #tpu.memory_space<vmem>>) dst(%dma_wait3A_101 : memref<2x8x8x128xf32, #tpu.memory_space<hbm>>)
    return
  }
}

</mosaic_0001>

<sc_bundles>
// kernel: kernel.3.cloned.1.call-start
scs
__scs_entry_jumppad:
0x0: {  	(pc) =	sbr.rel $0x88, $3  }
0x1: {  	(tag) =	ssettag $0x0;
	lr =	simm.s32 $0x1  }
0x2: {  	[smem:$0x3F9E] =	sst lr;
	_ =	strace $0xD0000000  }
0x3: {  	_ = 	snop  }
0x4: {  	_ = 	snop  }
0x5: {  	_ = 	snop  }
0x6: {  	_ = 	snop  }
0x7: {  	_ = 	snop  }
__scs_overlays_trampoline_lowered:
0x8: {  	[smem:$0x3FAD] =	sst s0  }
0x9: {  	[smem:$0x3FAE] =	sst s1  }
0xa: {  	[smem:$0x3FAF] =	sst s2  }
0xb: {  	[smem:$0x3FB0] =	sst s3  }
0xc: {  	[smem:$0x3FB1] =	sst s4  }
0xd: {  	[smem:$0x3FB2] =	sst s5  }
0xe: {  	[smem:$0x3FB3] =	sst s6  }
0xf: {  	[smem:$0x3FB4] =	sst s7  }
0x10: {  	[smem:$0x3FB5] =	sst s8  }
0x11: {  	[smem:$0x3FB6] =	sst s9;
	s0 =	simm.s32 @!p0 $0x0  }
0x12: {  	s1 =	sld [smem:$0x3F9C];
	s0 =	simm.s32 @p0 $0x1  }
0x13: {  	[smem:$0x3FB7] =	sst s0;
	s0 =	simm.s32 @!p1 $0x0  }
0x14: {  	s2 =	sld [smem:$0x3F9B];
	s0 =	simm.s32 @p1 $0x1  }
0x15: {  	[smem:$0x3FB8] =	sst s0;
	s0 =	simm.s32 @!p2 $0x0  }
0x16: {  	s3 =	sld [smem:$0x3FDB];
	s0 =	simm.s32 @p2 $0x1  }
0x17: {  	s4 =	simm.s32 $0x1BF5;
	[smem:$0x3FBA] =	sst s0  }
0x18: {  	s0 =	sld [smem:$0x3F9D];
	_ =	swait.ge [sflag:s4], $0x0  }
0x19: {  	s7 =	sld [smem:$0x3F9E]  }
0x1a: {  	s8 =	sadd.s32 $0xFFFFE003, lr  }
0x1b: {  	s9 =	sadd.s32 $0xFFFFFEF7, lr;
	s5 =	simm.s32 $0xFFFFFFFF;
	p2 =	slt.u32 s8, $0xFFFFF086  }
0x1c: {  	p1 =	slt.u32 s9, $0xF7A;
	s5 =	simm.s32 @!p2 $0x0  }
0x1d: {  	s5 =	simm.s32 @p1 $0x1;
	p0 =	seq.s32 s7, s2  }
0x1e: {  	s7 =	smul.u32 @!p0 $0xF7A, s2;
	p2 =	seq.s32 @!p0 s5, $0x0  }
0x1f: {  	s9 =	smul.u32 $0xF7A, s1;
	s8 =	simm.s32 @!p0 $0x1BF5;
	p2 =	por !p2, p0  }
0x20: {  	[sflag:s8] =	ssyncset.s32 @!p0 $0xFFFFF086;
	s6 =	sadd.s32 @!p0 s3, s7;
	s7 =	simm.s32 @!p0 $0x108  }
0x21: {  	s3 =	sadd.s32 s3, s9;
	s6 =	sadd.s32 @!p0 $0x88, s6;
	s7 =	simm.s32 @p2 $0x1082  }
0x22: {  	[simem:s7], [sflag:s8] =	dma.local @!p0 [hbm:s6], $0xF7A  }
0x23: {  	s9 =	sor.u32 $0xD0000000, s2;
	s6 =	simm.s32 $0x108;
	_ =	swait.ge @!p0 [sflag:s8], $0x0  }
0x24: {  	s3 =	sadd.s32 $0x88, s3;
	s6 =	simm.s32 @!p1 $0x1082;
	[sflag:s4] =	ssyncset.s32 $0xFFFFF086  }
0x25: {  	[simem:s6], [sflag:s4] =	dma.local [hbm:s3], $0xF7A  }
0x26: {  	[smem:$0x3F9E] =	sst s1;
	(tag) =	ssettag s2;
	_ =	strace s9  }
0x27: {  	s1 =	sld [smem:$0x3FAE]  }
0x28: {  	s2 =	sld [smem:$0x3FAF]  }
0x29: {  	s4 =	sld [smem:$0x3FB1]  }
0x2a: {  	p0 =	seq.s32 s5, $0x0;
	s5 =	sld [smem:$0x3FB2]  }
0x2b: {  	s6 =	sld [smem:$0x3FB3]  }
0x2c: {  	s7 =	sld [smem:$0x3FB4]  }
0x2d: {  	s3 =	simm.s32 $0x108;
	s8 =	sld [smem:$0x3FB5]  }
0x2e: {  	s3 =	simm.s32 @!p0 $0x1082;
	s9 =	sld [smem:$0x3FB6]  }
0x2f: {  	lr =	sadd.s32 s0, s3;
	s0 =	sld [smem:$0x3FAD]  }
0x30: {  	s3 =	sld [smem:$0x3FB0]  }
0x31: {  	[smem:$0x3FB9] =	sst s10  }
0x32: {  	s10 =	sld [smem:$0x3FB7];
	_ =	sdelay $0x3  }
0x33: {  	p0 =	seq.s32 s10, $0x1;
	s10 =	sld [smem:$0x3FB9];
	_ =	sdelay $0x3  }
0x34: {  	[smem:$0x3FB9] =	sst s10  }
0x35: {  	s10 =	sld [smem:$0x3FB8];
	_ =	sdelay $0x3  }
0x36: {  	p1 =	seq.s32 s10, $0x1;
	s10 =	sld [smem:$0x3FB9];
	_ =	sdelay $0x3  }
0x37: {  	[smem:$0x3FB9] =	sst s10  }
0x38: {  	s10 =	sld [smem:$0x3FBA]  }
0x39: {  	_ = 	snop;
	(pc) =	sbr.ind lr, $3  }
0x3a: {  	_ = 	snop  }
0x3b: {  	_ = 	snop  }
0x3c: {  	p2 =	seq.s32 s10, $0x1;
	s10 =	sld [smem:$0x3FB9]  }
0x3d: {  	_ =	shalt  }
0x3e: {  	_ =	shalt  }
0x3f: {  	_ =	shalt  }
0x40: {  	_ =	shalt  }
0x41: {  	_ =	shalt  }
0x42: {  	_ =	shalt  }
0x43: {  	_ =	shalt  }
0x44: {  	_ =	shalt  }
0x45: {  	_ =	shalt  }
0x46: {  	_ =	shalt  }
0x47: {  	_ =	shalt  }
0x48: {  	_ =	shalt  }
0x49: {  	_ =	shalt  }
0x4a: {  	_ =	shalt  }
0x4b: {  	_ =	shalt  }
0x4c: {  	_ =	shalt  }
0x4d: {  	_ =	shalt  }
0x4e: {  	_ =	shalt  }
0x4f: {  	_ =	shalt  }
0x50: {  	_ =	shalt  }
0x51: {  	_ =	shalt  }
0x52: {  	_ =	shalt  }
0x53: {  	_ =	shalt  }
0x54: {  	_ =	shalt  }
0x55: {  	_ =	shalt  }
0x56: {  	_ =	shalt  }
0x57: {  	_ =	shalt  }
0x58: {  	_ =	shalt  }
0x59: {  	_ =	shalt  }
0x5a: {  	_ =	shalt  }
0x5b: {  	_ =	shalt  }
0x5c: {  	_ =	shalt  }
0x5d: {  	_ =	shalt  }
0x5e: {  	_ =	shalt  }
0x5f: {  	_ =	shalt  }
0x60: {  	_ =	shalt  }
0x61: {  	_ =	shalt  }
0x62: {  	_ =	shalt  }
0x63: {  	_ =	shalt  }
0x64: {  	_ =	shalt  }
0x65: {  	_ =	shalt  }
0x66: {  	_ =	shalt  }
0x67: {  	_ =	shalt  }
0x68: {  	_ =	shalt  }
0x69: {  	_ =	shalt  }
0x6a: {  	_ =	shalt  }
0x6b: {  	_ =	shalt  }
0x6c: {  	_ =	shalt  }
0x6d: {  	_ =	shalt  }
0x6e: {  	_ =	shalt  }
0x6f: {  	_ =	shalt  }
0x70: {  	_ =	shalt  }
0x71: {  	_ =	shalt  }
0x72: {  	_ =	shalt  }
0x73: {  	_ =	shalt  }
0x74: {  	_ =	shalt  }
0x75: {  	_ =	shalt  }
0x76: {  	_ =	shalt  }
0x77: {  	_ =	shalt  }
0x78: {  	_ =	shalt  }
0x79: {  	_ =	shalt  }
0x7a: {  	_ =	shalt  }
0x7b: {  	_ =	shalt  }
0x7c: {  	_ =	shalt  }
0x7d: {  	_ =	shalt  }
0x7e: {  	_ =	shalt  }
0x7f: {  	_ =	shalt  }
0x80: {  	_ =	shalt  }
0x81: {  	_ =	shalt  }
0x82: {  	_ =	shalt  }
0x83: {  	_ =	shalt  }
0x84: {  	_ =	shalt  }
0x85: {  	_ =	shalt  }
0x86: {  	_ =	shalt  }
0x87: {  	_ =	shalt  }
.Lfunc_end0:
.L_simem_size_0:
called_computation_lowered:
.L_overlay_start_0:
0x88: {  	s2 =	sld [smem:$0x3FD9]  }
0x89: {  	s3 =	sld [smem:$0x3FFE];
	_ =	sdelay $0x1  }
0x8a: {  	s1 =	srdreg.scid  }
0x8b: {  	s0 =	sand.u32 $0x1, s1  }
0x8c: {  	s17 =	sshll.u32 s0, $0xA;
	s2 =	sadd.s32 s3, s2  }
0x8d: {  	s2 =	sadd.s32 s2, s17  }
0x8e: {  	[smem:$0x3FC5] =	sst s2  }
0x8f: {  	_ = 	snop  }
0x90: {  	s2 =	sld [smem:$0x3FD0];
	(tm) =	ssettm $0x1  }
0x91: {  	s18 =	sld [smem:$0x3FFB];
	_ =	sdelay $0x3  }
0x92: {  	_ =	strace s18  }
0x93: {  	s3 =	sld [smem:$0x3FFC];
	_ =	sdelay $0x3  }
0x94: {  	_ =	strace s3  }
0x95: {  	s3 =	sld [smem:$0x3FFD];
	_ =	sdelay $0x3  }
0x96: {  	_ =	strace s3  }
0x97: {  	_ =	strace $0x8FFFFFFF  }
0x98: {  	s19 =	sld [smem:$0x3FDB];
	_ =	sdelay $0x1  }
0x99: {  	s4 =	simm.s32 $_scs_section_size  }
0x9a: {  	s5 =	simm.s32 $_size__tile_overlayer_lowered;
	s6 =	simm.s32 $_tile_overlayer_lowered  }
0x9b: {  	s22 =	simm.s32 $0x1BFF;
	s21 =	sshll.u32 s6, $0x1;
	s3 =	sadd.s32 s4, s19  }
0x9c: {  	s7 =	simm.s32 $0x0;
	s20 =	sshll.u32 s5, $0x1;
	s5 =	sadd.s32 s21, s3  }
0x9d: {  	[timem:s7], [sflag:s22] =	dma.local [hbm:s5], s20  }
0x9e: {  	_ =	swait.ge [sflag:s22], s20  }
0x9f: {  	s4 =	ssub.s32 $0x0, s20;
	[sflag:s22] =	ssyncset.done $0x0  }
0xa0: {  	[sflag:s22] =	ssyncadd.s32 s4;
	_ =	sdelay $0x1  }
0xa1: {  	s23 =	simm.s32 $0x1B8B  }
0xa2: {  	_ =	swait.ge [sflag:s23], $0x1  }
0xa3: {  	[sflag:s23] =	ssyncset.done $0x0  }
0xa4: {  	s25 =	simm.s32 $0x1B8E;
	s24 =	sld [smem:$0x3FFE];
	[sflag:s23] =	ssyncadd.s32 $0xFFFFFFFF  }
0xa5: {  	s26 =	simm.s32 $execute0_lowered;
	[smem:$0x3FD2] =	sst s25  }
0xa6: {  	s5 =	sshll.u32 s26, $0x1;
	_ =	strace $0x80000046;
	[dreg:$0x1] =	wrdreg $0xFFFFFFFF  }
0xa7: {  	s28 =	simm.s32 $_size_execute0_lowered;
	s3 =	sadd.s32 s3, s5;
	[dreg:$0x0] =	wrdreg $0x0  }
0xa8: {  	s5 =	sshll.u32 s28, $0x1;
	[dreg:$0x2] =	wrdreg s3  }
0xa9: {  	[dreg:$0x3] =	wrdreg s5  }
0xaa: {  	[dreg:$0x4] =	wrdreg $0xC0  }
0xab: {  	_ =	task [dreg:s7], $0x5FFFF  }
0xac: {  	[dreg:$0x1] =	wrdreg $0xFFFFFFFF  }
0xad: {  	[dreg:$0x0] =	wrdreg $0x60  }
0xae: {  	[dreg:$0x2] =	wrdreg s24  }
0xaf: {  	[dreg:$0x3] =	wrdreg s2  }
0xb0: {  	[dreg:$0x4] =	wrdreg $0x9  }
0xb1: {  	_ =	task.clear_ibuf [dreg:s7], $0x5FFFF;
	_ =	strace $0x90000046  }
0xb2: {  	s29 =	simm.s32 $0x9;
	_ =	strace $0x80000048  }
0xb3: {  	_ =	swait.ge [sflag:s29], $0x1  }
0xb4: {  	[sflag:s29] =	ssyncadd.s32 $0xFFFFFFFF  }
0xb5: {  	_ =	strace $0x90000048  }
0xb6: {  	_ =	sfence  }
0xb7: {  	s30 =	sld [smem:$0x0];
	_ =	sdelay $0x2  }
0xb8: {  	s31 =	sshll.u32 s1, $0xD;
	s1 =	sshrl.u32 s1, $0x2  }
0xb9: {  	s3 =	sand.u32 $0x4000, s31;
	s1 =	sadd.s32 s1, s30  }
0xba: {  	s0 =	sor.u32 s3, s0;
	s1 =	sshll.u32 s1, $0x11  }
0xbb: {  	s0 =	sor.u32 s1, s0  }
0xbc: {  	s0 =	sadd.s32 $0x8F2B, s0  }
0xbd: {  	[sflag:s0] =	ssyncadd.remote.s32 $0x1  }
0xbe: {  	_ =	sfence.sel $0xFFFF  }
0xbf: {  	[dreg:$0x0] =	wrdreg $0xFFFFFFFF;
	(pc) =	sbr.abs _section_cstart, $3  }
0xc0: {  	[dreg:$0x1] =	wrdreg $0xFFFFFFFF  }
0xc1: {  	_ =	task.clear_ibuf [dreg:s7], $0x2FFFF;
	_ =	strace $0x9FFFFFFF  }
0xc2: {  	(tm) =	ssettm $0x7FFFFFFF  }
0xc3: {  	_ =	shalt  }
tec
execute0_lowered:
.L_overlay_start_1:
0x0: {  	(tag) =	ssettag $0x1  }
0x1: {  	s0 =	rddreg [dreg:$0x0]  }
0x2: {  	s1 =	rddreg [dreg:$0x1]  }
0x3: {  	s3 =	simm.s32 $0x0;
	s2 =	srdreg.scid;
	s5 =	stileid.u32  }
0x4: {  	s13 =	simm.s32 $0x7;
	s15 =	simm.s32 $0x3;
	s16 =	simm.s32 $0x200  }
0x5: {  	s18 =	simm.s32 $0x3400;
	s19 =	simm.s32 $0x4;
	s20 =	simm.s32 $0xB600  }
0x6: {  	v0 =	vlaneseq.u32;
	s21 =	simm.s32 $0x1;
	s22 =	simm.s32 $0x13600;
	s23 =	simm.s32 $0x5  }
0x7: {  	s24 =	simm.s32 $0x6;
	s25 =	simm.s32 $0x0;
	[smem:$0x7FF] =	sst s3;
	v0 =	vmul.u32 $0x88, v0  }
0x8: {  	s4 =	sadd.s32 $0xC00, s0;
	s2 =	sand.u32 $0x1, s2;
	s6 =	sshll.u32 s5, $0x1  }
0x9: {  	s5 =	sadd.s32 $0x19C00, s0;
	_ =	strace $0x80000047;
	s7 =	ssub.s32 $0x2, s2;
	v1 =	vadd.s32 $0x880, v0;
	v2 =	vadd.s32 $0x1100, v0;
	v3 =	vadd.s32 $0x1980, v0  }
0xa: {  	s2 =	sor.u32 s2, s6;
	s6 =	sadd.s32 $0x400, s0;
	s31 =	sshrl.u32 s7, $0x1;
	v4 =	vadd.s32 $0x2200, v0;
	v5 =	vadd.s32 $0x2A80, v0;
	v6 =	vadd.s32 $0x3300, v0  }
0xb: {  	s8 =	sshll.u32 s2, $0x6;
	s10 =	sshll.u32 s2, $0x9;
	s11 =	sshll.u32 s2, $0xA;
	v7 =	vadd.s32 $0x3B80, v0;
	v8 =	vadd.s32 $0x4400, v0;
	v9 =	vadd.s32 $0x4C80, v0  }
0xc: {  	v10 =	vadd.s32 $0x5500, v0;
	v11 =	vadd.s32 $0x5D80, v0;
	v12 =	vadd.s32 $0x6600, v0;
	s0 =	ssub.s32 s7, s31;
	s7 =	sadd.s32 s4, s8;
	s9 =	sor.u32 $0x8000, s10  }
0xd: {  	v13 =	vadd.s32 $0x6E80, v0;
	v14 =	vadd.s32 $0x7700, v0;
	v15 =	vadd.s32 $0x7F80, v0;
	s10 =	sor.u32 $0xC000, s10;
	s8 =	sadd.s32 $0x800, s7;
	s12 =	smax.u32 s0, $0x1  }
.LBB2_1:
0xe: {  	[tilespmem:s3], [sflag:$0x7] =	stream.linear.gather [hbm4b:s6+s3], $0x3200, $0x38;
	[tilespmem:$0x1BE00] =	vst v63  }
0xf: {  	_ =	swait.ge [sflag:s13], $0x3200  }
0x10: {  	[sflag:s13] =	ssyncset.done $0x0  }
0x11: {  	s0 =	simm.s32 $0x3200;
	[sflag:s13] =	ssyncadd.s32 $0xFFFFCE00  }
0x12: {  	[tilespmem:s0], [sflag:$0x3] =	stream.linear.gather [hbm4b:s7+s3], $0x200, $0x38;
	[tilespmem:$0x1BE00] =	vst v63  }
0x13: {  	_ =	swait.ge [sflag:s15], $0x200  }
0x14: {  	[sflag:s15] =	ssyncset.done $0x0  }
0x15: {  	s2 =	simm.s32 $0x3600;
	[sflag:s15] =	ssyncadd.s32 $0xFFFFFE00  }
0x16: {  	[tilespmem:s2], [sflag:$0x1] =	stream.indirect.gather [hbm4b:s5+s16], $0x40, s0, s16, $0xb8;
	[tilespmem:$0x1BE00] =	vst v63  }
0x17: {  	s26 =	simm.s32 $0x0  }
0x18: {  	[tilespmem:s18], [sflag:$0x4] =	stream.linear.gather [hbm4b:s8+s3], $0x200, $0x38;
	[tilespmem:$0x1BE00] =	vst v63  }
.LBB2_2:
0x19: {  	_ =	swait.ge [sflag:s19], $0x200  }
0x1a: {  	p0 =	seq.s32 s26, $0x18;
	[sflag:s19] =	ssyncset.done $0x0  }
0x1b: {  	s0 =	sshll.u32 @!p0 s26, $0xF;
	[sflag:s19] =	ssyncadd.s32 $0xFFFFFE00  }
0x1c: {  	[tilespmem:s20], [sflag:$0x2] =	stream.indirect.gather [hbm4b:s5+s16], $0x40, s18, s16, $0xb8;
	[tilespmem:$0x1BE00] =	vst v63  }
0x1d: {  	s14 =	sshll.u32 s26, $0x9;
	s0 =	sadd.s32 @!p0 s9, s0;
	_ =	swait.ge [sflag:s21], $0x8000  }
0x1e: {  	s2 =	simm.s32 @!p0 $0x0;
	s0 =	sshrl.u32 @!p0 s0, $0x3;
	[sflag:s21] =	ssyncset.done $0x0  }
0x1f: {  	s17 =	simm.s32 @!p0 $0x3200;
	s0 =	sadd.s32 @!p0 s4, s0;
	[sflag:s21] =	ssyncadd.s32 $0xFFFF8000  }
0x20: {  	[tilespmem:s17], [sflag:$0x3] =	stream.linear.gather @!p0 [hbm4b:s0+s2], $0x200, $0x38;
	[tilespmem:$0x1BE00] =	vst v63  }
0x21: {  	s0 =	sand.u32 $0x3FFFFE00, s14  }
0x22: {  	v31 =	vld [tilespmem:s0+$0x0]  }
0x23: {  	v30 =	vld [tilespmem:s0+$0x10]  }
0x24: {  	v29 =	vld [tilespmem:s0+$0x20]  }
0x25: {  	v28 =	vld [tilespmem:s0+$0x30]  }
0x26: {  	v27 =	vld [tilespmem:s0+$0x40]  }
0x27: {  	v25 =	vld [tilespmem:s0+$0x50]  }
0x28: {  	v26 =	vld [tilespmem:s0+$0x60]  }
0x29: {  	v24 =	vld [tilespmem:s0+$0x70]  }
0x2a: {  	s17 =	sshll.u32 s26, $0x3;
	v20 =	vld [tilespmem:s0+$0xC0]  }
0x2b: {  	s29 =	sor.u32 $0x2, s17;
	v21 =	vld [tilespmem:s0+$0xD0]  }
0x2c: {  	v22 =	vld [tilespmem:s0+$0xE0];
	s2 =	sshll.u32 s29, $0x6  }
0x2d: {  	v23 =	vld [tilespmem:s0+$0xF0];
	s2 =	sand.u32 $0x3FFFFE80, s2  }
0x2e: {  	v16 =	vld [tilespmem:s2+$0x0]  }
0x2f: {  	p0 =	seq.s32 s26, $0x0;
	v17 =	vld [tilespmem:s2+$0x10]  }
0x30: {  	s0 =	simm.s32 @!p0 $0x5;
	v18 =	vld [tilespmem:s2+$0x20]  }
0x31: {  	v19 =	vld [tilespmem:s2+$0x30];
	_ =	swait.ge @!p0 [sflag:s0], $0x4000  }
0x32: {  	[sflag:s0] =	ssyncset.done @!p0 $0x0  }
0x33: {  	s30 =	simm.s32 $0x5600;
	s14 =	simm.s32 $0x0;
	[sflag:s0] =	ssyncadd.s32 @!p0 $0xFFFFC000  }
0x34: {  	v33 =	vmov s14;
	v34 =	vld [tilespmem:s30+$0xFFFFE000]  }
0x35: {  	v33 =	vand.u32 $0x7E, v33;
	v32 =	vld [tilespmem:s30+$0xFFFFE010]  }
0x36: {  	v36 =	vadd.s32 v0, v33;
	v35 =	vld [tilespmem:s30+$0xFFFFE020]  }
0x37: {  	v38 =	vadd.s32 v1, v33;
	v37 =	vld [tilespmem:s30+$0xFFFFE030]  }
0x38: {  	v40 =	vadd.s32 v2, v33;
	v39 =	vld [tilespmem:s30+$0x0]  }
0x39: {  	v42 =	vadd.s32 v3, v33;
	v41 =	vld [tilespmem:s30+$0x10];
	v34 =	vadd.f32 v34, v31  }
0x3a: {  	v44 =	vadd.s32 v4, v33;
	v43 =	vld [tilespmem:s30+$0x20];
	v32 =	vadd.f32 v32, v30  }
0x3b: {  	v46 =	vadd.s32 v5, v33;
	v45 =	vld [tilespmem:s30+$0x30];
	v35 =	vadd.f32 v35, v29;
	[tilespmem:v36+s22+$0x0] =	vst.idx.msk $0xffff, v34  }
0x3c: {  	v56 =	vadd.s32 v6, v33;
	v57 =	vadd.f32 v37, v28;
	[tilespmem:v38+s22+$0x0] =	vst.idx.msk $0xffff, v32  }
0x3d: {  	v33 =	vadd.s32 v7, v33;
	v58 =	vadd.f32 v39, v27;
	[tilespmem:v40+s22+$0x0] =	vst.idx.msk $0xffff, v35  }
0x3e: {  	v59 =	vadd.f32 v41, v25;
	[tilespmem:v42+s22+$0x0] =	vst.idx.msk $0xffff, v57  }
0x3f: {  	v60 =	vadd.f32 v43, v26;
	[tilespmem:v44+s22+$0x0] =	vst.idx.msk $0xffff, v58  }
0x40: {  	v61 =	vadd.f32 v45, v24;
	[tilespmem:v46+s22+$0x0] =	vst.idx.msk $0xffff, v59  }
0x41: {  	[tilespmem:v56+s22+$0x0] =	vst.idx.msk $0xffff, v60  }
0x42: {  	[tilespmem:v33+s22+$0x0] =	vst.idx.msk $0xffff, v61  }
0x43: {  	v62 =	vld [tilespmem:s30+$0xFFFFE040]  }
0x44: {  	s17 =	simm.s32 $0x1;
	v32 =	vld [tilespmem:s30+$0x60]  }
0x45: {  	v63 =	vmov s17;
	v43 =	vld [tilespmem:s30+$0xFFFFE050]  }
0x46: {  	v34 =	vand.u32 $0x7F, v63;
	v39 =	vld [tilespmem:s30+$0xFFFFE060]  }
0x47: {  	v41 =	vadd.s32 v0, v34;
	v35 =	vld [tilespmem:s30+$0xFFFFE070]  }
0x48: {  	v38 =	vadd.s32 v3, v34;
	v40 =	vadd.s32 v1, v34;
	v36 =	vld [tilespmem:s30+$0x40]  }
0x49: {  	s28 =	sshllo.u32 s26, $0x1;
	s31 =	simm.s32 $0x2;
	v42 =	vadd.s32 v2, v34;
	v33 =	vadd.s32 v4, v34;
	v37 =	vld [tilespmem:s30+$0x50];
	v44 =	vadd.f32 v62, v31  }
.LBB2_3:
0x4a: {  	p1 =	sne.s32 s31, $0x7E  }
0x4b: {  	v43 =	vadd.f32 v43, v30;
	v45 =	vld [tilespmem:s30+$0x70];
	s30 =	sadd.s32 $0x80, s30;
	s0 =	smov.u32 s31;
	s31 =	sadd.s32 $0x2, s31  }
0x4c: {  	v39 =	vadd.f32 v39, v29;
	[tilespmem:v41+s22+$0x0] =	vst.idx.msk $0xffff, v44;
	v41 =	vadd.s32 v5, v34  }
0x4d: {  	v35 =	vadd.f32 v35, v28;
	[tilespmem:v40+s22+$0x0] =	vst.idx.msk $0xffff, v43;
	v40 =	vadd.s32 v6, v34  }
0x4e: {  	v43 =	vmov s0;
	v34 =	vadd.s32 v7, v34;
	v36 =	vadd.f32 v36, v27;
	[tilespmem:v42+s22+$0x0] =	vst.idx.msk $0xffff, v39  }
0x4f: {  	v39 =	vand.u32 $0x7E, v43;
	v37 =	vadd.f32 v37, v25;
	[tilespmem:v38+s22+$0x0] =	vst.idx.msk $0xffff, v35  }
0x50: {  	v32 =	vadd.f32 v32, v26;
	v35 =	vadd.s32 v0, v39;
	[tilespmem:v33+s22+$0x0] =	vst.idx.msk $0xffff, v36  }
0x51: {  	v33 =	vadd.s32 v1, v39;
	v36 =	vadd.f32 v45, v24;
	[tilespmem:v41+s22+$0x0] =	vst.idx.msk $0xffff, v37  }
0x52: {  	v37 =	vadd.s32 v2, v39;
	[tilespmem:v40+s22+$0x0] =	vst.idx.msk $0xffff, v32  }
0x53: {  	v32 =	vadd.s32 v3, v39;
	[tilespmem:v34+s22+$0x0] =	vst.idx.msk $0xffff, v36  }
0x54: {  	v36 =	vadd.s32 v4, v39;
	v34 =	vld [tilespmem:s30+$0xFFFFE010]  }
0x55: {  	v40 =	vadd.s32 v5, v39;
	v38 =	vld [tilespmem:s30+$0xFFFFE000]  }
0x56: {  	v42 =	vadd.s32 v6, v39;
	v41 =	vld [tilespmem:s30+$0xFFFFE020]  }
0x57: {  	v43 =	vld [tilespmem:s30+$0xFFFFE030]  }
0x58: {  	v44 =	vld [tilespmem:s30+$0x0]  }
0x59: {  	v45 =	vld [tilespmem:s30+$0x10]  }
0x5a: {  	v38 =	vadd.f32 v38, v31;
	v46 =	vld [tilespmem:s30+$0x20]  }
0x5b: {  	v34 =	vadd.f32 v34, v30;
	v47 =	vld [tilespmem:s30+$0x30]  }
0x5c: {  	v41 =	vadd.f32 v41, v29;
	[tilespmem:v35+s22+$0x0] =	vst.idx.msk $0xffff, v38  }
0x5d: {  	v35 =	vadd.f32 v43, v28;
	[tilespmem:v33+s22+$0x0] =	vst.idx.msk $0xffff, v34  }
0x5e: {  	v33 =	vadd.f32 v44, v27;
	v34 =	vadd.s32 v7, v39;
	[tilespmem:v37+s22+$0x0] =	vst.idx.msk $0xffff, v41  }
0x5f: {  	v37 =	vadd.f32 v45, v25;
	[tilespmem:v32+s22+$0x0] =	vst.idx.msk $0xffff, v35  }
0x60: {  	v32 =	vadd.f32 v46, v26;
	[tilespmem:v36+s22+$0x0] =	vst.idx.msk $0xffff, v33  }
0x61: {  	v33 =	vadd.f32 v47, v24;
	[tilespmem:v40+s22+$0x0] =	vst.idx.msk $0xffff, v37  }
0x62: {  	[tilespmem:v42+s22+$0x0] =	vst.idx.msk $0xffff, v32  }
0x63: {  	[tilespmem:v34+s22+$0x0] =	vst.idx.msk $0xffff, v33  }
0x64: {  	s0 =	sadd.s32 $0x1, s0;
	v36 =	vld [tilespmem:s30+$0xFFFFE040]  }
0x65: {  	v33 =	vmov s0;
	v32 =	vld [tilespmem:s30+$0x60]  }
.Ltmp0:
0x66: {  	v34 =	vand.u32 $0x7F, v33;
	v43 =	vld [tilespmem:s30+$0xFFFFE050];
	(pc) =	sbr.rel @p1 .LBB2_3-.Ltmp0, $4  }
0x67: {  	v41 =	vadd.s32 v0, v34;
	v33 =	vadd.s32 v4, v34;
	v39 =	vld [tilespmem:s30+$0xFFFFE060]  }
0x68: {  	v40 =	vadd.s32 v1, v34;
	v35 =	vld [tilespmem:s30+$0xFFFFE070]  }
0x69: {  	v42 =	vadd.s32 v2, v34;
	v44 =	vadd.f32 v36, v31;
	v36 =	vld [tilespmem:s30+$0x40]  }
0x6a: {  	v38 =	vadd.s32 v3, v34;
	v37 =	vld [tilespmem:s30+$0x50]  }
0x6b: {  	_ =	sdelay $0x2  }
0x6c: {  	v30 =	vadd.f32 v43, v30  }
0x6d: {  	v31 =	vld [tilespmem:s30+$0x70];
	[tilespmem:v41+s22+$0x0] =	vst.idx.msk $0xffff, v44;
	v61 =	vadd.s32 v5, v34;
	v29 =	vadd.f32 v39, v29  }
0x6e: {  	v62 =	vadd.s32 v6, v34;
	v28 =	vadd.f32 v35, v28;
	[tilespmem:v40+s22+$0x0] =	vst.idx.msk $0xffff, v30  }
0x6f: {  	v63 =	vadd.s32 v7, v34;
	v27 =	vadd.f32 v36, v27;
	[tilespmem:v42+s22+$0x0] =	vst.idx.msk $0xffff, v29  }
0x70: {  	v25 =	vadd.f32 v37, v25;
	[tilespmem:v38+s22+$0x0] =	vst.idx.msk $0xffff, v28  }
0x71: {  	v26 =	vadd.f32 v32, v26;
	s0 =	sshll.u32 s26, $0x15;
	[tilespmem:v33+s22+$0x0] =	vst.idx.msk $0xffff, v27  }
0x72: {  	s0 =	sor.u32 s11, s0;
	v24 =	vadd.f32 v31, v24;
	[tilespmem:v61+s22+$0x0] =	vst.idx.msk $0xffff, v25  }
0x73: {  	s0 =	sshrl.u32 s0, $0x3;
	[tilespmem:v62+s22+$0x0] =	vst.idx.msk $0xffff, v26  }
0x74: {  	s14 =	simm.s32 $0x13600;
	s30 =	sadd.s32 s1, s0;
	[tilespmem:v63+s22+$0x0] =	vst.idx.msk $0xffff, v24  }
0x75: {  	[hbm4b:s30+s3] =	stream.linear.scatter [tilespmem:s14], [sflag:$0x5], $0x80, $0x38;
	[tilespmem:$0x1BE00] =	vst v63  }
0x76: {  	s17 =	simm.s32 $0x13688;
	s2 =	sadd.s32 $0x10, s30  }
0x77: {  	[hbm4b:s2+s3] =	stream.linear.scatter [tilespmem:s17], [sflag:$0x5], $0x80, $0x38;
	[tilespmem:$0x1BE00] =	vst v63  }
0x78: {  	s14 =	simm.s32 $0x13710;
	s17 =	sadd.s32 $0x20, s30  }
0x79: {  	[hbm4b:s17+s3] =	stream.linear.scatter [tilespmem:s14], [sflag:$0x5], $0x80, $0x38;
	[tilespmem:$0x1BE00] =	vst v63  }
0x7a: {  	s14 =	simm.s32 $0x13798;
	s17 =	sadd.s32 $0x30, s30  }
0x7b: {  	[hbm4b:s17+s3] =	stream.linear.scatter [tilespmem:s14], [sflag:$0x5], $0x80, $0x38;
	[tilespmem:$0x1BE00] =	vst v63  }
0x7c: {  	s14 =	simm.s32 $0x13820;
	s17 =	sadd.s32 $0x40, s30  }
0x7d: {  	[hbm4b:s17+s3] =	stream.linear.scatter [tilespmem:s14], [sflag:$0x5], $0x80, $0x38;
	[tilespmem:$0x1BE00] =	vst v63  }
0x7e: {  	s31 =	simm.s32 $0x2200;
	s14 =	simm.s32 $0x138A8;
	s17 =	sadd.s32 $0x50, s30  }
0x7f: {  	[hbm4b:s17+s3] =	stream.linear.scatter [tilespmem:s14], [sflag:$0x5], $0x80, $0x38;
	[tilespmem:$0x1BE00] =	vst v63  }
0x80: {  	s0 =	simm.s32 $0x440;
	s14 =	simm.s32 $0x13930;
	s17 =	sadd.s32 $0x60, s30  }
0x81: {  	[hbm4b:s17+s3] =	stream.linear.scatter [tilespmem:s14], [sflag:$0x5], $0x80, $0x38;
	[tilespmem:$0x1BE00] =	vst v63  }
0x82: {  	s2 =	simm.s32 $0x139B8;
	s17 =	sadd.s32 $0x70, s30;
	s30 =	sadd.s32 $0x1000, s30  }
.LBB2_5:
0x83: {  	[hbm4b:s17+s3] =	stream.linear.scatter [tilespmem:s2], [sflag:$0x5], $0x80, $0x38;
	[tilespmem:$0x1BE00] =	vst v63  }
0x84: {  	s2 =	smov.u32 s0;
	s0 =	smov.u32 s31  }
0x85: {  	s14 =	sadd.s32 $0x1100, s31;
	s0 =	sshra.s32 s0, $0x2;
	s17 =	sadd.s32 $0x13600, s2  }
0x86: {  	[hbm4b:s30+s3] =	stream.linear.scatter [tilespmem:s17], [sflag:$0x5], $0x80, $0x38;
	[tilespmem:$0x1BE00] =	vst v63  }
0x87: {  	p1 =	sne.s32 s31, $0xFF00;
	s31 =	sadd.s32 $0x10, s30;
	s17 =	sadd.s32 $0x13688, s2  }
0x88: {  	[hbm4b:s31+s3] =	stream.linear.scatter [tilespmem:s17], [sflag:$0x5], $0x80, $0x38;
	[tilespmem:$0x1BE00] =	vst v63  }
0x89: {  	s17 =	sadd.s32 $0x13710, s2;
	s31 =	sadd.s32 $0x20, s30  }
0x8a: {  	[hbm4b:s31+s3] =	stream.linear.scatter [tilespmem:s17], [sflag:$0x5], $0x80, $0x38;
	[tilespmem:$0x1BE00] =	vst v63  }
0x8b: {  	s17 =	sadd.s32 $0x13798, s2;
	s31 =	sadd.s32 $0x30, s30  }
0x8c: {  	[hbm4b:s31+s3] =	stream.linear.scatter [tilespmem:s17], [sflag:$0x5], $0x80, $0x38;
	[tilespmem:$0x1BE00] =	vst v63  }
0x8d: {  	s17 =	sadd.s32 $0x13820, s2;
	s31 =	sadd.s32 $0x40, s30  }
0x8e: {  	[hbm4b:s31+s3] =	stream.linear.scatter [tilespmem:s17], [sflag:$0x5], $0x80, $0x38;
	[tilespmem:$0x1BE00] =	vst v63  }
.Ltmp1:
0x8f: {  	s17 =	sadd.s32 $0x138A8, s2;
	s31 =	sadd.s32 $0x50, s30;
	(pc) =	sbr.rel @p1 .LBB2_5-.Ltmp1, $4  }
0x90: {  	[hbm4b:s31+s3] =	stream.linear.scatter [tilespmem:s17], [sflag:$0x5], $0x80, $0x38;
	[tilespmem:$0x1BE00] =	vst v63  }
0x91: {  	s17 =	sadd.s32 $0x13930, s2;
	s31 =	sadd.s32 $0x60, s30;
	s2 =	sadd.s32 $0x139B8, s2  }
0x92: {  	[hbm4b:s31+s3] =	stream.linear.scatter [tilespmem:s17], [sflag:$0x5], $0x80, $0x38;
	[tilespmem:$0x1BE00] =	vst v63  }
0x93: {  	s17 =	sadd.s32 $0x70, s30;
	s30 =	sadd.s32 $0x1000, s30;
	s31 =	smov.u32 s14  }
0x94: {  	[hbm4b:s17+s3] =	stream.linear.scatter [tilespmem:s2], [sflag:$0x5], $0x80, $0x38;
	[tilespmem:$0x1BE00] =	vst v63  }
0x95: {  	s14 =	sadd.s32 $0x13600, s0  }
0x96: {  	[hbm4b:s30+s3] =	stream.linear.scatter [tilespmem:s14], [sflag:$0x5], $0x80, $0x38;
	[tilespmem:$0x1BE00] =	vst v63  }
0x97: {  	s17 =	sadd.s32 $0x13688, s0;
	s14 =	sadd.s32 $0x10, s30  }
0x98: {  	[hbm4b:s14+s3] =	stream.linear.scatter [tilespmem:s17], [sflag:$0x5], $0x80, $0x38;
	[tilespmem:$0x1BE00] =	vst v63  }
0x99: {  	s14 =	sadd.s32 $0x13710, s0;
	s17 =	sadd.s32 $0x20, s30  }
0x9a: {  	[hbm4b:s17+s3] =	stream.linear.scatter [tilespmem:s14], [sflag:$0x5], $0x80, $0x38;
	[tilespmem:$0x1BE00] =	vst v63  }
0x9b: {  	s14 =	sadd.s32 $0x13798, s0;
	s17 =	sadd.s32 $0x30, s30  }
0x9c: {  	[hbm4b:s17+s3] =	stream.linear.scatter [tilespmem:s14], [sflag:$0x5], $0x80, $0x38;
	[tilespmem:$0x1BE00] =	vst v63  }
0x9d: {  	s14 =	sadd.s32 $0x13820, s0;
	s17 =	sadd.s32 $0x40, s30  }
0x9e: {  	[hbm4b:s17+s3] =	stream.linear.scatter [tilespmem:s14], [sflag:$0x5], $0x80, $0x38;
	[tilespmem:$0x1BE00] =	vst v63  }
0x9f: {  	s14 =	sadd.s32 $0x138A8, s0;
	s17 =	sadd.s32 $0x50, s30  }
0xa0: {  	[hbm4b:s17+s3] =	stream.linear.scatter [tilespmem:s14], [sflag:$0x5], $0x80, $0x38;
	[tilespmem:$0x1BE00] =	vst v63  }
0xa1: {  	s14 =	sadd.s32 $0x13930, s0;
	s17 =	sadd.s32 $0x60, s30  }
0xa2: {  	[hbm4b:s17+s3] =	stream.linear.scatter [tilespmem:s14], [sflag:$0x5], $0x80, $0x38;
	[tilespmem:$0x1BE00] =	vst v63  }
0xa3: {  	s14 =	sadd.s32 $0x139B8, s0;
	s17 =	sadd.s32 $0x70, s30;
	s0 =	simm.s32 @!p0 $0x6  }
0xa4: {  	[hbm4b:s17+s3] =	stream.linear.scatter [tilespmem:s14], [sflag:$0x5], $0x80, $0x38;
	[tilespmem:$0x1BE00] =	vst v63  }
0xa5: {  	_ =	swait.ge @!p0 [sflag:s0], $0x4000  }
0xa6: {  	[sflag:s0] =	ssyncset.done @!p0 $0x0  }
0xa7: {  	s14 =	simm.s32 $0x0;
	s17 =	simm.s32 $0x0;
	[sflag:s0] =	ssyncadd.s32 @!p0 $0xFFFFC000  }
0xa8: {  	v25 =	vmov s17;
	v26 =	vld [tilespmem:s14+$0x7600]  }
0xa9: {  	v25 =	vand.u32 $0x7E, v25;
	v24 =	vld [tilespmem:s14+$0x7610]  }
0xaa: {  	v28 =	vadd.s32 v8, v25;
	v27 =	vld [tilespmem:s14+$0x7620]  }
0xab: {  	v30 =	vadd.s32 v9, v25;
	v29 =	vld [tilespmem:s14+$0x7630]  }
0xac: {  	v32 =	vadd.s32 v10, v25;
	v31 =	vld [tilespmem:s14+$0x9600]  }
0xad: {  	v34 =	vadd.s32 v11, v25;
	v33 =	vld [tilespmem:s14+$0x9610];
	v26 =	vadd.f32 v26, v16  }
0xae: {  	v36 =	vadd.s32 v12, v25;
	v35 =	vld [tilespmem:s14+$0x9620];
	v24 =	vadd.f32 v24, v17  }
0xaf: {  	v38 =	vadd.s32 v13, v25;
	v37 =	vld [tilespmem:s14+$0x9630];
	v27 =	vadd.f32 v27, v18;
	[tilespmem:v28+s22+$0x0] =	vst.idx.msk $0xffff, v26  }
0xb0: {  	v26 =	vadd.f32 v29, v19;
	v28 =	vadd.s32 v14, v25;
	[tilespmem:v30+s22+$0x0] =	vst.idx.msk $0xffff, v24  }
0xb1: {  	v25 =	vadd.s32 v15, v25;
	v24 =	vadd.f32 v31, v20;
	[tilespmem:v32+s22+$0x0] =	vst.idx.msk $0xffff, v27  }
0xb2: {  	v27 =	vadd.f32 v33, v21;
	[tilespmem:v34+s22+$0x0] =	vst.idx.msk $0xffff, v26  }
0xb3: {  	v26 =	vadd.f32 v35, v22;
	[tilespmem:v36+s22+$0x0] =	vst.idx.msk $0xffff, v24  }
0xb4: {  	v24 =	vadd.f32 v37, v23;
	[tilespmem:v38+s22+$0x0] =	vst.idx.msk $0xffff, v27  }
0xb5: {  	[tilespmem:v28+s22+$0x0] =	vst.idx.msk $0xffff, v26  }
0xb6: {  	[tilespmem:v25+s22+$0x0] =	vst.idx.msk $0xffff, v24  }
0xb7: {  	s30 =	simm.s32 $0x1;
	v24 =	vld [tilespmem:s14+$0x7660]  }
0xb8: {  	v25 =	vmov s30;
	v26 =	vld [tilespmem:s14+$0x7640]  }
0xb9: {  	v27 =	vld [tilespmem:s14+$0x7650];
	v28 =	vand.u32 $0x7F, v25  }
0xba: {  	v25 =	vld [tilespmem:s14+$0x7670];
	v29 =	vadd.s32 v8, v28  }
0xbb: {  	v30 =	vld [tilespmem:s14+$0x9640];
	v31 =	vadd.s32 v9, v28  }
0xbc: {  	v32 =	vld [tilespmem:s14+$0x9650];
	v60 =	vadd.s32 v10, v28  }
0xbd: {  	v34 =	vld [tilespmem:s14+$0x9660];
	v61 =	vadd.s32 v11, v28;
	v26 =	vadd.f32 v26, v16  }
0xbe: {  	v36 =	vld [tilespmem:s14+$0x9670];
	v62 =	vadd.s32 v12, v28;
	v27 =	vadd.f32 v27, v17  }
0xbf: {  	v63 =	vadd.f32 v24, v18;
	[tilespmem:v29+s22+$0x0] =	vst.idx.msk $0xffff, v26  }
0xc0: {  	v24 =	vadd.s32 v13, v28;
	v39 =	vadd.f32 v25, v19;
	[tilespmem:v31+s22+$0x0] =	vst.idx.msk $0xffff, v27  }
0xc1: {  	v25 =	vadd.s32 v14, v28;
	v30 =	vadd.f32 v30, v20;
	[tilespmem:v60+s22+$0x0] =	vst.idx.msk $0xffff, v63  }
0xc2: {  	v26 =	vadd.s32 v15, v28;
	v29 =	vadd.f32 v32, v21;
	[tilespmem:v61+s22+$0x0] =	vst.idx.msk $0xffff, v39  }
0xc3: {  	s31 =	simm.s32 $0x200;
	v28 =	vadd.f32 v34, v22;
	v27 =	vadd.f32 v36, v23;
	[tilespmem:v62+s22+$0x0] =	vst.idx.msk $0xffff, v30  }
.LBB2_7:
0xc4: {  	p0 =	sne.s32 s31, $0x7E00  }
0xc5: {  	[tilespmem:v24+s22+$0x0] =	vst.idx.msk $0xffff, v29;
	s30 =	sadd.s32 $0x2, s30;
	s0 =	smov.u32 s31;
	s31 =	sadd.s32 $0x200, s31  }
0xc6: {  	[tilespmem:v25+s22+$0x0] =	vst.idx.msk $0xffff, v28  }
0xc7: {  	s2 =	sadd.s32 $0xFFFFFFFF, s30;
	s0 =	sshra.s32 s0, $0x2;
	[tilespmem:v26+s22+$0x0] =	vst.idx.msk $0xffff, v27  }
0xc8: {  	v24 =	vmov s2;
	v25 =	vld [tilespmem:s0+$0x7610]  }
0xc9: {  	v24 =	vand.u32 $0x7E, v24;
	v26 =	vld [tilespmem:s0+$0x7600]  }
0xca: {  	v28 =	vadd.s32 v8, v24;
	v27 =	vld [tilespmem:s0+$0x7620]  }
0xcb: {  	v30 =	vadd.s32 v9, v24;
	v29 =	vld [tilespmem:s0+$0x7630]  }
0xcc: {  	v32 =	vadd.s32 v10, v24;
	v31 =	vld [tilespmem:s0+$0x9600]  }
0xcd: {  	v34 =	vadd.s32 v11, v24;
	v33 =	vld [tilespmem:s0+$0x9610]  }
0xce: {  	v36 =	vadd.s32 v12, v24;
	v25 =	vadd.f32 v25, v17;
	v26 =	vadd.f32 v26, v16;
	v35 =	vld [tilespmem:s0+$0x9620]  }
0xcf: {  	v38 =	vadd.s32 v13, v24;
	v27 =	vadd.f32 v27, v18;
	v37 =	vld [tilespmem:s0+$0x9630]  }
0xd0: {  	v29 =	vadd.f32 v29, v19;
	[tilespmem:v28+s22+$0x0] =	vst.idx.msk $0xffff, v26;
	v26 =	vadd.s32 v14, v24  }
0xd1: {  	v24 =	vadd.s32 v15, v24;
	v28 =	vadd.f32 v31, v20;
	[tilespmem:v30+s22+$0x0] =	vst.idx.msk $0xffff, v25  }
0xd2: {  	v25 =	vadd.f32 v33, v21;
	[tilespmem:v32+s22+$0x0] =	vst.idx.msk $0xffff, v27  }
0xd3: {  	v27 =	vadd.f32 v35, v22;
	[tilespmem:v34+s22+$0x0] =	vst.idx.msk $0xffff, v29  }
0xd4: {  	v29 =	vadd.f32 v37, v23;
	[tilespmem:v36+s22+$0x0] =	vst.idx.msk $0xffff, v28  }
0xd5: {  	[tilespmem:v38+s22+$0x0] =	vst.idx.msk $0xffff, v25  }
0xd6: {  	[tilespmem:v26+s22+$0x0] =	vst.idx.msk $0xffff, v27  }
0xd7: {  	[tilespmem:v24+s22+$0x0] =	vst.idx.msk $0xffff, v29  }
0xd8: {  	v24 =	vld [tilespmem:s0+$0x7660]  }
0xd9: {  	v25 =	vmov s30;
	v26 =	vld [tilespmem:s0+$0x7640]  }
0xda: {  	v28 =	vand.u32 $0x7F, v25;
	v27 =	vld [tilespmem:s0+$0x7650]  }
0xdb: {  	v29 =	vadd.s32 v8, v28;
	v25 =	vld [tilespmem:s0+$0x7670]  }
0xdc: {  	v31 =	vadd.s32 v9, v28;
	v30 =	vld [tilespmem:s0+$0x9640]  }
0xdd: {  	v33 =	vadd.s32 v10, v28;
	v32 =	vld [tilespmem:s0+$0x9650]  }
0xde: {  	v35 =	vadd.s32 v11, v28;
	v26 =	vadd.f32 v26, v16;
	v34 =	vld [tilespmem:s0+$0x9660]  }
0xdf: {  	v37 =	vadd.s32 v12, v28;
	v27 =	vadd.f32 v27, v17;
	v36 =	vld [tilespmem:s0+$0x9670]  }
.Ltmp2:
0xe0: {  	v38 =	vadd.f32 v24, v18;
	v24 =	vadd.s32 v13, v28;
	[tilespmem:v29+s22+$0x0] =	vst.idx.msk $0xffff, v26;
	(pc) =	sbr.rel @p0 .LBB2_7-.Ltmp2, $4  }
0xe1: {  	v39 =	vadd.f32 v25, v19;
	v25 =	vadd.s32 v14, v28;
	[tilespmem:v31+s22+$0x0] =	vst.idx.msk $0xffff, v27  }
0xe2: {  	v26 =	vadd.s32 v15, v28;
	v30 =	vadd.f32 v30, v20;
	[tilespmem:v33+s22+$0x0] =	vst.idx.msk $0xffff, v38  }
0xe3: {  	v29 =	vadd.f32 v32, v21;
	[tilespmem:v35+s22+$0x0] =	vst.idx.msk $0xffff, v39  }
0xe4: {  	v28 =	vadd.f32 v34, v22;
	v27 =	vadd.f32 v36, v23;
	[tilespmem:v37+s22+$0x0] =	vst.idx.msk $0xffff, v30  }
0xe5: {  	_ =	sdelay $0x2  }
0xe6: {  	s0 =	sshll.u32 s29, $0x12  }
0xe7: {  	[tilespmem:v24+s22+$0x0] =	vst.idx.msk $0xffff, v29;
	s0 =	sor.u32 s11, s0  }
0xe8: {  	[tilespmem:v25+s22+$0x0] =	vst.idx.msk $0xffff, v28;
	s0 =	sshrl.u32 s0, $0x3  }
0xe9: {  	s17 =	simm.s32 $0x17A00;
	[tilespmem:v26+s22+$0x0] =	vst.idx.msk $0xffff, v27;
	s14 =	sadd.s32 s1, s0  }
0xea: {  	[hbm4b:s14+s3] =	stream.linear.scatter [tilespmem:s17], [sflag:$0x6], $0x80, $0x38;
	[tilespmem:$0x1BE00] =	vst v63  }
0xeb: {  	s31 =	simm.s32 $0x17A88;
	s2 =	sadd.s32 $0x10, s14  }
0xec: {  	[hbm4b:s2+s3] =	stream.linear.scatter [tilespmem:s31], [sflag:$0x6], $0x80, $0x38;
	[tilespmem:$0x1BE00] =	vst v63  }
0xed: {  	s17 =	simm.s32 $0x17B10;
	s31 =	sadd.s32 $0x20, s14  }
0xee: {  	[hbm4b:s31+s3] =	stream.linear.scatter [tilespmem:s17], [sflag:$0x6], $0x80, $0x38;
	[tilespmem:$0x1BE00] =	vst v63  }
0xef: {  	s17 =	simm.s32 $0x17B98;
	s31 =	sadd.s32 $0x30, s14  }
0xf0: {  	[hbm4b:s31+s3] =	stream.linear.scatter [tilespmem:s17], [sflag:$0x6], $0x80, $0x38;
	[tilespmem:$0x1BE00] =	vst v63  }
0xf1: {  	s17 =	simm.s32 $0x17C20;
	s31 =	sadd.s32 $0x40, s14  }
0xf2: {  	[hbm4b:s31+s3] =	stream.linear.scatter [tilespmem:s17], [sflag:$0x6], $0x80, $0x38;
	[tilespmem:$0x1BE00] =	vst v63  }
0xf3: {  	s30 =	simm.s32 $0x2200;
	s17 =	simm.s32 $0x17CA8;
	s31 =	sadd.s32 $0x50, s14  }
0xf4: {  	[hbm4b:s31+s3] =	stream.linear.scatter [tilespmem:s17], [sflag:$0x6], $0x80, $0x38;
	[tilespmem:$0x1BE00] =	vst v63  }
0xf5: {  	s0 =	simm.s32 $0x440;
	s17 =	simm.s32 $0x17D30;
	s31 =	sadd.s32 $0x60, s14  }
0xf6: {  	[hbm4b:s31+s3] =	stream.linear.scatter [tilespmem:s17], [sflag:$0x6], $0x80, $0x38;
	[tilespmem:$0x1BE00] =	vst v63  }
0xf7: {  	s29 =	sadd.s32 $0x1000, s14;
	s2 =	simm.s32 $0x17DB8;
	s17 =	sadd.s32 $0x70, s14  }
.LBB2_9:
0xf8: {  	[hbm4b:s17+s3] =	stream.linear.scatter [tilespmem:s2], [sflag:$0x6], $0x80, $0x38;
	[tilespmem:$0x1BE00] =	vst v63  }
0xf9: {  	s2 =	smov.u32 s0;
	s0 =	smov.u32 s30  }
0xfa: {  	s14 =	sadd.s32 $0x1100, s30;
	s0 =	sshra.s32 s0, $0x2;
	s17 =	sadd.s32 $0x17A00, s2  }
0xfb: {  	[hbm4b:s29+s3] =	stream.linear.scatter [tilespmem:s17], [sflag:$0x6], $0x80, $0x38;
	[tilespmem:$0x1BE00] =	vst v63  }
0xfc: {  	p0 =	sne.s32 s30, $0xFF00;
	s30 =	sadd.s32 $0x10, s29;
	s17 =	sadd.s32 $0x17A88, s2  }
0xfd: {  	[hbm4b:s30+s3] =	stream.linear.scatter [tilespmem:s17], [sflag:$0x6], $0x80, $0x38;
	[tilespmem:$0x1BE00] =	vst v63  }
0xfe: {  	s17 =	sadd.s32 $0x17B10, s2;
	s30 =	sadd.s32 $0x20, s29  }
0xff: {  	[hbm4b:s30+s3] =	stream.linear.scatter [tilespmem:s17], [sflag:$0x6], $0x80, $0x38;
	[tilespmem:$0x1BE00] =	vst v63  }
0x100: {  	s17 =	sadd.s32 $0x17B98, s2;
	s30 =	sadd.s32 $0x30, s29  }
0x101: {  	[hbm4b:s30+s3] =	stream.linear.scatter [tilespmem:s17], [sflag:$0x6], $0x80, $0x38;
	[tilespmem:$0x1BE00] =	vst v63  }
0x102: {  	s17 =	sadd.s32 $0x17C20, s2;
	s30 =	sadd.s32 $0x40, s29  }
0x103: {  	[hbm4b:s30+s3] =	stream.linear.scatter [tilespmem:s17], [sflag:$0x6], $0x80, $0x38;
	[tilespmem:$0x1BE00] =	vst v63  }
.Ltmp3:
0x104: {  	s17 =	sadd.s32 $0x17CA8, s2;
	s30 =	sadd.s32 $0x50, s29;
	(pc) =	sbr.rel @p0 .LBB2_9-.Ltmp3, $4  }
0x105: {  	[hbm4b:s30+s3] =	stream.linear.scatter [tilespmem:s17], [sflag:$0x6], $0x80, $0x38;
	[tilespmem:$0x1BE00] =	vst v63  }
0x106: {  	s17 =	sadd.s32 $0x17D30, s2;
	s30 =	sadd.s32 $0x60, s29;
	s2 =	sadd.s32 $0x17DB8, s2  }
0x107: {  	[hbm4b:s30+s3] =	stream.linear.scatter [tilespmem:s17], [sflag:$0x6], $0x80, $0x38;
	[tilespmem:$0x1BE00] =	vst v63  }
0x108: {  	s17 =	sadd.s32 $0x70, s29;
	s29 =	sadd.s32 $0x1000, s29;
	s30 =	smov.u32 s14  }
0x109: {  	[hbm4b:s17+s3] =	stream.linear.scatter [tilespmem:s2], [sflag:$0x6], $0x80, $0x38;
	[tilespmem:$0x1BE00] =	vst v63  }
0x10a: {  	s14 =	sadd.s32 $0x17A00, s0  }
0x10b: {  	[hbm4b:s29+s3] =	stream.linear.scatter [tilespmem:s14], [sflag:$0x6], $0x80, $0x38;
	[tilespmem:$0x1BE00] =	vst v63  }
0x10c: {  	s17 =	sadd.s32 $0x17A88, s0;
	s14 =	sadd.s32 $0x10, s29  }
0x10d: {  	[hbm4b:s14+s3] =	stream.linear.scatter [tilespmem:s17], [sflag:$0x6], $0x80, $0x38;
	[tilespmem:$0x1BE00] =	vst v63  }
0x10e: {  	s14 =	sadd.s32 $0x17B10, s0;
	s17 =	sadd.s32 $0x20, s29  }
0x10f: {  	[hbm4b:s17+s3] =	stream.linear.scatter [tilespmem:s14], [sflag:$0x6], $0x80, $0x38;
	[tilespmem:$0x1BE00] =	vst v63  }
0x110: {  	s14 =	sadd.s32 $0x17B98, s0;
	s17 =	sadd.s32 $0x30, s29  }
0x111: {  	[hbm4b:s17+s3] =	stream.linear.scatter [tilespmem:s14], [sflag:$0x6], $0x80, $0x38;
	[tilespmem:$0x1BE00] =	vst v63  }
0x112: {  	s14 =	sadd.s32 $0x17C20, s0;
	s17 =	sadd.s32 $0x40, s29  }
0x113: {  	[hbm4b:s17+s3] =	stream.linear.scatter [tilespmem:s14], [sflag:$0x6], $0x80, $0x38;
	[tilespmem:$0x1BE00] =	vst v63  }
0x114: {  	s14 =	sadd.s32 $0x17CA8, s0;
	s17 =	sadd.s32 $0x50, s29  }
0x115: {  	[hbm4b:s17+s3] =	stream.linear.scatter [tilespmem:s14], [sflag:$0x6], $0x80, $0x38;
	[tilespmem:$0x1BE00] =	vst v63  }
0x116: {  	p0 =	sne.s32 s26, $0x18;
	s14 =	sadd.s32 $0x17D30, s0;
	s17 =	sadd.s32 $0x60, s29  }
0x117: {  	[hbm4b:s17+s3] =	stream.linear.scatter [tilespmem:s14], [sflag:$0x6], $0x80, $0x38;
	[tilespmem:$0x1BE00] =	vst v63  }
0x118: {  	s2 =	sadd.s32 $0x17DB8, s0;
	s0 =	simm.s32 @p0 $0x3;
	s14 =	sadd.s32 $0x70, s29  }
0x119: {  	[hbm4b:s14+s3] =	stream.linear.scatter [tilespmem:s2], [sflag:$0x6], $0x80, $0x38;
	[tilespmem:$0x1BE00] =	vst v63  }
0x11a: {  	_ =	swait.ge @p0 [sflag:s0], $0x200  }
0x11b: {  	s2 =	simm.s32 @p0 $0x3200;
	[sflag:s0] =	ssyncset.done @p0 $0x0  }
0x11c: {  	s14 =	simm.s32 @p0 $0x3600;
	[sflag:s0] =	ssyncadd.s32 @p0 $0xFFFFFE00;
	s0 =	simm.s32 @p0 $0x200  }
0x11d: {  	[tilespmem:s14], [sflag:$0x1] =	stream.indirect.gather @p0 [hbm4b:s5+s0], $0x40, s2, s0, $0xb8;
	[tilespmem:$0x1BE00] =	vst v63  }
0x11e: {  	s0 =	simm.s32 @p0 $0x2  }
0x11f: {  	s2 =	sshll.u32 @p0 s26, $0xF;
	_ =	swait.ge @p0 [sflag:s0], $0x8000  }
0x120: {  	s2 =	sadd.s32 @p0 s10, s2;
	[sflag:s0] =	ssyncset.done @p0 $0x0  }
0x121: {  	[sflag:s0] =	ssyncadd.s32 @p0 $0xFFFF8000;
	s0 =	sshrl.u32 @p0 s2, $0x3  }
0x122: {  	s14 =	simm.s32 @p0 $0x3400;
	s2 =	simm.s32 @p0 $0x0;
	s0 =	sadd.s32 @p0 s4, s0  }
0x123: {  	[tilespmem:s14], [sflag:$0x4] =	stream.linear.gather @p0 [hbm4b:s0+s2], $0x200, $0x38;
	[tilespmem:$0x1BE00] =	vst v63  }
0x124: {  	s0 =	simm.s32 @!p0 $0x2  }
0x125: {  	_ =	swait.ge @!p0 [sflag:s0], $0x8000  }
0x126: {  	s17 =	sshll.u32 s28, $0x8;
	[sflag:s0] =	ssyncset.done @!p0 $0x0  }
0x127: {  	s14 =	sand.u32 $0x3FFFFF00, s17;
	[sflag:s0] =	ssyncadd.s32 @!p0 $0xFFFF8000  }
0x128: {  	v24 =	vld [tilespmem:s14+$0x0]  }
0x129: {  	v25 =	vld [tilespmem:s14+$0x10]  }
0x12a: {  	v26 =	vld [tilespmem:s14+$0x20]  }
0x12b: {  	v27 =	vld [tilespmem:s14+$0x30]  }
0x12c: {  	s17 =	sshll.u32 s28, $0x2;
	v28 =	vld [tilespmem:s14+$0x40]  }
0x12d: {  	s29 =	sor.u32 $0x2, s17;
	v29 =	vld [tilespmem:s14+$0x50]  }
0x12e: {  	s2 =	sshll.u32 s29, $0x6;
	v30 =	vld [tilespmem:s14+$0x60]  }
0x12f: {  	s2 =	sand.u32 $0x3FFFFF80, s2;
	v31 =	vld [tilespmem:s14+$0x70]  }
0x130: {  	v16 =	vld [tilespmem:s2+$0x0]  }
0x131: {  	v17 =	vld [tilespmem:s2+$0x10]  }
0x132: {  	v18 =	vld [tilespmem:s2+$0x20]  }
0x133: {  	v19 =	vld [tilespmem:s2+$0x30]  }
0x134: {  	v20 =	vld [tilespmem:s14+$0xC0]  }
0x135: {  	v21 =	vld [tilespmem:s14+$0xD0]  }
0x136: {  	v22 =	vld [tilespmem:s14+$0xE0]  }
0x137: {  	v23 =	vld [tilespmem:s14+$0xF0];
	_ =	swait.ge [sflag:s23], $0x4000  }
0x138: {  	[sflag:s23] =	ssyncset.done $0x0  }
0x139: {  	s17 =	simm.s32 $0x0;
	s14 =	simm.s32 $0x0;
	[sflag:s23] =	ssyncadd.s32 $0xFFFFC000  }
0x13a: {  	v33 =	vmov s17;
	v34 =	vld [tilespmem:s14+$0xB600]  }
0x13b: {  	v33 =	vand.u32 $0x7E, v33;
	v32 =	vld [tilespmem:s14+$0xB610]  }
0x13c: {  	v36 =	vadd.s32 v0, v33;
	v35 =	vld [tilespmem:s14+$0xB620]  }
0x13d: {  	v38 =	vadd.s32 v1, v33;
	v37 =	vld [tilespmem:s14+$0xB630]  }
0x13e: {  	v40 =	vadd.s32 v2, v33;
	v39 =	vld [tilespmem:s14+$0xD600]  }
0x13f: {  	v42 =	vadd.s32 v3, v33;
	v41 =	vld [tilespmem:s14+$0xD610];
	v34 =	vadd.f32 v34, v24  }
0x140: {  	v44 =	vadd.s32 v4, v33;
	v43 =	vld [tilespmem:s14+$0xD620];
	v32 =	vadd.f32 v32, v25  }
0x141: {  	v46 =	vadd.s32 v5, v33;
	v45 =	vld [tilespmem:s14+$0xD630];
	v35 =	vadd.f32 v35, v26;
	[tilespmem:v36+s22+$0x0] =	vst.idx.msk $0xffff, v34  }
0x142: {  	v50 =	vadd.s32 v6, v33;
	v49 =	vadd.f32 v37, v27;
	[tilespmem:v38+s22+$0x0] =	vst.idx.msk $0xffff, v32  }
0x143: {  	v33 =	vadd.s32 v7, v33;
	v51 =	vadd.f32 v39, v28;
	[tilespmem:v40+s22+$0x0] =	vst.idx.msk $0xffff, v35  }
0x144: {  	v52 =	vadd.f32 v41, v29;
	[tilespmem:v42+s22+$0x0] =	vst.idx.msk $0xffff, v49  }
0x145: {  	v53 =	vadd.f32 v43, v30;
	[tilespmem:v44+s22+$0x0] =	vst.idx.msk $0xffff, v51  }
0x146: {  	v54 =	vadd.f32 v45, v31;
	[tilespmem:v46+s22+$0x0] =	vst.idx.msk $0xffff, v52  }
0x147: {  	[tilespmem:v50+s22+$0x0] =	vst.idx.msk $0xffff, v53  }
0x148: {  	[tilespmem:v33+s22+$0x0] =	vst.idx.msk $0xffff, v54  }
0x149: {  	s30 =	simm.s32 $0x1;
	v32 =	vld [tilespmem:s14+$0xB660]  }
0x14a: {  	v55 =	vmov s30;
	v34 =	vld [tilespmem:s14+$0xB640]  }
0x14b: {  	v56 =	vand.u32 $0x7F, v55;
	v35 =	vld [tilespmem:s14+$0xB650]  }
0x14c: {  	v58 =	vadd.s32 v0, v56;
	v57 =	vld [tilespmem:s14+$0xB670]  }
0x14d: {  	v59 =	vadd.s32 v1, v56;
	v38 =	vld [tilespmem:s14+$0xD640]  }
0x14e: {  	v60 =	vadd.s32 v2, v56;
	v40 =	vld [tilespmem:s14+$0xD650]  }
0x14f: {  	v61 =	vadd.s32 v3, v56;
	v42 =	vld [tilespmem:s14+$0xD660];
	v34 =	vadd.f32 v34, v24  }
0x150: {  	v62 =	vadd.s32 v4, v56;
	v44 =	vld [tilespmem:s14+$0xD670];
	v35 =	vadd.f32 v35, v25  }
0x151: {  	v63 =	vadd.f32 v32, v26;
	[tilespmem:v58+s22+$0x0] =	vst.idx.msk $0xffff, v34  }
0x152: {  	v32 =	vadd.s32 v5, v56;
	v47 =	vadd.f32 v57, v27;
	[tilespmem:v59+s22+$0x0] =	vst.idx.msk $0xffff, v35  }
0x153: {  	v33 =	vadd.s32 v6, v56;
	v38 =	vadd.f32 v38, v28;
	[tilespmem:v60+s22+$0x0] =	vst.idx.msk $0xffff, v63  }
0x154: {  	v37 =	vadd.f32 v40, v29;
	v34 =	vadd.s32 v7, v56;
	[tilespmem:v61+s22+$0x0] =	vst.idx.msk $0xffff, v47  }
0x155: {  	s31 =	simm.s32 $0x200;
	v36 =	vadd.f32 v42, v30;
	v35 =	vadd.f32 v44, v31;
	[tilespmem:v62+s22+$0x0] =	vst.idx.msk $0xffff, v38  }
.LBB2_11:
0x156: {  	p0 =	sne.s32 s31, $0x7E00  }
0x157: {  	[tilespmem:v32+s22+$0x0] =	vst.idx.msk $0xffff, v37;
	s30 =	sadd.s32 $0x2, s30;
	s0 =	smov.u32 s31;
	s31 =	sadd.s32 $0x200, s31  }
0x158: {  	[tilespmem:v33+s22+$0x0] =	vst.idx.msk $0xffff, v36  }
0x159: {  	s2 =	sadd.s32 $0xFFFFFFFF, s30;
	s0 =	sshra.s32 s0, $0x2;
	[tilespmem:v34+s22+$0x0] =	vst.idx.msk $0xffff, v35  }
0x15a: {  	v32 =	vmov s2;
	v33 =	vld [tilespmem:s0+$0xB610]  }
0x15b: {  	v32 =	vand.u32 $0x7E, v32;
	v34 =	vld [tilespmem:s0+$0xB600]  }
0x15c: {  	v36 =	vadd.s32 v0, v32;
	v35 =	vld [tilespmem:s0+$0xB620]  }
0x15d: {  	v38 =	vadd.s32 v1, v32;
	v37 =	vld [tilespmem:s0+$0xB630]  }
0x15e: {  	v40 =	vadd.s32 v2, v32;
	v39 =	vld [tilespmem:s0+$0xD600]  }
0x15f: {  	v42 =	vadd.s32 v3, v32;
	v41 =	vld [tilespmem:s0+$0xD610]  }
0x160: {  	v44 =	vadd.s32 v4, v32;
	v33 =	vadd.f32 v33, v25;
	v34 =	vadd.f32 v34, v24;
	v43 =	vld [tilespmem:s0+$0xD620]  }
0x161: {  	v46 =	vadd.s32 v5, v32;
	v35 =	vadd.f32 v35, v26;
	v45 =	vld [tilespmem:s0+$0xD630]  }
0x162: {  	v37 =	vadd.f32 v37, v27;
	[tilespmem:v36+s22+$0x0] =	vst.idx.msk $0xffff, v34;
	v34 =	vadd.s32 v6, v32  }
0x163: {  	v32 =	vadd.s32 v7, v32;
	v36 =	vadd.f32 v39, v28;
	[tilespmem:v38+s22+$0x0] =	vst.idx.msk $0xffff, v33  }
0x164: {  	v33 =	vadd.f32 v41, v29;
	[tilespmem:v40+s22+$0x0] =	vst.idx.msk $0xffff, v35  }
0x165: {  	v35 =	vadd.f32 v43, v30;
	[tilespmem:v42+s22+$0x0] =	vst.idx.msk $0xffff, v37  }
0x166: {  	v37 =	vadd.f32 v45, v31;
	[tilespmem:v44+s22+$0x0] =	vst.idx.msk $0xffff, v36  }
0x167: {  	[tilespmem:v46+s22+$0x0] =	vst.idx.msk $0xffff, v33  }
0x168: {  	[tilespmem:v34+s22+$0x0] =	vst.idx.msk $0xffff, v35  }
0x169: {  	[tilespmem:v32+s22+$0x0] =	vst.idx.msk $0xffff, v37  }
0x16a: {  	v32 =	vld [tilespmem:s0+$0xB660]  }
0x16b: {  	v33 =	vmov s30;
	v34 =	vld [tilespmem:s0+$0xB640]  }
0x16c: {  	v36 =	vand.u32 $0x7F, v33;
	v35 =	vld [tilespmem:s0+$0xB650]  }
0x16d: {  	v37 =	vadd.s32 v0, v36;
	v33 =	vld [tilespmem:s0+$0xB670]  }
0x16e: {  	v39 =	vadd.s32 v1, v36;
	v38 =	vld [tilespmem:s0+$0xD640]  }
0x16f: {  	v41 =	vadd.s32 v2, v36;
	v40 =	vld [tilespmem:s0+$0xD650]  }
0x170: {  	v43 =	vadd.s32 v3, v36;
	v34 =	vadd.f32 v34, v24;
	v42 =	vld [tilespmem:s0+$0xD660]  }
0x171: {  	v45 =	vadd.s32 v4, v36;
	v35 =	vadd.f32 v35, v25;
	v44 =	vld [tilespmem:s0+$0xD670]  }
.Ltmp4:
0x172: {  	v46 =	vadd.f32 v32, v26;
	v32 =	vadd.s32 v5, v36;
	[tilespmem:v37+s22+$0x0] =	vst.idx.msk $0xffff, v34;
	(pc) =	sbr.rel @p0 .LBB2_11-.Ltmp4, $4  }
0x173: {  	v47 =	vadd.f32 v33, v27;
	v33 =	vadd.s32 v6, v36;
	[tilespmem:v39+s22+$0x0] =	vst.idx.msk $0xffff, v35  }
0x174: {  	v34 =	vadd.s32 v7, v36;
	v38 =	vadd.f32 v38, v28;
	[tilespmem:v41+s22+$0x0] =	vst.idx.msk $0xffff, v46  }
0x175: {  	v37 =	vadd.f32 v40, v29;
	[tilespmem:v43+s22+$0x0] =	vst.idx.msk $0xffff, v47  }
0x176: {  	v36 =	vadd.f32 v42, v30;
	v35 =	vadd.f32 v44, v31;
	[tilespmem:v45+s22+$0x0] =	vst.idx.msk $0xffff, v38  }
0x177: {  	_ =	sdelay $0x2  }
0x178: {  	s0 =	sshll.u32 s28, $0x14  }
0x179: {  	[tilespmem:v32+s22+$0x0] =	vst.idx.msk $0xffff, v37;
	s0 =	sor.u32 s11, s0  }
0x17a: {  	[tilespmem:v33+s22+$0x0] =	vst.idx.msk $0xffff, v36;
	s0 =	sshrl.u32 s0, $0x3  }
0x17b: {  	s17 =	simm.s32 $0x13600;
	[tilespmem:v34+s22+$0x0] =	vst.idx.msk $0xffff, v35;
	s14 =	sadd.s32 s1, s0  }
0x17c: {  	[hbm4b:s14+s3] =	stream.linear.scatter [tilespmem:s17], [sflag:$0x5], $0x80, $0x38;
	[tilespmem:$0x1BE00] =	vst v63  }
0x17d: {  	s31 =	simm.s32 $0x13688;
	s2 =	sadd.s32 $0x10, s14  }
0x17e: {  	[hbm4b:s2+s3] =	stream.linear.scatter [tilespmem:s31], [sflag:$0x5], $0x80, $0x38;
	[tilespmem:$0x1BE00] =	vst v63  }
0x17f: {  	s17 =	simm.s32 $0x13710;
	s31 =	sadd.s32 $0x20, s14  }
0x180: {  	[hbm4b:s31+s3] =	stream.linear.scatter [tilespmem:s17], [sflag:$0x5], $0x80, $0x38;
	[tilespmem:$0x1BE00] =	vst v63  }
0x181: {  	s17 =	simm.s32 $0x13798;
	s31 =	sadd.s32 $0x30, s14  }
0x182: {  	[hbm4b:s31+s3] =	stream.linear.scatter [tilespmem:s17], [sflag:$0x5], $0x80, $0x38;
	[tilespmem:$0x1BE00] =	vst v63  }
0x183: {  	s17 =	simm.s32 $0x13820;
	s31 =	sadd.s32 $0x40, s14  }
0x184: {  	[hbm4b:s31+s3] =	stream.linear.scatter [tilespmem:s17], [sflag:$0x5], $0x80, $0x38;
	[tilespmem:$0x1BE00] =	vst v63  }
0x185: {  	s30 =	simm.s32 $0x2200;
	s17 =	simm.s32 $0x138A8;
	s31 =	sadd.s32 $0x50, s14  }
0x186: {  	[hbm4b:s31+s3] =	stream.linear.scatter [tilespmem:s17], [sflag:$0x5], $0x80, $0x38;
	[tilespmem:$0x1BE00] =	vst v63  }
0x187: {  	s0 =	simm.s32 $0x440;
	s17 =	simm.s32 $0x13930;
	s31 =	sadd.s32 $0x60, s14  }
0x188: {  	[hbm4b:s31+s3] =	stream.linear.scatter [tilespmem:s17], [sflag:$0x5], $0x80, $0x38;
	[tilespmem:$0x1BE00] =	vst v63  }
0x189: {  	s28 =	sadd.s32 $0x1000, s14;
	s2 =	simm.s32 $0x139B8;
	s17 =	sadd.s32 $0x70, s14  }
.LBB2_13:
0x18a: {  	[hbm4b:s17+s3] =	stream.linear.scatter [tilespmem:s2], [sflag:$0x5], $0x80, $0x38;
	[tilespmem:$0x1BE00] =	vst v63  }
0x18b: {  	s2 =	smov.u32 s0;
	s0 =	smov.u32 s30  }
0x18c: {  	s14 =	sadd.s32 $0x1100, s30;
	s0 =	sshra.s32 s0, $0x2;
	s17 =	sadd.s32 $0x13600, s2  }
0x18d: {  	[hbm4b:s28+s3] =	stream.linear.scatter [tilespmem:s17], [sflag:$0x5], $0x80, $0x38;
	[tilespmem:$0x1BE00] =	vst v63  }
0x18e: {  	p0 =	sne.s32 s30, $0xFF00;
	s30 =	sadd.s32 $0x10, s28;
	s17 =	sadd.s32 $0x13688, s2  }
0x18f: {  	[hbm4b:s30+s3] =	stream.linear.scatter [tilespmem:s17], [sflag:$0x5], $0x80, $0x38;
	[tilespmem:$0x1BE00] =	vst v63  }
0x190: {  	s17 =	sadd.s32 $0x13710, s2;
	s30 =	sadd.s32 $0x20, s28  }
0x191: {  	[hbm4b:s30+s3] =	stream.linear.scatter [tilespmem:s17], [sflag:$0x5], $0x80, $0x38;
	[tilespmem:$0x1BE00] =	vst v63  }
0x192: {  	s17 =	sadd.s32 $0x13798, s2;
	s30 =	sadd.s32 $0x30, s28  }
0x193: {  	[hbm4b:s30+s3] =	stream.linear.scatter [tilespmem:s17], [sflag:$0x5], $0x80, $0x38;
	[tilespmem:$0x1BE00] =	vst v63  }
0x194: {  	s17 =	sadd.s32 $0x13820, s2;
	s30 =	sadd.s32 $0x40, s28  }
0x195: {  	[hbm4b:s30+s3] =	stream.linear.scatter [tilespmem:s17], [sflag:$0x5], $0x80, $0x38;
	[tilespmem:$0x1BE00] =	vst v63  }
.Ltmp5:
0x196: {  	s17 =	sadd.s32 $0x138A8, s2;
	s30 =	sadd.s32 $0x50, s28;
	(pc) =	sbr.rel @p0 .LBB2_13-.Ltmp5, $4  }
0x197: {  	[hbm4b:s30+s3] =	stream.linear.scatter [tilespmem:s17], [sflag:$0x5], $0x80, $0x38;
	[tilespmem:$0x1BE00] =	vst v63  }
0x198: {  	s17 =	sadd.s32 $0x13930, s2;
	s30 =	sadd.s32 $0x60, s28;
	s2 =	sadd.s32 $0x139B8, s2  }
0x199: {  	[hbm4b:s30+s3] =	stream.linear.scatter [tilespmem:s17], [sflag:$0x5], $0x80, $0x38;
	[tilespmem:$0x1BE00] =	vst v63  }
0x19a: {  	s17 =	sadd.s32 $0x70, s28;
	s28 =	sadd.s32 $0x1000, s28;
	s30 =	smov.u32 s14  }
0x19b: {  	[hbm4b:s17+s3] =	stream.linear.scatter [tilespmem:s2], [sflag:$0x5], $0x80, $0x38;
	[tilespmem:$0x1BE00] =	vst v63  }
0x19c: {  	s17 =	sadd.s32 $0x13600, s0  }
0x19d: {  	[hbm4b:s28+s3] =	stream.linear.scatter [tilespmem:s17], [sflag:$0x5], $0x80, $0x38;
	[tilespmem:$0x1BE00] =	vst v63  }
0x19e: {  	s31 =	sadd.s32 $0x13688, s0;
	s14 =	sadd.s32 $0x10, s28  }
0x19f: {  	[hbm4b:s14+s3] =	stream.linear.scatter [tilespmem:s31], [sflag:$0x5], $0x80, $0x38;
	[tilespmem:$0x1BE00] =	vst v63  }
0x1a0: {  	s17 =	sadd.s32 $0x13710, s0;
	s31 =	sadd.s32 $0x20, s28  }
0x1a1: {  	[hbm4b:s31+s3] =	stream.linear.scatter [tilespmem:s17], [sflag:$0x5], $0x80, $0x38;
	[tilespmem:$0x1BE00] =	vst v63  }
0x1a2: {  	s17 =	sadd.s32 $0x13798, s0;
	s31 =	sadd.s32 $0x30, s28  }
0x1a3: {  	[hbm4b:s31+s3] =	stream.linear.scatter [tilespmem:s17], [sflag:$0x5], $0x80, $0x38;
	[tilespmem:$0x1BE00] =	vst v63  }
0x1a4: {  	s17 =	sadd.s32 $0x13820, s0;
	s31 =	sadd.s32 $0x40, s28  }
0x1a5: {  	[hbm4b:s31+s3] =	stream.linear.scatter [tilespmem:s17], [sflag:$0x5], $0x80, $0x38;
	[tilespmem:$0x1BE00] =	vst v63  }
0x1a6: {  	s17 =	sadd.s32 $0x138A8, s0;
	s31 =	sadd.s32 $0x50, s28  }
0x1a7: {  	[hbm4b:s31+s3] =	stream.linear.scatter [tilespmem:s17], [sflag:$0x5], $0x80, $0x38;
	[tilespmem:$0x1BE00] =	vst v63  }
0x1a8: {  	s17 =	sadd.s32 $0x13930, s0;
	s31 =	sadd.s32 $0x60, s28  }
0x1a9: {  	[hbm4b:s31+s3] =	stream.linear.scatter [tilespmem:s17], [sflag:$0x5], $0x80, $0x38;
	[tilespmem:$0x1BE00] =	vst v63  }
0x1aa: {  	s2 =	sadd.s32 $0x139B8, s0;
	s14 =	sadd.s32 $0x70, s28  }
0x1ab: {  	[hbm4b:s14+s3] =	stream.linear.scatter [tilespmem:s2], [sflag:$0x5], $0x80, $0x38;
	[tilespmem:$0x1BE00] =	vst v63  }
0x1ac: {  	_ =	swait.ge [sflag:s24], $0x4000  }
0x1ad: {  	[sflag:s24] =	ssyncset.done $0x0  }
0x1ae: {  	s17 =	simm.s32 $0x0;
	s31 =	simm.s32 $0x0;
	[sflag:s24] =	ssyncadd.s32 $0xFFFFC000  }
0x1af: {  	v25 =	vmov s31;
	v26 =	vld [tilespmem:s17+$0xF600]  }
0x1b0: {  	v25 =	vand.u32 $0x7E, v25;
	v24 =	vld [tilespmem:s17+$0xF610]  }
0x1b1: {  	v28 =	vadd.s32 v8, v25;
	v27 =	vld [tilespmem:s17+$0xF620]  }
0x1b2: {  	v30 =	vadd.s32 v9, v25;
	v29 =	vld [tilespmem:s17+$0xF630]  }
0x1b3: {  	v32 =	vadd.s32 v10, v25;
	v31 =	vld [tilespmem:s17+$0x11600]  }
0x1b4: {  	v34 =	vadd.s32 v11, v25;
	v33 =	vld [tilespmem:s17+$0x11610];
	v26 =	vadd.f32 v26, v16  }
0x1b5: {  	v36 =	vadd.s32 v12, v25;
	v35 =	vld [tilespmem:s17+$0x11620];
	v24 =	vadd.f32 v24, v17  }
0x1b6: {  	v38 =	vadd.s32 v13, v25;
	v37 =	vld [tilespmem:s17+$0x11630];
	v27 =	vadd.f32 v27, v18;
	[tilespmem:v28+s22+$0x0] =	vst.idx.msk $0xffff, v26  }
0x1b7: {  	v26 =	vadd.f32 v29, v19;
	v28 =	vadd.s32 v14, v25;
	[tilespmem:v30+s22+$0x0] =	vst.idx.msk $0xffff, v24  }
0x1b8: {  	v25 =	vadd.s32 v15, v25;
	v24 =	vadd.f32 v31, v20;
	[tilespmem:v32+s22+$0x0] =	vst.idx.msk $0xffff, v27  }
0x1b9: {  	v27 =	vadd.f32 v33, v21;
	[tilespmem:v34+s22+$0x0] =	vst.idx.msk $0xffff, v26  }
0x1ba: {  	v26 =	vadd.f32 v35, v22;
	[tilespmem:v36+s22+$0x0] =	vst.idx.msk $0xffff, v24  }
0x1bb: {  	v24 =	vadd.f32 v37, v23;
	[tilespmem:v38+s22+$0x0] =	vst.idx.msk $0xffff, v27  }
0x1bc: {  	[tilespmem:v28+s22+$0x0] =	vst.idx.msk $0xffff, v26  }
0x1bd: {  	[tilespmem:v25+s22+$0x0] =	vst.idx.msk $0xffff, v24  }
0x1be: {  	s28 =	simm.s32 $0x1;
	v24 =	vld [tilespmem:s17+$0xF660]  }
0x1bf: {  	v25 =	vmov s28;
	v26 =	vld [tilespmem:s17+$0xF640]  }
0x1c0: {  	v27 =	vld [tilespmem:s17+$0xF650];
	v28 =	vand.u32 $0x7F, v25  }
0x1c1: {  	v25 =	vld [tilespmem:s17+$0xF670];
	v29 =	vadd.s32 v8, v28  }
0x1c2: {  	v30 =	vld [tilespmem:s17+$0x11640];
	v31 =	vadd.s32 v9, v28  }
0x1c3: {  	v32 =	vld [tilespmem:s17+$0x11650];
	v60 =	vadd.s32 v10, v28  }
0x1c4: {  	v34 =	vld [tilespmem:s17+$0x11660];
	v61 =	vadd.s32 v11, v28;
	v26 =	vadd.f32 v26, v16  }
0x1c5: {  	v36 =	vld [tilespmem:s17+$0x11670];
	v62 =	vadd.s32 v12, v28;
	v27 =	vadd.f32 v27, v17  }
0x1c6: {  	v63 =	vadd.f32 v24, v18;
	[tilespmem:v29+s22+$0x0] =	vst.idx.msk $0xffff, v26  }
0x1c7: {  	v24 =	vadd.s32 v13, v28;
	v39 =	vadd.f32 v25, v19;
	[tilespmem:v31+s22+$0x0] =	vst.idx.msk $0xffff, v27  }
0x1c8: {  	v25 =	vadd.s32 v14, v28;
	v30 =	vadd.f32 v30, v20;
	[tilespmem:v60+s22+$0x0] =	vst.idx.msk $0xffff, v63  }
0x1c9: {  	v26 =	vadd.s32 v15, v28;
	v29 =	vadd.f32 v32, v21;
	[tilespmem:v61+s22+$0x0] =	vst.idx.msk $0xffff, v39  }
0x1ca: {  	s30 =	simm.s32 $0x200;
	v28 =	vadd.f32 v34, v22;
	v27 =	vadd.f32 v36, v23;
	[tilespmem:v62+s22+$0x0] =	vst.idx.msk $0xffff, v30  }
.LBB2_15:
0x1cb: {  	p0 =	sne.s32 s30, $0x7E00  }
0x1cc: {  	[tilespmem:v24+s22+$0x0] =	vst.idx.msk $0xffff, v29;
	s28 =	sadd.s32 $0x2, s28;
	s0 =	smov.u32 s30;
	s30 =	sadd.s32 $0x200, s30  }
0x1cd: {  	[tilespmem:v25+s22+$0x0] =	vst.idx.msk $0xffff, v28  }
0x1ce: {  	s2 =	sadd.s32 $0xFFFFFFFF, s28;
	s0 =	sshra.s32 s0, $0x2;
	[tilespmem:v26+s22+$0x0] =	vst.idx.msk $0xffff, v27  }
0x1cf: {  	v24 =	vmov s2;
	v25 =	vld [tilespmem:s0+$0xF610]  }
0x1d0: {  	v24 =	vand.u32 $0x7E, v24;
	v26 =	vld [tilespmem:s0+$0xF600]  }
0x1d1: {  	v28 =	vadd.s32 v8, v24;
	v27 =	vld [tilespmem:s0+$0xF620]  }
0x1d2: {  	v30 =	vadd.s32 v9, v24;
	v29 =	vld [tilespmem:s0+$0xF630]  }
0x1d3: {  	v32 =	vadd.s32 v10, v24;
	v31 =	vld [tilespmem:s0+$0x11600]  }
0x1d4: {  	v34 =	vadd.s32 v11, v24;
	v33 =	vld [tilespmem:s0+$0x11610]  }
0x1d5: {  	v36 =	vadd.s32 v12, v24;
	v25 =	vadd.f32 v25, v17;
	v26 =	vadd.f32 v26, v16;
	v35 =	vld [tilespmem:s0+$0x11620]  }
0x1d6: {  	v38 =	vadd.s32 v13, v24;
	v27 =	vadd.f32 v27, v18;
	v37 =	vld [tilespmem:s0+$0x11630]  }
0x1d7: {  	v29 =	vadd.f32 v29, v19;
	[tilespmem:v28+s22+$0x0] =	vst.idx.msk $0xffff, v26;
	v26 =	vadd.s32 v14, v24  }
0x1d8: {  	v24 =	vadd.s32 v15, v24;
	v28 =	vadd.f32 v31, v20;
	[tilespmem:v30+s22+$0x0] =	vst.idx.msk $0xffff, v25  }
0x1d9: {  	v25 =	vadd.f32 v33, v21;
	[tilespmem:v32+s22+$0x0] =	vst.idx.msk $0xffff, v27  }
0x1da: {  	v27 =	vadd.f32 v35, v22;
	[tilespmem:v34+s22+$0x0] =	vst.idx.msk $0xffff, v29  }
0x1db: {  	v29 =	vadd.f32 v37, v23;
	[tilespmem:v36+s22+$0x0] =	vst.idx.msk $0xffff, v28  }
0x1dc: {  	[tilespmem:v38+s22+$0x0] =	vst.idx.msk $0xffff, v25  }
0x1dd: {  	[tilespmem:v26+s22+$0x0] =	vst.idx.msk $0xffff, v27  }
0x1de: {  	[tilespmem:v24+s22+$0x0] =	vst.idx.msk $0xffff, v29  }
0x1df: {  	v24 =	vld [tilespmem:s0+$0xF660]  }
0x1e0: {  	v25 =	vmov s28;
	v26 =	vld [tilespmem:s0+$0xF640]  }
0x1e1: {  	v28 =	vand.u32 $0x7F, v25;
	v27 =	vld [tilespmem:s0+$0xF650]  }
0x1e2: {  	v29 =	vadd.s32 v8, v28;
	v25 =	vld [tilespmem:s0+$0xF670]  }
0x1e3: {  	v31 =	vadd.s32 v9, v28;
	v30 =	vld [tilespmem:s0+$0x11640]  }
0x1e4: {  	v33 =	vadd.s32 v10, v28;
	v32 =	vld [tilespmem:s0+$0x11650]  }
0x1e5: {  	v35 =	vadd.s32 v11, v28;
	v26 =	vadd.f32 v26, v16;
	v34 =	vld [tilespmem:s0+$0x11660]  }
0x1e6: {  	v37 =	vadd.s32 v12, v28;
	v27 =	vadd.f32 v27, v17;
	v36 =	vld [tilespmem:s0+$0x11670]  }
.Ltmp6:
0x1e7: {  	v38 =	vadd.f32 v24, v18;
	v24 =	vadd.s32 v13, v28;
	[tilespmem:v29+s22+$0x0] =	vst.idx.msk $0xffff, v26;
	(pc) =	sbr.rel @p0 .LBB2_15-.Ltmp6, $4  }
0x1e8: {  	v39 =	vadd.f32 v25, v19;
	v25 =	vadd.s32 v14, v28;
	[tilespmem:v31+s22+$0x0] =	vst.idx.msk $0xffff, v27  }
0x1e9: {  	v26 =	vadd.s32 v15, v28;
	v30 =	vadd.f32 v30, v20;
	[tilespmem:v33+s22+$0x0] =	vst.idx.msk $0xffff, v38  }
0x1ea: {  	v29 =	vadd.f32 v32, v21;
	[tilespmem:v35+s22+$0x0] =	vst.idx.msk $0xffff, v39  }
0x1eb: {  	v28 =	vadd.f32 v34, v22;
	v27 =	vadd.f32 v36, v23;
	[tilespmem:v37+s22+$0x0] =	vst.idx.msk $0xffff, v30  }
0x1ec: {  	_ =	sdelay $0x2  }
0x1ed: {  	s0 =	sshll.u32 s29, $0x12  }
0x1ee: {  	[tilespmem:v24+s22+$0x0] =	vst.idx.msk $0xffff, v29;
	s0 =	sor.u32 s11, s0  }
0x1ef: {  	[tilespmem:v25+s22+$0x0] =	vst.idx.msk $0xffff, v28;
	s0 =	sshrl.u32 s0, $0x3  }
0x1f0: {  	s2 =	simm.s32 $0x17A00;
	[tilespmem:v26+s22+$0x0] =	vst.idx.msk $0xffff, v27;
	s14 =	sadd.s32 s1, s0  }
0x1f1: {  	[hbm4b:s14+s3] =	stream.linear.scatter [tilespmem:s2], [sflag:$0x6], $0x80, $0x38;
	[tilespmem:$0x1BE00] =	vst v63  }
0x1f2: {  	s17 =	simm.s32 $0x17A88;
	s2 =	sadd.s32 $0x10, s14  }
0x1f3: {  	[hbm4b:s2+s3] =	stream.linear.scatter [tilespmem:s17], [sflag:$0x6], $0x80, $0x38;
	[tilespmem:$0x1BE00] =	vst v63  }
0x1f4: {  	s30 =	simm.s32 $0x17B10;
	s29 =	simm.s32 $0x2200;
	s31 =	sadd.s32 $0x20, s14  }
0x1f5: {  	[hbm4b:s31+s3] =	stream.linear.scatter [tilespmem:s30], [sflag:$0x6], $0x80, $0x38;
	[tilespmem:$0x1BE00] =	vst v63  }
0x1f6: {  	s0 =	simm.s32 $0x440;
	s2 =	simm.s32 $0x17B98;
	s17 =	sadd.s32 $0x30, s14  }
0x1f7: {  	[hbm4b:s17+s3] =	stream.linear.scatter [tilespmem:s2], [sflag:$0x6], $0x80, $0x38;
	[tilespmem:$0x1BE00] =	vst v63  }
0x1f8: {  	s28 =	sadd.s32 $0x1000, s14;
	s30 =	simm.s32 $0x17C20;
	s31 =	sadd.s32 $0x40, s14  }
0x1f9: {  	[hbm4b:s31+s3] =	stream.linear.scatter [tilespmem:s30], [sflag:$0x6], $0x80, $0x38;
	[tilespmem:$0x1BE00] =	vst v63  }
0x1fa: {  	s2 =	simm.s32 $0x17CA8;
	s17 =	sadd.s32 $0x50, s14;
	s30 =	simm.s32 $0x17D30  }
0x1fb: {  	[hbm4b:s17+s3] =	stream.linear.scatter [tilespmem:s2], [sflag:$0x6], $0x80, $0x38;
	[tilespmem:$0x1BE00] =	vst v63  }
0x1fc: {  	s31 =	sadd.s32 $0x60, s14;
	s2 =	simm.s32 $0x17DB8;
	s17 =	sadd.s32 $0x70, s14  }
0x1fd: {  	[hbm4b:s31+s3] =	stream.linear.scatter [tilespmem:s30], [sflag:$0x6], $0x80, $0x38;
	[tilespmem:$0x1BE00] =	vst v63  }
.LBB2_17:
0x1fe: {  	[hbm4b:s17+s3] =	stream.linear.scatter [tilespmem:s2], [sflag:$0x6], $0x80, $0x38;
	[tilespmem:$0x1BE00] =	vst v63  }
0x1ff: {  	s2 =	smov.u32 s0;
	s0 =	smov.u32 s29  }
0x200: {  	s14 =	sadd.s32 $0x1100, s29;
	s0 =	sshra.s32 s0, $0x2;
	s17 =	sadd.s32 $0x17A00, s2  }
0x201: {  	[hbm4b:s28+s3] =	stream.linear.scatter [tilespmem:s17], [sflag:$0x6], $0x80, $0x38;
	[tilespmem:$0x1BE00] =	vst v63  }
0x202: {  	p0 =	sne.s32 s29, $0xFF00;
	s29 =	sadd.s32 $0x10, s28;
	s17 =	sadd.s32 $0x17A88, s2  }
0x203: {  	[hbm4b:s29+s3] =	stream.linear.scatter [tilespmem:s17], [sflag:$0x6], $0x80, $0x38;
	[tilespmem:$0x1BE00] =	vst v63  }
0x204: {  	s17 =	sadd.s32 $0x17B10, s2;
	s29 =	sadd.s32 $0x20, s28  }
0x205: {  	[hbm4b:s29+s3] =	stream.linear.scatter [tilespmem:s17], [sflag:$0x6], $0x80, $0x38;
	[tilespmem:$0x1BE00] =	vst v63  }
0x206: {  	s17 =	sadd.s32 $0x17B98, s2;
	s29 =	sadd.s32 $0x30, s28  }
0x207: {  	[hbm4b:s29+s3] =	stream.linear.scatter [tilespmem:s17], [sflag:$0x6], $0x80, $0x38;
	[tilespmem:$0x1BE00] =	vst v63  }
0x208: {  	s17 =	sadd.s32 $0x17C20, s2;
	s29 =	sadd.s32 $0x40, s28  }
0x209: {  	[hbm4b:s29+s3] =	stream.linear.scatter [tilespmem:s17], [sflag:$0x6], $0x80, $0x38;
	[tilespmem:$0x1BE00] =	vst v63  }
.Ltmp7:
0x20a: {  	s17 =	sadd.s32 $0x17CA8, s2;
	s29 =	sadd.s32 $0x50, s28;
	(pc) =	sbr.rel @p0 .LBB2_17-.Ltmp7, $4  }
0x20b: {  	[hbm4b:s29+s3] =	stream.linear.scatter [tilespmem:s17], [sflag:$0x6], $0x80, $0x38;
	[tilespmem:$0x1BE00] =	vst v63  }
0x20c: {  	s17 =	sadd.s32 $0x17D30, s2;
	s29 =	sadd.s32 $0x60, s28;
	s2 =	sadd.s32 $0x17DB8, s2  }
0x20d: {  	[hbm4b:s29+s3] =	stream.linear.scatter [tilespmem:s17], [sflag:$0x6], $0x80, $0x38;
	[tilespmem:$0x1BE00] =	vst v63  }
0x20e: {  	s17 =	sadd.s32 $0x70, s28;
	s28 =	sadd.s32 $0x1000, s28;
	s29 =	smov.u32 s14  }
0x20f: {  	[hbm4b:s17+s3] =	stream.linear.scatter [tilespmem:s2], [sflag:$0x6], $0x80, $0x38;
	[tilespmem:$0x1BE00] =	vst v63  }
0x210: {  	s30 =	sadd.s32 $0x17A00, s0  }
0x211: {  	[hbm4b:s28+s3] =	stream.linear.scatter [tilespmem:s30], [sflag:$0x6], $0x80, $0x38;
	[tilespmem:$0x1BE00] =	vst v63  }
0x212: {  	s31 =	sadd.s32 $0x17A88, s0;
	s14 =	sadd.s32 $0x10, s28  }
0x213: {  	[hbm4b:s14+s3] =	stream.linear.scatter [tilespmem:s31], [sflag:$0x6], $0x80, $0x38;
	[tilespmem:$0x1BE00] =	vst v63  }
0x214: {  	s17 =	sadd.s32 $0x17B10, s0;
	s29 =	sadd.s32 $0x20, s28  }
0x215: {  	[hbm4b:s29+s3] =	stream.linear.scatter [tilespmem:s17], [sflag:$0x6], $0x80, $0x38;
	[tilespmem:$0x1BE00] =	vst v63  }
0x216: {  	s30 =	sadd.s32 $0x17B98, s0;
	s31 =	sadd.s32 $0x30, s28  }
0x217: {  	[hbm4b:s31+s3] =	stream.linear.scatter [tilespmem:s30], [sflag:$0x6], $0x80, $0x38;
	[tilespmem:$0x1BE00] =	vst v63  }
0x218: {  	s26 =	sadd.s32 $0x1, s26;
	s17 =	sadd.s32 $0x17C20, s0;
	s29 =	sadd.s32 $0x40, s28  }
0x219: {  	[hbm4b:s29+s3] =	stream.linear.scatter [tilespmem:s17], [sflag:$0x6], $0x80, $0x38;
	[tilespmem:$0x1BE00] =	vst v63  }
0x21a: {  	p0 =	sne.s32 s26, $0x19;
	s30 =	sadd.s32 $0x17CA8, s0;
	s31 =	sadd.s32 $0x50, s28  }
0x21b: {  	[hbm4b:s31+s3] =	stream.linear.scatter [tilespmem:s30], [sflag:$0x6], $0x80, $0x38;
	[tilespmem:$0x1BE00] =	vst v63  }
.Ltmp8:
0x21c: {  	_ = 	snop;
	(pc) =	sbr.rel @p0 .LBB2_2-.Ltmp8, $4  }
0x21d: {  	s17 =	sadd.s32 $0x17D30, s0;
	s29 =	sadd.s32 $0x60, s28  }
0x21e: {  	[hbm4b:s29+s3] =	stream.linear.scatter [tilespmem:s17], [sflag:$0x6], $0x80, $0x38;
	[tilespmem:$0x1BE00] =	vst v63  }
0x21f: {  	s30 =	sadd.s32 $0x17DB8, s0;
	s31 =	sadd.s32 $0x70, s28  }
0x220: {  	[hbm4b:s31+s3] =	stream.linear.scatter [tilespmem:s30], [sflag:$0x6], $0x80, $0x38;
	[tilespmem:$0x1BE00] =	vst v63  }
0x221: {  	s25 =	sadd.s32 $0x1, s25  }
0x222: {  	_ =	swait.ge [sflag:s23], $0x4000;
	p0 =	sne.s32 s25, s12  }
.Ltmp9:
0x223: {  	[sflag:s23] =	ssyncset.done $0x0;
	(pc) =	sbr.rel @p0 .LBB2_1-.Ltmp9, $4  }
0x224: {  	[sflag:s23] =	ssyncadd.s32 $0xFFFFC000  }
0x225: {  	_ =	swait.ge [sflag:s24], $0x4000  }
0x226: {  	[sflag:s24] =	ssyncset.done $0x0  }
0x227: {  	[sflag:s24] =	ssyncadd.s32 $0xFFFFC000  }
0x228: {  	_ =	sfence.sel $0x180000  }
0x229: {  	[bflag:$0x0] =	sbarrier.arrive $0xFFFF  }
0x22a: {  	_ =	strace $0x90000047  }
0x22b: {  	s0 =	stileid.u32;
	[bflag:$0x2] =	sbarrier.arrive $0xFFFF  }
0x22c: {  	p0 =	sne.s32 s0, $0x0;
	s0 =	rddreg [dreg:$0x2]  }
0x22d: {  	s0 =	sadd.s32 @!p0 $0x100000, s0  }
0x22e: {  	[sflag:s0] =	ssyncadd.tile.s32 @!p0 $0x1;
	_ =	shalt  }
.Lfunc_end2:
_tile_overlayer_lowered:
.L_overlay_start_2:
0x22f: {  	(tag) =	ssettag $0x2  }
0x230: {  	s0 =	rddreg [dreg:$0x0];
	s2 =	stileid.u32  }
0x231: {  	s1 =	rddreg [dreg:$0x1];
	p0 =	sne.s32 s2, $0x0  }
0x232: {  	s3 =	rddreg [dreg:$0x2];
	[bflag:$0x3] =	sbarrier.arrive $0xFFFF;
	s2 =	simm.s32 @!p0 $0x1C07  }
0x233: {  	[timem:s3], [sflag:s2] =	dma.local @!p0 [hbm:s0], s1  }
0x234: {  	s0 =	simm.s32 @!p0 $0x7  }
0x235: {  	_ =	swait.ge @!p0 [sflag:s0], s1  }
0x236: {  	s1 =	ssub.s32 @!p0 $0x0, s1;
	[sflag:s0] =	ssyncset.done @!p0 $0x0  }
0x237: {  	[sflag:s0] =	ssyncadd.s32 @!p0 s1  }
0x238: {  	[bflag:$0x3] =	sbarrier.arrive $0xFFFF  }
0x239: {  	_ =	shalt  }

</sc_bundles>
